<compile_context>
chip_gen: v7x
topology: tpu7x:2x2x1
jax: 0.10.2.dev20260603
libtpu: 0.0.44.dev20260713+nightly
codegen_flags: <defaults>
</compile_context>

<pallas_src>
import functools

import jax
import jax.numpy as jnp
from jax import lax
from jax.experimental import pallas as pl
from jax.experimental.pallas import tpu as pltpu
from jax.experimental.pallas import tpu_sc as plsc

Q, K, D = 784, 100000, 128
KNN = 10
KB = 1024
KPAD = 102400
NBLK = KPAD // KB
NSLOT = 16
QK = Q * KNN
BPAD = 7936
INTMAX = 2**31 - 1


def _b16(v):
    u = lax.bitcast_convert_type(v, jnp.uint32)
    u = u + jnp.uint32(0x7FFF) + ((u >> jnp.uint32(16)) & jnp.uint32(1))
    u = u & jnp.uint32(0xFFFF0000)
    return lax.bitcast_convert_type(u, jnp.float32)


def _argmin_tiebreak(vals, idx_src):
    m = jnp.min(vals, axis=1)
    cand = jnp.where(vals == m[:, None], idx_src, INTMAX)
    return m, jnp.min(cand, axis=1)



def _topk_kernel(f_ref, p_ref, idx_out_ref, bv_ref, bi_ref):
    j = pl.program_id(0)

    @pl.when(j == 0)
    def _():
        bv_ref[...] = jnp.full((Q, NSLOT), jnp.inf, jnp.float32)
        bi_ref[...] = jnp.zeros((Q, NSLOT), jnp.int32)

    f = f_ref[...]
    p = p_ref[...]
    a2 = jnp.sum(f * f, axis=1, keepdims=True)
    b2 = jnp.sum(p * p, axis=1)
    prod = lax.dot_general(f, p, (((1,), (1,)), ((), ())),
                           preferred_element_type=jnp.float32)
    d2 = a2 + b2[None, :] - 2.0 * prod
    dist = jnp.sqrt(jnp.maximum(d2, 0.0))
    col_iota = lax.broadcasted_iota(jnp.int32, (Q, KB), 1)
    gcol = j * KB + col_iota
    dist = jnp.where(gcol < K, dist, jnp.inf)

    rv = bv_ref[...]
    ri = bi_ref[...]
    new_v, new_i = [], []
    for _ in range(KNN):
        bm, bam = _argmin_tiebreak(dist, col_iota)
        rm, rmi = _argmin_tiebreak(rv, ri)
        from_blk = bm < rm
        wv = jnp.where(from_blk, bm, rm)
        wi = jnp.where(from_blk, j * KB + bam, rmi)
        new_v.append(wv[:, None])
        new_i.append(wi[:, None])
        dist = jnp.where(from_blk[:, None] & (col_iota == bam[:, None]),
                         jnp.inf, dist)
        rv = jnp.where((~from_blk)[:, None] & (rv == rm[:, None])
                       & (ri == rmi[:, None]), jnp.inf, rv)
    pad_v = jnp.full((Q, NSLOT - KNN), jnp.inf, jnp.float32)
    pad_i = jnp.zeros((Q, NSLOT - KNN), jnp.int32)
    nv = jnp.concatenate(new_v + [pad_v], axis=1)
    ni = jnp.concatenate(new_i + [pad_i], axis=1)
    bv_ref[...] = nv
    bi_ref[...] = ni

    @pl.when(j == NBLK - 1)
    def _():
        idx_out_ref[...] = ni


def _topk_call(feature, patch_pad):
    return pl.pallas_call(
        _topk_kernel,
        grid=(NBLK,),
        in_specs=[
            pl.BlockSpec((Q, D), lambda j: (0, 0)),
            pl.BlockSpec((KB, D), lambda j: (j, 0)),
        ],
        out_specs=pl.BlockSpec((Q, NSLOT), lambda j: (0, 0)),
        out_shape=jax.ShapeDtypeStruct((Q, NSLOT), jnp.int32),
        scratch_shapes=[
            pltpu.VMEM((Q, NSLOT), jnp.float32),
            pltpu.VMEM((Q, NSLOT), jnp.int32),
        ],
    )(feature, patch_pad)



def _sc_gather_rows(table, idx_flat):
    info = plsc.get_sparse_core_info()
    nw = info.num_cores * info.num_subcores
    bw = BPAD // nw
    mesh = plsc.VectorSubcoreMesh(core_axis_name="c", subcore_axis_name="s")

    @functools.partial(
        pl.kernel, mesh=mesh,
        out_type=jax.ShapeDtypeStruct((BPAD, D), jnp.float32),
        scratch_types=[
            pltpu.VMEM((bw,), jnp.int32),
            pltpu.VMEM((bw, D), jnp.float32),
            pltpu.SemaphoreType.DMA,
        ],
    )
    def _gather(table_hbm, idx_hbm, out_hbm, idx_v, rows_v, sem):
        wid = lax.axis_index("s") * info.num_cores + lax.axis_index("c")
        base = wid * bw
        pltpu.sync_copy(idx_hbm.at[pl.ds(base, bw)], idx_v)
        pltpu.async_copy(table_hbm.at[idx_v], rows_v, sem).wait()
        pltpu.sync_copy(rows_v, out_hbm.at[pl.ds(base, bw)])

    return _gather(table, idx_flat)



def _first_argmax_onehot(c):
    m = jnp.max(c, axis=1)
    iota = lax.broadcasted_iota(jnp.int32, c.shape, 1)
    ji = jnp.min(jnp.where(c == m[:, None], iota, INTMAX), axis=1)
    return (iota == ji[:, None]).astype(jnp.float32)


def _omp_head_kernel(f_ref, kn_ref, dx_ref, g_ref, oh_ref):
    x = f_ref[...]
    xb = _b16(x)
    rb = [_b16(kn_ref[a]) for a in range(KNN)]
    dxs = [jnp.sum(rb[a] * xb, axis=1, keepdims=True) for a in range(KNN)]
    Dx = jnp.concatenate(dxs, axis=1)
    dx_ref[...] = Dx
    g = {}
    for a in range(KNN):
        for b in range(a, KNN):
            g[(a, b)] = jnp.sum(rb[a] * rb[b], axis=1, keepdims=True)
    cols = [g[(a, b)] if a <= b else g[(b, a)]
            for a in range(KNN) for b in range(KNN)]
    g_ref[...] = jnp.concatenate(cols, axis=1)
    oh_ref[...] = _first_argmax_onehot(jnp.abs(Dx))


def _omp_head_call(feature, knn_t):
    return pl.pallas_call(
        _omp_head_kernel,
        in_specs=[
            pl.BlockSpec((Q, D), lambda: (0, 0)),
            pl.BlockSpec((KNN, Q, D), lambda: (0, 0, 0)),
        ],
        out_specs=[
            pl.BlockSpec((Q, KNN), lambda: (0, 0)),
            pl.BlockSpec((Q, KNN * KNN), lambda: (0, 0)),
            pl.BlockSpec((Q, KNN), lambda: (0, 0)),
        ],
        out_shape=[
            jax.ShapeDtypeStruct((Q, KNN), jnp.float32),
            jax.ShapeDtypeStruct((Q, KNN * KNN), jnp.float32),
            jax.ShapeDtypeStruct((Q, KNN), jnp.float32),
        ],
    )(feature, knn_t)


def _omp_select_kernel(f_ref, kn_ref, coef_ref, mask_ref, oh_ref):
    x = f_ref[...]
    rb = [_b16(kn_ref[a]) for a in range(KNN)]
    cb = _b16(coef_ref[...])
    acc = jnp.zeros(x.shape, jnp.float32)
    for a in range(KNN):
        acc = acc + cb[:, a:a + 1] * rb[a]
    r = x - acc
    rbv = _b16(r)
    corrs = [jnp.sum(rb[a] * rbv, axis=1, keepdims=True) for a in range(KNN)]
    corr = jnp.abs(jnp.concatenate(corrs, axis=1))
    c = jnp.where(mask_ref[...] > 0, -jnp.inf, corr)
    oh_ref[...] = _first_argmax_onehot(c)


def _omp_select_call(feature, knn_t, coef, mask):
    return pl.pallas_call(
        _omp_select_kernel,
        in_specs=[
            pl.BlockSpec((Q, D), lambda: (0, 0)),
            pl.BlockSpec((KNN, Q, D), lambda: (0, 0, 0)),
            pl.BlockSpec((Q, KNN), lambda: (0, 0)),
            pl.BlockSpec((Q, KNN), lambda: (0, 0)),
        ],
        out_specs=pl.BlockSpec((Q, KNN), lambda: (0, 0)),
        out_shape=jax.ShapeDtypeStruct((Q, KNN), jnp.float32),
    )(feature, knn_t, coef, mask)


def _omp_final_kernel(f_ref, kn_ref, dx_ref, g_ref, oh1_ref, oh2_ref, oh3_ref,
                      nn_ref, dict_ref, s_ref):
    x = f_ref[...]
    nn_ref[...] = kn_ref[0]
    rows = [kn_ref[a] for a in range(KNN)]
    Dx = dx_ref[...]
    ohs = [oh1_ref[...], oh2_ref[...], oh3_ref[...]]

    sels, dxs, grows = [], [], []
    for oh in ohs:
        sel = jnp.zeros((Q, D), jnp.float32)
        for p in range(KNN):
            sel = sel + oh[:, p:p + 1] * rows[p]
        sels.append(sel)
        dxs.append(jnp.sum(Dx * oh, axis=1))
        grow = jnp.zeros((Q, KNN), jnp.float32)
        for p in range(KNN):
            grow = grow + oh[:, p:p + 1] * g_ref[:, p * KNN:(p + 1) * KNN]
        grows.append(grow)

    def gsel(a, b):
        return jnp.sum(grows[a] * ohs[b], axis=1)

    g11, g12, g13 = gsel(0, 0), gsel(0, 1), gsel(0, 2)
    g22, g23, g33 = gsel(1, 1), gsel(1, 2), gsel(2, 2)
    dx1, dx2, dx3 = dxs
    m11 = g22 * g33 - g23 * g23
    m12 = g13 * g23 - g12 * g33
    m13 = g12 * g23 - g13 * g22
    m22 = g11 * g33 - g13 * g13
    m23 = g13 * g12 - g11 * g23
    m33 = g11 * g22 - g12 * g12
    det3 = g11 * m11 + g12 * m12 + g13 * m13
    c1f = (m11 * dx1 + m12 * dx2 + m13 * dx3) / det3
    c2f = (m12 * dx1 + m22 * dx2 + m23 * dx3) / det3
    c3f = (m13 * dx1 + m23 * dx2 + m33 * dx3) / det3

    acc = (_b16(c1f)[:, None] * _b16(sels[0])
           + _b16(c2f)[:, None] * _b16(sels[1])
           + _b16(c3f)[:, None] * _b16(sels[2]))
    dict_ref[...] = acc
    diff = x - acc + 1e-12
    min_val = jnp.sqrt(jnp.sum(diff * diff, axis=1, keepdims=True))
    s_ref[...] = jnp.max(min_val, axis=0, keepdims=True)


def _omp_final_call(feature, knn_t, Dx, G100, oh1, oh2, oh3):
    return pl.pallas_call(
        _omp_final_kernel,
        in_specs=[
            pl.BlockSpec((Q, D), lambda: (0, 0)),
            pl.BlockSpec((KNN, Q, D), lambda: (0, 0, 0)),
            pl.BlockSpec((Q, KNN), lambda: (0, 0)),
            pl.BlockSpec((Q, KNN * KNN), lambda: (0, 0)),
            pl.BlockSpec((Q, KNN), lambda: (0, 0)),
            pl.BlockSpec((Q, KNN), lambda: (0, 0)),
            pl.BlockSpec((Q, KNN), lambda: (0, 0)),
        ],
        out_specs=[
            pl.BlockSpec((Q, D), lambda: (0, 0)),
            pl.BlockSpec((Q, D), lambda: (0, 0)),
            pl.BlockSpec((1, 1), lambda: (0, 0)),
        ],
        out_shape=[
            jax.ShapeDtypeStruct((Q, D), jnp.float32),
            jax.ShapeDtypeStruct((Q, D), jnp.float32),
            jax.ShapeDtypeStruct((1, 1), jnp.float32),
        ],
    )(feature, knn_t, Dx, G100, oh1, oh2, oh3)


def _masked_solve(G, mask, Dx):
    def one(Gq, mq, dq):
        mo = mq[:, None] * mq[None, :]
        A = Gq * mo + jnp.diag(1.0 - mq)
        return jnp.linalg.solve(A, mq * dq)
    return jax.vmap(one)(G, mask, Dx)


def kernel(feature, patch_lib):
    patch_pad = jnp.concatenate(
        [patch_lib, jnp.zeros((KPAD - K, D), jnp.float32)], axis=0)
    knn16 = _topk_call(feature, patch_pad)
    knn_idx = knn16[:, :KNN]

    flat = jnp.transpose(knn_idx).reshape(-1)
    flat = jnp.concatenate(
        [flat, jnp.zeros((BPAD - QK,), jnp.int32)])
    rows = _sc_gather_rows(patch_lib, flat)
    knn_t = rows[:QK].reshape(KNN, Q, D)

    Dx, G100, oh1 = _omp_head_call(feature, knn_t)
    G = G100.reshape(Q, KNN, KNN)
    mask = oh1
    coef = _masked_solve(G, mask, Dx)
    oh2 = _omp_select_call(feature, knn_t, coef, mask)
    mask = mask + oh2
    coef = _masked_solve(G, mask, Dx)
    oh3 = _omp_select_call(feature, knn_t, coef, mask)

    nn, dict_f, s = _omp_final_call(feature, knn_t, Dx, G100, oh1, oh2, oh3)
    return (nn, dict_f, knn_idx, jnp.reshape(s, ()))

# --- scband reference (transcript-rebuilt; emitter-appended) ---
"""Pipeline reference for scband-sdf-features-15410342658401 (READ-ONLY COPY).

The authoritative reference and input builder live on the scoring server;
editing this copy changes nothing except your own understanding.
"""

import jax, jax.numpy as jnp
import numpy as np

Q, K, D = 784, 100000, 128
KNN = 10
N_NONZERO = 3

def setup_inputs(seed: int = 0):
    key = jax.random.key(seed)
    k1, k2 = jax.random.split(key)
    feature = jax.random.normal(k1, (Q, D), dtype=jnp.float32)
    patch_lib = jax.random.normal(k2, (K, D), dtype=jnp.float32)
    return {"feature": feature, "patch_lib": patch_lib}

def _cdist(a, b):
    a2 = jnp.sum(a * a, axis=1, keepdims=True)
    b2 = jnp.sum(b * b, axis=1, keepdims=True)
    d2 = a2 + b2.T - 2.0 * (a @ b.T)
    return jnp.sqrt(jnp.clip(d2, 0.0, None))

def _omp_encode(x, Dct):
    # x: [d], Dct: [KNN, d]; greedy OMP with N_NONZERO atoms (sklearn sparse_encode algorithm='omp')
    k = Dct.shape[0]
    G = Dct @ Dct.T
    Dx = Dct @ x
    mask = jnp.zeros((k,), dtype=x.dtype)
    coef = jnp.zeros((k,), dtype=x.dtype)
    eye = jnp.eye(k, dtype=x.dtype)
    for _ in range(N_NONZERO):
        r = x - coef @ Dct
        c = jnp.where(mask > 0, -jnp.inf, jnp.abs(Dct @ r))
        j = jnp.argmax(c)
        mask = mask.at[j].set(1.0)
        mo = mask[:, None] * mask[None, :]
        A = G * mo + jnp.diag(1.0 - mask)
        b = mask * Dx
        coef = jnp.linalg.solve(A, b)
    return coef @ Dct  # sparse reconstruction: code_matrix @ Knn_features

def reference(feature, patch_lib):
    # dist = torch.cdist(feature, patch_lib)
    dist = _cdist(feature, patch_lib)
    # torch.topk(dist, k=11, largest=False) -> smallest distances
    _, knn_idx = jax.lax.top_k(-dist, KNN + 1)
    # mode == 'testing': keep first 10 neighbors
    knn_idx = knn_idx[:, :KNN]
    knn_feats = patch_lib[knn_idx]  # [Q, KNN, D] gather
    Dict_features = jax.vmap(_omp_encode)(feature, knn_feats)  # [Q, D]
    NN_feature = patch_lib[knn_idx[:, 0]]  # [Q, D]
    # torch.nn.PairwiseDistance(p=2, eps=1e-12)
    diff = feature - Dict_features + 1e-12
    min_val = jnp.sqrt(jnp.sum(diff * diff, axis=1))
    s = jnp.max(min_val)
    return (NN_feature, Dict_features, knn_idx, s)

if __name__ == "__main__":
    import jax
    _d = setup_inputs()
    print(jax.jit(kernel)(*tuple(_d.values())))

</pallas_src>

<mosaic_0001>
#map = affine_map<(d0, d1) -> (0, 0)>
#map1 = affine_map<(d0, d1) -> (0)>
module attributes {stable_mosaic.version = 14 : i64} {
  func.func @_gather(%arg0: i32, %arg1: i32, %arg2: memref<100000x128xf32, #tpu.memory_space<hbm>>, %arg3: memref<7936xi32, #tpu.memory_space<hbm>>, %arg4: memref<7936x128xf32, #tpu.memory_space<hbm>>, %arg5: memref<248xi32, #tpu.memory_space<vmem>>, %arg6: memref<248x128xf32, #tpu.memory_space<vmem>>, %arg7: memref<!tpu.dma_semaphore, #tpu.memory_space<semaphore_mem>>) attributes {dimension_semantics = [#tpu.dimension_semantics<core_parallel>, #tpu.dimension_semantics<subcore_parallel>], iteration_bounds = array<i64: 2, 16>, scalar_prefetch = 0 : i64, scratch_operands = 3 : i64, tpu.core_type = #tpu.core_type<sc_vector_subcore>, window_params = [{transform_indices = #map}, {transform_indices = #map1}, {transform_indices = #map}]} {
    %mul3A = arith.constant 2 : i32
    %mul3A_0 = arith.muli %arg1, %mul3A : i32
    %add3A = arith.addi %mul3A_0, %arg0 : i32
    %mul3A_1 = arith.constant 248 : i32
    %mul3A_2 = arith.muli %add3A, %mul3A_1 : i32
    "tpu.region"() ({
      %run_scoped3A = tpu.sem_alloc : memref<!tpu.dma_semaphore, #tpu.memory_space<semaphore_mem>>
      %dma_start3A_7 = tpu.memref_slice %arg3[%mul3A_2] : memref<7936xi32, #tpu.memory_space<hbm>> -> memref<248xi32, #tpu.memory_space<hbm>>
      %dma_start3A_8 = tpu.memref_slice %arg3[%mul3A_2] : memref<7936xi32, #tpu.memory_space<hbm>> -> memref<248xi32, #tpu.memory_space<hbm>>
      tpu.enqueue_dma source(%dma_start3A_8 : memref<248xi32, #tpu.memory_space<hbm>>) target(%arg5 : memref<248xi32, #tpu.memory_space<vmem>>) target_semaphore(%run_scoped3A : memref<!tpu.dma_semaphore, #tpu.memory_space<semaphore_mem>>)
      %dma_wait3A_9 = tpu.memref_slice %arg3[%mul3A_2] : memref<7936xi32, #tpu.memory_space<hbm>> -> memref<248xi32, #tpu.memory_space<hbm>>
      %dma_wait3A_10 = tpu.memref_slice %arg3[%mul3A_2] : memref<7936xi32, #tpu.memory_space<hbm>> -> memref<248xi32, #tpu.memory_space<hbm>>
      tpu.wait_dma2 semaphore(%run_scoped3A : memref<!tpu.dma_semaphore, #tpu.memory_space<semaphore_mem>>) src(%dma_wait3A_10 : memref<248xi32, #tpu.memory_space<hbm>>) dst(%arg5 : memref<248xi32, #tpu.memory_space<vmem>>)
      tpu.yield
    }) : () -> ()
    %dma_start3A = arith.constant 0 : i32
    %dma_start3A_3 = arith.constant 0 : i32
    %dma_start3A_4 = tpu.memref_slice %arg2[%dma_start3A, %dma_start3A_3] : memref<100000x128xf32, #tpu.memory_space<hbm>> -> memref<100000x128xf32, #tpu.memory_space<hbm>>
    tpu.enqueue_indirect_dma source(%dma_start3A_4 : memref<100000x128xf32, #tpu.memory_space<hbm>>) target(%arg6 : memref<248x128xf32, #tpu.memory_space<vmem>>) offsets(%arg5 : memref<248xi32, #tpu.memory_space<vmem>>) semaphore(%arg7 : memref<!tpu.dma_semaphore, #tpu.memory_space<semaphore_mem>>)
    %dma_wait3A = arith.constant 0 : i32
    %dma_wait3A_5 = arith.constant 0 : i32
    %dma_wait3A_6 = tpu.memref_slice %arg2[%dma_wait3A, %dma_wait3A_5] : memref<100000x128xf32, #tpu.memory_space<hbm>> -> memref<100000x128xf32, #tpu.memory_space<hbm>>
    tpu.wait_indirect_dma semaphore(%arg7 : memref<!tpu.dma_semaphore, #tpu.memory_space<semaphore_mem>>) src(%dma_wait3A_6 : memref<100000x128xf32, #tpu.memory_space<hbm>>) dst(%arg6 : memref<248x128xf32, #tpu.memory_space<vmem>>)
    "tpu.region"() ({
      %run_scoped3A = tpu.sem_alloc : memref<!tpu.dma_semaphore, #tpu.memory_space<semaphore_mem>>
      %dma_start3A_7 = arith.constant 0 : i32
      %dma_start3A_8 = tpu.memref_slice %arg4[%mul3A_2, %dma_start3A_7] : memref<7936x128xf32, #tpu.memory_space<hbm>> -> memref<248x128xf32, #tpu.memory_space<hbm>>
      %dma_start3A_9 = arith.constant 0 : i32
      %dma_start3A_10 = tpu.memref_slice %arg4[%mul3A_2, %dma_start3A_9] : memref<7936x128xf32, #tpu.memory_space<hbm>> -> memref<248x128xf32, #tpu.memory_space<hbm>>
      tpu.enqueue_dma source(%arg6 : memref<248x128xf32, #tpu.memory_space<vmem>>) target(%dma_start3A_10 : memref<248x128xf32, #tpu.memory_space<hbm>>) target_semaphore(%run_scoped3A : memref<!tpu.dma_semaphore, #tpu.memory_space<semaphore_mem>>)
      %dma_wait3A_11 = arith.constant 0 : i32
      %dma_wait3A_12 = tpu.memref_slice %arg4[%mul3A_2, %dma_wait3A_11] : memref<7936x128xf32, #tpu.memory_space<hbm>> -> memref<248x128xf32, #tpu.memory_space<hbm>>
      %dma_wait3A_13 = arith.constant 0 : i32
      %dma_wait3A_14 = tpu.memref_slice %arg4[%mul3A_2, %dma_wait3A_13] : memref<7936x128xf32, #tpu.memory_space<hbm>> -> memref<248x128xf32, #tpu.memory_space<hbm>>
      tpu.wait_dma2 semaphore(%run_scoped3A : memref<!tpu.dma_semaphore, #tpu.memory_space<semaphore_mem>>) src(%arg6 : memref<248x128xf32, #tpu.memory_space<vmem>>) dst(%dma_wait3A_14 : memref<248x128xf32, #tpu.memory_space<hbm>>)
      tpu.yield
    }) : () -> ()
    return
  }
}

module attributes {stable_mosaic.version = 14 : i64} {
  func.func @_topk_kernel(%arg0: i32, %arg1: memref<784x128xf32, #tpu.memory_space<vmem>>, %arg2: memref<1024x128xf32, #tpu.memory_space<vmem>>, %arg3: memref<784x16xi32, #tpu.memory_space<vmem>>, %arg4: memref<784x16xf32, #tpu.memory_space<vmem>>, %arg5: memref<784x16xi32, #tpu.memory_space<vmem>>) attributes {dimension_semantics = [#tpu.dimension_semantics<arbitrary>], iteration_bounds = array<i64: 100>, scalar_prefetch = 0 : i64, scratch_operands = 2 : i64, tpu.core_type = #tpu.core_type<tc>, window_params = [{pipeline_mode = #tpu.pipeline_mode<synchronous>, transform_indices = @transform_0, window_bounds = array<i64: 784, 128>}, {transform_indices = @transform_1, window_bounds = array<i64: 1024, 128>}, {pipeline_mode = #tpu.pipeline_mode<synchronous>, transform_indices = @transform_2, window_bounds = array<i64: 784, 16>}]} {
    %eq3A = arith.constant 0 : i32
    %eq3A_0 = arith.cmpi eq, %arg0, %eq3A : i32
    %convert_element_type3A = arith.extui %eq3A_0 : i1 to i32
    %cond3A = arith.constant 0 : i32
    %cond3A_1 = arith.cmpi ne, %convert_element_type3A, %cond3A : i32
    scf.if %cond3A_1 {
      %broadcast_in_dim3A_551 = arith.constant 0x7F800000 : f32
      %broadcast_in_dim3A_552 = vector.broadcast %broadcast_in_dim3A_551 : f32 to vector<784x16xf32>
      %swap3A_553 = arith.constant 0 : index
      %swap3A_554 = arith.constant 0 : index
      %swap3A_555 = vector.load %arg4[%swap3A_553, %swap3A_554] : memref<784x16xf32, #tpu.memory_space<vmem>>, vector<784x16xf32>
      tpu.vector_store %arg4[%swap3A_553, %swap3A_554], %broadcast_in_dim3A_552 {strides = array<i32>} : memref<784x16xf32, #tpu.memory_space<vmem>>, vector<784x16xf32>,
      %broadcast_in_dim3A_556 = arith.constant 0 : i32
      %broadcast_in_dim3A_557 = vector.broadcast %broadcast_in_dim3A_556 : i32 to vector<784x16xi32>
      %swap3A_558 = arith.constant 0 : index
      %swap3A_559 = arith.constant 0 : index
      %swap3A_560 = vector.load %arg5[%swap3A_558, %swap3A_559] : memref<784x16xi32, #tpu.memory_space<vmem>>, vector<784x16xi32>
      tpu.vector_store %arg5[%swap3A_558, %swap3A_559], %broadcast_in_dim3A_557 {strides = array<i32>} : memref<784x16xi32, #tpu.memory_space<vmem>>, vector<784x16xi32>,
    } else {
    }
    %get3A = arith.constant 0 : index
    %get3A_2 = arith.constant 0 : index
    %get3A_3 = vector.load %arg1[%get3A, %get3A_2] : memref<784x128xf32, #tpu.memory_space<vmem>>, vector<784x128xf32>
    %get3A_4 = arith.constant 0 : index
    %get3A_5 = arith.constant 0 : index
    %get3A_6 = vector.load %arg2[%get3A_4, %get3A_5] : memref<1024x128xf32, #tpu.memory_space<vmem>>, vector<1024x128xf32>
    %mul3A = arith.mulf %get3A_3, %get3A_3 : vector<784x128xf32>
    %reduce_sum3A = arith.constant dense<0.000000e+00> : vector<784xf32>
    %reduce_sum3A_7 = vector.multi_reduction <add>, %mul3A, %reduce_sum3A [1] : vector<784x128xf32> to vector<784xf32>
    %broadcast_in_dim3A = vector.shape_cast %reduce_sum3A_7 : vector<784xf32> to vector<784x1xf32>
    %mul3A_8 = arith.mulf %get3A_6, %get3A_6 : vector<1024x128xf32>
    %reduce_sum3A_9 = arith.constant dense<0.000000e+00> : vector<1024xf32>
    %reduce_sum3A_10 = vector.multi_reduction <add>, %mul3A_8, %reduce_sum3A_9 [1] : vector<1024x128xf32> to vector<1024xf32>
    %dot_general3A = arith.constant dense<0.000000e+00> : vector<784x1024xf32>
    %dot_general3A_11 = tpu.matmul %get3A_3, %get3A_6, %dot_general3A {dimension_numbers = #tpu.dot_dimension_numbers<[1], [1], [0], [0], [0, 0, 1, 0], [], []>, transpose_lhs_hint = false} : vector<784x128xf32>, vector<1024x128xf32>, vector<784x1024xf32> -> vector<784x1024xf32>
    %broadcast_in_dim3A_12 = vector.shape_cast %reduce_sum3A_10 : vector<1024xf32> to vector<1x1024xf32>
    %add3A = vector.broadcast %broadcast_in_dim3A : vector<784x1xf32> to vector<784x1024xf32>
    %add3A_13 = vector.broadcast %broadcast_in_dim3A_12 : vector<1x1024xf32> to vector<784x1024xf32>
    %add3A_14 = arith.addf %add3A, %add3A_13 : vector<784x1024xf32>
    %mul3A_15 = arith.constant 2.000000e+00 : f32
    %mul3A_16 = vector.broadcast %mul3A_15 : f32 to vector<784x1024xf32>
    %mul3A_17 = arith.mulf %mul3A_16, %dot_general3A_11 : vector<784x1024xf32>
    %sub3A = arith.subf %add3A_14, %mul3A_17 : vector<784x1024xf32>
    %max3A = arith.constant 0.000000e+00 : f32
    %max3A_18 = vector.broadcast %max3A : f32 to vector<784x1024xf32>
    %max3A_19 = arith.maximumf %sub3A, %max3A_18 : vector<784x1024xf32>
    %sqrt3A = math.sqrt %max3A_19 : vector<784x1024xf32>
    %iota3A = tpu.iota {dimensions = array<i32: 1>} : vector<784x1024xi32>
    %mul3A_20 = arith.constant 1024 : i32
    %mul3A_21 = arith.muli %arg0, %mul3A_20 : i32
    %add3A_22 = vector.broadcast %mul3A_21 : i32 to vector<784x1024xi32>
    %add3A_23 = arith.addi %add3A_22, %iota3A : vector<784x1024xi32>
    %lt3A = arith.constant 100000 : i32
    %lt3A_24 = vector.broadcast %lt3A : i32 to vector<784x1024xi32>
    %lt3A_25 = arith.cmpi slt, %add3A_23, %lt3A_24 : vector<784x1024xi32>
    %jit3A = arith.constant 0x7F800000 : f32
    %broadcast_in_dim3A_26 = vector.broadcast %jit3A : f32 to vector<784x1024xf32>
    %select_n3A = arith.select %lt3A_25, %sqrt3A, %broadcast_in_dim3A_26 : vector<784x1024xi1>, vector<784x1024xf32>
    %get3A_27 = arith.constant 0 : index
    %get3A_28 = arith.constant 0 : index
    %get3A_29 = vector.load %arg4[%get3A_27, %get3A_28] : memref<784x16xf32, #tpu.memory_space<vmem>>, vector<784x16xf32>
    %get3A_30 = arith.constant 0 : index
    %get3A_31 = arith.constant 0 : index
    %get3A_32 = vector.load %arg5[%get3A_30, %get3A_31] : memref<784x16xi32, #tpu.memory_space<vmem>>, vector<784x16xi32>
    %reduce_min3A = arith.constant dense<0x7F800000> : vector<784xf32>
    %reduce_min3A_33 = vector.multi_reduction <minimumf>, %select_n3A, %reduce_min3A [1] : vector<784x1024xf32> to vector<784xf32>
    %broadcast_in_dim3A_34 = vector.shape_cast %reduce_min3A_33 : vector<784xf32> to vector<784x1xf32>
    %eq3A_35 = vector.broadcast %broadcast_in_dim3A_34 : vector<784x1xf32> to vector<784x1024xf32>
    %eq3A_36 = arith.cmpf oeq, %select_n3A, %eq3A_35 : vector<784x1024xf32>
    %jit3A_37 = arith.constant 2147483647 : i32
    %broadcast_in_dim3A_38 = vector.broadcast %jit3A_37 : i32 to vector<784x1024xi32>
    %select_n3A_39 = arith.select %eq3A_36, %iota3A, %broadcast_in_dim3A_38 : vector<784x1024xi1>, vector<784x1024xi32>
    %reduce_min3A_40 = arith.constant dense<2147483647> : vector<784xi32>
    %reduce_min3A_41 = vector.multi_reduction <minsi>, %select_n3A_39, %reduce_min3A_40 [1] : vector<784x1024xi32> to vector<784xi32>
    %reduce_min3A_42 = arith.constant dense<0x7F800000> : vector<784xf32>
    %reduce_min3A_43 = vector.multi_reduction <minimumf>, %get3A_29, %reduce_min3A_42 [1] : vector<784x16xf32> to vector<784xf32>
    %broadcast_in_dim3A_44 = vector.shape_cast %reduce_min3A_43 : vector<784xf32> to vector<784x1xf32>
    %eq3A_45 = vector.broadcast %broadcast_in_dim3A_44 : vector<784x1xf32> to vector<784x16xf32>
    %eq3A_46 = arith.cmpf oeq, %get3A_29, %eq3A_45 : vector<784x16xf32>
    %jit3A_47 = arith.constant 2147483647 : i32
    %broadcast_in_dim3A_48 = vector.broadcast %jit3A_47 : i32 to vector<784x16xi32>
    %select_n3A_49 = arith.select %eq3A_46, %get3A_32, %broadcast_in_dim3A_48 : vector<784x16xi1>, vector<784x16xi32>
    %reduce_min3A_50 = arith.constant dense<2147483647> : vector<784xi32>
    %reduce_min3A_51 = vector.multi_reduction <minsi>, %select_n3A_49, %reduce_min3A_50 [1] : vector<784x16xi32> to vector<784xi32>
    %lt3A_52 = arith.cmpf olt, %reduce_min3A_33, %reduce_min3A_43 : vector<784xf32>
    %select_n3A_53 = arith.select %lt3A_52, %reduce_min3A_33, %reduce_min3A_43 : vector<784xi1>, vector<784xf32>
    %mul3A_54 = arith.constant 1024 : i32
    %mul3A_55 = arith.muli %arg0, %mul3A_54 : i32
    %add3A_56 = vector.broadcast %mul3A_55 : i32 to vector<784xi32>
    %add3A_57 = arith.addi %add3A_56, %reduce_min3A_41 : vector<784xi32>
    %select_n3A_58 = arith.select %lt3A_52, %add3A_57, %reduce_min3A_51 : vector<784xi1>, vector<784xi32>
    %broadcast_in_dim3A_59 = vector.shape_cast %select_n3A_53 : vector<784xf32> to vector<784x1xf32>
    %broadcast_in_dim3A_60 = vector.shape_cast %select_n3A_58 : vector<784xi32> to vector<784x1xi32>
    %broadcast_in_dim3A_61 = vector.shape_cast %lt3A_52 : vector<784xi1> to vector<784x1xi1>
    %broadcast_in_dim3A_62 = vector.shape_cast %reduce_min3A_41 : vector<784xi32> to vector<784x1xi32>
    %eq3A_63 = vector.broadcast %broadcast_in_dim3A_62 : vector<784x1xi32> to vector<784x1024xi32>
    %eq3A_64 = arith.cmpi eq, %iota3A, %eq3A_63 : vector<784x1024xi32>
    %and3A = vector.broadcast %broadcast_in_dim3A_61 : vector<784x1xi1> to vector<784x1024xi1>
    %and3A_65 = arith.andi %and3A, %eq3A_64 : vector<784x1024xi1>
    %jit3A_66 = arith.constant 0x7F800000 : f32
    %broadcast_in_dim3A_67 = vector.broadcast %jit3A_66 : f32 to vector<784x1024xf32>
    %select_n3A_68 = arith.select %and3A_65, %broadcast_in_dim3A_67, %select_n3A : vector<784x1024xi1>, vector<784x1024xf32>
    %not3A = arith.constant dense<true> : vector<784xi1>
    %not3A_69 = arith.xori %lt3A_52, %not3A : vector<784xi1>
    %broadcast_in_dim3A_70 = vector.shape_cast %not3A_69 : vector<784xi1> to vector<784x1xi1>
    %broadcast_in_dim3A_71 = vector.shape_cast %reduce_min3A_43 : vector<784xf32> to vector<784x1xf32>
    %eq3A_72 = vector.broadcast %broadcast_in_dim3A_71 : vector<784x1xf32> to vector<784x16xf32>
    %eq3A_73 = arith.cmpf oeq, %get3A_29, %eq3A_72 : vector<784x16xf32>
    %and3A_74 = vector.broadcast %broadcast_in_dim3A_70 : vector<784x1xi1> to vector<784x16xi1>
    %and3A_75 = arith.andi %and3A_74, %eq3A_73 : vector<784x16xi1>
    %broadcast_in_dim3A_76 = vector.shape_cast %reduce_min3A_51 : vector<784xi32> to vector<784x1xi32>
    %eq3A_77 = vector.broadcast %broadcast_in_dim3A_76 : vector<784x1xi32> to vector<784x16xi32>
    %eq3A_78 = arith.cmpi eq, %get3A_32, %eq3A_77 : vector<784x16xi32>
    %and3A_79 = arith.andi %and3A_75, %eq3A_78 : vector<784x16xi1>
    %jit3A_80 = arith.constant 0x7F800000 : f32
    %broadcast_in_dim3A_81 = vector.broadcast %jit3A_80 : f32 to vector<784x16xf32>
    %select_n3A_82 = arith.select %and3A_79, %broadcast_in_dim3A_81, %get3A_29 : vector<784x16xi1>, vector<784x16xf32>
    %reduce_min3A_83 = arith.constant dense<0x7F800000> : vector<784xf32>
    %reduce_min3A_84 = vector.multi_reduction <minimumf>, %select_n3A_68, %reduce_min3A_83 [1] : vector<784x1024xf32> to vector<784xf32>
    %broadcast_in_dim3A_85 = vector.shape_cast %reduce_min3A_84 : vector<784xf32> to vector<784x1xf32>
    %eq3A_86 = vector.broadcast %broadcast_in_dim3A_85 : vector<784x1xf32> to vector<784x1024xf32>
    %eq3A_87 = arith.cmpf oeq, %select_n3A_68, %eq3A_86 : vector<784x1024xf32>
    %jit3A_88 = arith.constant 2147483647 : i32
    %broadcast_in_dim3A_89 = vector.broadcast %jit3A_88 : i32 to vector<784x1024xi32>
    %select_n3A_90 = arith.select %eq3A_87, %iota3A, %broadcast_in_dim3A_89 : vector<784x1024xi1>, vector<784x1024xi32>
    %reduce_min3A_91 = arith.constant dense<2147483647> : vector<784xi32>
    %reduce_min3A_92 = vector.multi_reduction <minsi>, %select_n3A_90, %reduce_min3A_91 [1] : vector<784x1024xi32> to vector<784xi32>
    %reduce_min3A_93 = arith.constant dense<0x7F800000> : vector<784xf32>
    %reduce_min3A_94 = vector.multi_reduction <minimumf>, %select_n3A_82, %reduce_min3A_93 [1] : vector<784x16xf32> to vector<784xf32>
    %broadcast_in_dim3A_95 = vector.shape_cast %reduce_min3A_94 : vector<784xf32> to vector<784x1xf32>
    %eq3A_96 = vector.broadcast %broadcast_in_dim3A_95 : vector<784x1xf32> to vector<784x16xf32>
    %eq3A_97 = arith.cmpf oeq, %select_n3A_82, %eq3A_96 : vector<784x16xf32>
    %jit3A_98 = arith.constant 2147483647 : i32
    %broadcast_in_dim3A_99 = vector.broadcast %jit3A_98 : i32 to vector<784x16xi32>
    %select_n3A_100 = arith.select %eq3A_97, %get3A_32, %broadcast_in_dim3A_99 : vector<784x16xi1>, vector<784x16xi32>
    %reduce_min3A_101 = arith.constant dense<2147483647> : vector<784xi32>
    %reduce_min3A_102 = vector.multi_reduction <minsi>, %select_n3A_100, %reduce_min3A_101 [1] : vector<784x16xi32> to vector<784xi32>
    %lt3A_103 = arith.cmpf olt, %reduce_min3A_84, %reduce_min3A_94 : vector<784xf32>
    %select_n3A_104 = arith.select %lt3A_103, %reduce_min3A_84, %reduce_min3A_94 : vector<784xi1>, vector<784xf32>
    %mul3A_105 = arith.constant 1024 : i32
    %mul3A_106 = arith.muli %arg0, %mul3A_105 : i32
    %add3A_107 = vector.broadcast %mul3A_106 : i32 to vector<784xi32>
    %add3A_108 = arith.addi %add3A_107, %reduce_min3A_92 : vector<784xi32>
    %select_n3A_109 = arith.select %lt3A_103, %add3A_108, %reduce_min3A_102 : vector<784xi1>, vector<784xi32>
    %broadcast_in_dim3A_110 = vector.shape_cast %select_n3A_104 : vector<784xf32> to vector<784x1xf32>
    %broadcast_in_dim3A_111 = vector.shape_cast %select_n3A_109 : vector<784xi32> to vector<784x1xi32>
    %broadcast_in_dim3A_112 = vector.shape_cast %lt3A_103 : vector<784xi1> to vector<784x1xi1>
    %broadcast_in_dim3A_113 = vector.shape_cast %reduce_min3A_92 : vector<784xi32> to vector<784x1xi32>
    %eq3A_114 = vector.broadcast %broadcast_in_dim3A_113 : vector<784x1xi32> to vector<784x1024xi32>
    %eq3A_115 = arith.cmpi eq, %iota3A, %eq3A_114 : vector<784x1024xi32>
    %and3A_116 = vector.broadcast %broadcast_in_dim3A_112 : vector<784x1xi1> to vector<784x1024xi1>
    %and3A_117 = arith.andi %and3A_116, %eq3A_115 : vector<784x1024xi1>
    %jit3A_118 = arith.constant 0x7F800000 : f32
    %broadcast_in_dim3A_119 = vector.broadcast %jit3A_118 : f32 to vector<784x1024xf32>
    %select_n3A_120 = arith.select %and3A_117, %broadcast_in_dim3A_119, %select_n3A_68 : vector<784x1024xi1>, vector<784x1024xf32>
    %not3A_121 = arith.constant dense<true> : vector<784xi1>
    %not3A_122 = arith.xori %lt3A_103, %not3A_121 : vector<784xi1>
    %broadcast_in_dim3A_123 = vector.shape_cast %not3A_122 : vector<784xi1> to vector<784x1xi1>
    %broadcast_in_dim3A_124 = vector.shape_cast %reduce_min3A_94 : vector<784xf32> to vector<784x1xf32>
    %eq3A_125 = vector.broadcast %broadcast_in_dim3A_124 : vector<784x1xf32> to vector<784x16xf32>
    %eq3A_126 = arith.cmpf oeq, %select_n3A_82, %eq3A_125 : vector<784x16xf32>
    %and3A_127 = vector.broadcast %broadcast_in_dim3A_123 : vector<784x1xi1> to vector<784x16xi1>
    %and3A_128 = arith.andi %and3A_127, %eq3A_126 : vector<784x16xi1>
    %broadcast_in_dim3A_129 = vector.shape_cast %reduce_min3A_102 : vector<784xi32> to vector<784x1xi32>
    %eq3A_130 = vector.broadcast %broadcast_in_dim3A_129 : vector<784x1xi32> to vector<784x16xi32>
    %eq3A_131 = arith.cmpi eq, %get3A_32, %eq3A_130 : vector<784x16xi32>
    %and3A_132 = arith.andi %and3A_128, %eq3A_131 : vector<784x16xi1>
    %jit3A_133 = arith.constant 0x7F800000 : f32
    %broadcast_in_dim3A_134 = vector.broadcast %jit3A_133 : f32 to vector<784x16xf32>
    %select_n3A_135 = arith.select %and3A_132, %broadcast_in_dim3A_134, %select_n3A_82 : vector<784x16xi1>, vector<784x16xf32>
    %reduce_min3A_136 = arith.constant dense<0x7F800000> : vector<784xf32>
    %reduce_min3A_137 = vector.multi_reduction <minimumf>, %select_n3A_120, %reduce_min3A_136 [1] : vector<784x1024xf32> to vector<784xf32>
    %broadcast_in_dim3A_138 = vector.shape_cast %reduce_min3A_137 : vector<784xf32> to vector<784x1xf32>
    %eq3A_139 = vector.broadcast %broadcast_in_dim3A_138 : vector<784x1xf32> to vector<784x1024xf32>
    %eq3A_140 = arith.cmpf oeq, %select_n3A_120, %eq3A_139 : vector<784x1024xf32>
    %jit3A_141 = arith.constant 2147483647 : i32
    %broadcast_in_dim3A_142 = vector.broadcast %jit3A_141 : i32 to vector<784x1024xi32>
    %select_n3A_143 = arith.select %eq3A_140, %iota3A, %broadcast_in_dim3A_142 : vector<784x1024xi1>, vector<784x1024xi32>
    %reduce_min3A_144 = arith.constant dense<2147483647> : vector<784xi32>
    %reduce_min3A_145 = vector.multi_reduction <minsi>, %select_n3A_143, %reduce_min3A_144 [1] : vector<784x1024xi32> to vector<784xi32>
    %reduce_min3A_146 = arith.constant dense<0x7F800000> : vector<784xf32>
    %reduce_min3A_147 = vector.multi_reduction <minimumf>, %select_n3A_135, %reduce_min3A_146 [1] : vector<784x16xf32> to vector<784xf32>
    %broadcast_in_dim3A_148 = vector.shape_cast %reduce_min3A_147 : vector<784xf32> to vector<784x1xf32>
    %eq3A_149 = vector.broadcast %broadcast_in_dim3A_148 : vector<784x1xf32> to vector<784x16xf32>
    %eq3A_150 = arith.cmpf oeq, %select_n3A_135, %eq3A_149 : vector<784x16xf32>
    %jit3A_151 = arith.constant 2147483647 : i32
    %broadcast_in_dim3A_152 = vector.broadcast %jit3A_151 : i32 to vector<784x16xi32>
    %select_n3A_153 = arith.select %eq3A_150, %get3A_32, %broadcast_in_dim3A_152 : vector<784x16xi1>, vector<784x16xi32>
    %reduce_min3A_154 = arith.constant dense<2147483647> : vector<784xi32>
    %reduce_min3A_155 = vector.multi_reduction <minsi>, %select_n3A_153, %reduce_min3A_154 [1] : vector<784x16xi32> to vector<784xi32>
    %lt3A_156 = arith.cmpf olt, %reduce_min3A_137, %reduce_min3A_147 : vector<784xf32>
    %select_n3A_157 = arith.select %lt3A_156, %reduce_min3A_137, %reduce_min3A_147 : vector<784xi1>, vector<784xf32>
    %mul3A_158 = arith.constant 1024 : i32
    %mul3A_159 = arith.muli %arg0, %mul3A_158 : i32
    %add3A_160 = vector.broadcast %mul3A_159 : i32 to vector<784xi32>
    %add3A_161 = arith.addi %add3A_160, %reduce_min3A_145 : vector<784xi32>
    %select_n3A_162 = arith.select %lt3A_156, %add3A_161, %reduce_min3A_155 : vector<784xi1>, vector<784xi32>
    %broadcast_in_dim3A_163 = vector.shape_cast %select_n3A_157 : vector<784xf32> to vector<784x1xf32>
    %broadcast_in_dim3A_164 = vector.shape_cast %select_n3A_162 : vector<784xi32> to vector<784x1xi32>
    %broadcast_in_dim3A_165 = vector.shape_cast %lt3A_156 : vector<784xi1> to vector<784x1xi1>
    %broadcast_in_dim3A_166 = vector.shape_cast %reduce_min3A_145 : vector<784xi32> to vector<784x1xi32>
    %eq3A_167 = vector.broadcast %broadcast_in_dim3A_166 : vector<784x1xi32> to vector<784x1024xi32>
    %eq3A_168 = arith.cmpi eq, %iota3A, %eq3A_167 : vector<784x1024xi32>
    %and3A_169 = vector.broadcast %broadcast_in_dim3A_165 : vector<784x1xi1> to vector<784x1024xi1>
    %and3A_170 = arith.andi %and3A_169, %eq3A_168 : vector<784x1024xi1>
    %jit3A_171 = arith.constant 0x7F800000 : f32
    %broadcast_in_dim3A_172 = vector.broadcast %jit3A_171 : f32 to vector<784x1024xf32>
    %select_n3A_173 = arith.select %and3A_170, %broadcast_in_dim3A_172, %select_n3A_120 : vector<784x1024xi1>, vector<784x1024xf32>
    %not3A_174 = arith.constant dense<true> : vector<784xi1>
    %not3A_175 = arith.xori %lt3A_156, %not3A_174 : vector<784xi1>
    %broadcast_in_dim3A_176 = vector.shape_cast %not3A_175 : vector<784xi1> to vector<784x1xi1>
    %broadcast_in_dim3A_177 = vector.shape_cast %reduce_min3A_147 : vector<784xf32> to vector<784x1xf32>
    %eq3A_178 = vector.broadcast %broadcast_in_dim3A_177 : vector<784x1xf32> to vector<784x16xf32>
    %eq3A_179 = arith.cmpf oeq, %select_n3A_135, %eq3A_178 : vector<784x16xf32>
    %and3A_180 = vector.broadcast %broadcast_in_dim3A_176 : vector<784x1xi1> to vector<784x16xi1>
    %and3A_181 = arith.andi %and3A_180, %eq3A_179 : vector<784x16xi1>
    %broadcast_in_dim3A_182 = vector.shape_cast %reduce_min3A_155 : vector<784xi32> to vector<784x1xi32>
    %eq3A_183 = vector.broadcast %broadcast_in_dim3A_182 : vector<784x1xi32> to vector<784x16xi32>
    %eq3A_184 = arith.cmpi eq, %get3A_32, %eq3A_183 : vector<784x16xi32>
    %and3A_185 = arith.andi %and3A_181, %eq3A_184 : vector<784x16xi1>
    %jit3A_186 = arith.constant 0x7F800000 : f32
    %broadcast_in_dim3A_187 = vector.broadcast %jit3A_186 : f32 to vector<784x16xf32>
    %select_n3A_188 = arith.select %and3A_185, %broadcast_in_dim3A_187, %select_n3A_135 : vector<784x16xi1>, vector<784x16xf32>
    %reduce_min3A_189 = arith.constant dense<0x7F800000> : vector<784xf32>
    %reduce_min3A_190 = vector.multi_reduction <minimumf>, %select_n3A_173, %reduce_min3A_189 [1] : vector<784x1024xf32> to vector<784xf32>
    %broadcast_in_dim3A_191 = vector.shape_cast %reduce_min3A_190 : vector<784xf32> to vector<784x1xf32>
    %eq3A_192 = vector.broadcast %broadcast_in_dim3A_191 : vector<784x1xf32> to vector<784x1024xf32>
    %eq3A_193 = arith.cmpf oeq, %select_n3A_173, %eq3A_192 : vector<784x1024xf32>
    %jit3A_194 = arith.constant 2147483647 : i32
    %broadcast_in_dim3A_195 = vector.broadcast %jit3A_194 : i32 to vector<784x1024xi32>
    %select_n3A_196 = arith.select %eq3A_193, %iota3A, %broadcast_in_dim3A_195 : vector<784x1024xi1>, vector<784x1024xi32>
    %reduce_min3A_197 = arith.constant dense<2147483647> : vector<784xi32>
    %reduce_min3A_198 = vector.multi_reduction <minsi>, %select_n3A_196, %reduce_min3A_197 [1] : vector<784x1024xi32> to vector<784xi32>
    %reduce_min3A_199 = arith.constant dense<0x7F800000> : vector<784xf32>
    %reduce_min3A_200 = vector.multi_reduction <minimumf>, %select_n3A_188, %reduce_min3A_199 [1] : vector<784x16xf32> to vector<784xf32>
    %broadcast_in_dim3A_201 = vector.shape_cast %reduce_min3A_200 : vector<784xf32> to vector<784x1xf32>
    %eq3A_202 = vector.broadcast %broadcast_in_dim3A_201 : vector<784x1xf32> to vector<784x16xf32>
    %eq3A_203 = arith.cmpf oeq, %select_n3A_188, %eq3A_202 : vector<784x16xf32>
    %jit3A_204 = arith.constant 2147483647 : i32
    %broadcast_in_dim3A_205 = vector.broadcast %jit3A_204 : i32 to vector<784x16xi32>
    %select_n3A_206 = arith.select %eq3A_203, %get3A_32, %broadcast_in_dim3A_205 : vector<784x16xi1>, vector<784x16xi32>
    %reduce_min3A_207 = arith.constant dense<2147483647> : vector<784xi32>
    %reduce_min3A_208 = vector.multi_reduction <minsi>, %select_n3A_206, %reduce_min3A_207 [1] : vector<784x16xi32> to vector<784xi32>
    %lt3A_209 = arith.cmpf olt, %reduce_min3A_190, %reduce_min3A_200 : vector<784xf32>
    %select_n3A_210 = arith.select %lt3A_209, %reduce_min3A_190, %reduce_min3A_200 : vector<784xi1>, vector<784xf32>
    %mul3A_211 = arith.constant 1024 : i32
    %mul3A_212 = arith.muli %arg0, %mul3A_211 : i32
    %add3A_213 = vector.broadcast %mul3A_212 : i32 to vector<784xi32>
    %add3A_214 = arith.addi %add3A_213, %reduce_min3A_198 : vector<784xi32>
    %select_n3A_215 = arith.select %lt3A_209, %add3A_214, %reduce_min3A_208 : vector<784xi1>, vector<784xi32>
    %broadcast_in_dim3A_216 = vector.shape_cast %select_n3A_210 : vector<784xf32> to vector<784x1xf32>
    %broadcast_in_dim3A_217 = vector.shape_cast %select_n3A_215 : vector<784xi32> to vector<784x1xi32>
    %broadcast_in_dim3A_218 = vector.shape_cast %lt3A_209 : vector<784xi1> to vector<784x1xi1>
    %broadcast_in_dim3A_219 = vector.shape_cast %reduce_min3A_198 : vector<784xi32> to vector<784x1xi32>
    %eq3A_220 = vector.broadcast %broadcast_in_dim3A_219 : vector<784x1xi32> to vector<784x1024xi32>
    %eq3A_221 = arith.cmpi eq, %iota3A, %eq3A_220 : vector<784x1024xi32>
    %and3A_222 = vector.broadcast %broadcast_in_dim3A_218 : vector<784x1xi1> to vector<784x1024xi1>
    %and3A_223 = arith.andi %and3A_222, %eq3A_221 : vector<784x1024xi1>
    %jit3A_224 = arith.constant 0x7F800000 : f32
    %broadcast_in_dim3A_225 = vector.broadcast %jit3A_224 : f32 to vector<784x1024xf32>
    %select_n3A_226 = arith.select %and3A_223, %broadcast_in_dim3A_225, %select_n3A_173 : vector<784x1024xi1>, vector<784x1024xf32>
    %not3A_227 = arith.constant dense<true> : vector<784xi1>
    %not3A_228 = arith.xori %lt3A_209, %not3A_227 : vector<784xi1>
    %broadcast_in_dim3A_229 = vector.shape_cast %not3A_228 : vector<784xi1> to vector<784x1xi1>
    %broadcast_in_dim3A_230 = vector.shape_cast %reduce_min3A_200 : vector<784xf32> to vector<784x1xf32>
    %eq3A_231 = vector.broadcast %broadcast_in_dim3A_230 : vector<784x1xf32> to vector<784x16xf32>
    %eq3A_232 = arith.cmpf oeq, %select_n3A_188, %eq3A_231 : vector<784x16xf32>
    %and3A_233 = vector.broadcast %broadcast_in_dim3A_229 : vector<784x1xi1> to vector<784x16xi1>
    %and3A_234 = arith.andi %and3A_233, %eq3A_232 : vector<784x16xi1>
    %broadcast_in_dim3A_235 = vector.shape_cast %reduce_min3A_208 : vector<784xi32> to vector<784x1xi32>
    %eq3A_236 = vector.broadcast %broadcast_in_dim3A_235 : vector<784x1xi32> to vector<784x16xi32>
    %eq3A_237 = arith.cmpi eq, %get3A_32, %eq3A_236 : vector<784x16xi32>
    %and3A_238 = arith.andi %and3A_234, %eq3A_237 : vector<784x16xi1>
    %jit3A_239 = arith.constant 0x7F800000 : f32
    %broadcast_in_dim3A_240 = vector.broadcast %jit3A_239 : f32 to vector<784x16xf32>
    %select_n3A_241 = arith.select %and3A_238, %broadcast_in_dim3A_240, %select_n3A_188 : vector<784x16xi1>, vector<784x16xf32>
    %reduce_min3A_242 = arith.constant dense<0x7F800000> : vector<784xf32>
    %reduce_min3A_243 = vector.multi_reduction <minimumf>, %select_n3A_226, %reduce_min3A_242 [1] : vector<784x1024xf32> to vector<784xf32>
    %broadcast_in_dim3A_244 = vector.shape_cast %reduce_min3A_243 : vector<784xf32> to vector<784x1xf32>
    %eq3A_245 = vector.broadcast %broadcast_in_dim3A_244 : vector<784x1xf32> to vector<784x1024xf32>
    %eq3A_246 = arith.cmpf oeq, %select_n3A_226, %eq3A_245 : vector<784x1024xf32>
    %jit3A_247 = arith.constant 2147483647 : i32
    %broadcast_in_dim3A_248 = vector.broadcast %jit3A_247 : i32 to vector<784x1024xi32>
    %select_n3A_249 = arith.select %eq3A_246, %iota3A, %broadcast_in_dim3A_248 : vector<784x1024xi1>, vector<784x1024xi32>
    %reduce_min3A_250 = arith.constant dense<2147483647> : vector<784xi32>
    %reduce_min3A_251 = vector.multi_reduction <minsi>, %select_n3A_249, %reduce_min3A_250 [1] : vector<784x1024xi32> to vector<784xi32>
    %reduce_min3A_252 = arith.constant dense<0x7F800000> : vector<784xf32>
    %reduce_min3A_253 = vector.multi_reduction <minimumf>, %select_n3A_241, %reduce_min3A_252 [1] : vector<784x16xf32> to vector<784xf32>
    %broadcast_in_dim3A_254 = vector.shape_cast %reduce_min3A_253 : vector<784xf32> to vector<784x1xf32>
    %eq3A_255 = vector.broadcast %broadcast_in_dim3A_254 : vector<784x1xf32> to vector<784x16xf32>
    %eq3A_256 = arith.cmpf oeq, %select_n3A_241, %eq3A_255 : vector<784x16xf32>
    %jit3A_257 = arith.constant 2147483647 : i32
    %broadcast_in_dim3A_258 = vector.broadcast %jit3A_257 : i32 to vector<784x16xi32>
    %select_n3A_259 = arith.select %eq3A_256, %get3A_32, %broadcast_in_dim3A_258 : vector<784x16xi1>, vector<784x16xi32>
    %reduce_min3A_260 = arith.constant dense<2147483647> : vector<784xi32>
    %reduce_min3A_261 = vector.multi_reduction <minsi>, %select_n3A_259, %reduce_min3A_260 [1] : vector<784x16xi32> to vector<784xi32>
    %lt3A_262 = arith.cmpf olt, %reduce_min3A_243, %reduce_min3A_253 : vector<784xf32>
    %select_n3A_263 = arith.select %lt3A_262, %reduce_min3A_243, %reduce_min3A_253 : vector<784xi1>, vector<784xf32>
    %mul3A_264 = arith.constant 1024 : i32
    %mul3A_265 = arith.muli %arg0, %mul3A_264 : i32
    %add3A_266 = vector.broadcast %mul3A_265 : i32 to vector<784xi32>
    %add3A_267 = arith.addi %add3A_266, %reduce_min3A_251 : vector<784xi32>
    %select_n3A_268 = arith.select %lt3A_262, %add3A_267, %reduce_min3A_261 : vector<784xi1>, vector<784xi32>
    %broadcast_in_dim3A_269 = vector.shape_cast %select_n3A_263 : vector<784xf32> to vector<784x1xf32>
    %broadcast_in_dim3A_270 = vector.shape_cast %select_n3A_268 : vector<784xi32> to vector<784x1xi32>
    %broadcast_in_dim3A_271 = vector.shape_cast %lt3A_262 : vector<784xi1> to vector<784x1xi1>
    %broadcast_in_dim3A_272 = vector.shape_cast %reduce_min3A_251 : vector<784xi32> to vector<784x1xi32>
    %eq3A_273 = vector.broadcast %broadcast_in_dim3A_272 : vector<784x1xi32> to vector<784x1024xi32>
    %eq3A_274 = arith.cmpi eq, %iota3A, %eq3A_273 : vector<784x1024xi32>
    %and3A_275 = vector.broadcast %broadcast_in_dim3A_271 : vector<784x1xi1> to vector<784x1024xi1>
    %and3A_276 = arith.andi %and3A_275, %eq3A_274 : vector<784x1024xi1>
    %jit3A_277 = arith.constant 0x7F800000 : f32
    %broadcast_in_dim3A_278 = vector.broadcast %jit3A_277 : f32 to vector<784x1024xf32>
    %select_n3A_279 = arith.select %and3A_276, %broadcast_in_dim3A_278, %select_n3A_226 : vector<784x1024xi1>, vector<784x1024xf32>
    %not3A_280 = arith.constant dense<true> : vector<784xi1>
    %not3A_281 = arith.xori %lt3A_262, %not3A_280 : vector<784xi1>
    %broadcast_in_dim3A_282 = vector.shape_cast %not3A_281 : vector<784xi1> to vector<784x1xi1>
    %broadcast_in_dim3A_283 = vector.shape_cast %reduce_min3A_253 : vector<784xf32> to vector<784x1xf32>
    %eq3A_284 = vector.broadcast %broadcast_in_dim3A_283 : vector<784x1xf32> to vector<784x16xf32>
    %eq3A_285 = arith.cmpf oeq, %select_n3A_241, %eq3A_284 : vector<784x16xf32>
    %and3A_286 = vector.broadcast %broadcast_in_dim3A_282 : vector<784x1xi1> to vector<784x16xi1>
    %and3A_287 = arith.andi %and3A_286, %eq3A_285 : vector<784x16xi1>
    %broadcast_in_dim3A_288 = vector.shape_cast %reduce_min3A_261 : vector<784xi32> to vector<784x1xi32>
    %eq3A_289 = vector.broadcast %broadcast_in_dim3A_288 : vector<784x1xi32> to vector<784x16xi32>
    %eq3A_290 = arith.cmpi eq, %get3A_32, %eq3A_289 : vector<784x16xi32>
    %and3A_291 = arith.andi %and3A_287, %eq3A_290 : vector<784x16xi1>
    %jit3A_292 = arith.constant 0x7F800000 : f32
    %broadcast_in_dim3A_293 = vector.broadcast %jit3A_292 : f32 to vector<784x16xf32>
    %select_n3A_294 = arith.select %and3A_291, %broadcast_in_dim3A_293, %select_n3A_241 : vector<784x16xi1>, vector<784x16xf32>
    %reduce_min3A_295 = arith.constant dense<0x7F800000> : vector<784xf32>
    %reduce_min3A_296 = vector.multi_reduction <minimumf>, %select_n3A_279, %reduce_min3A_295 [1] : vector<784x1024xf32> to vector<784xf32>
    %broadcast_in_dim3A_297 = vector.shape_cast %reduce_min3A_296 : vector<784xf32> to vector<784x1xf32>
    %eq3A_298 = vector.broadcast %broadcast_in_dim3A_297 : vector<784x1xf32> to vector<784x1024xf32>
    %eq3A_299 = arith.cmpf oeq, %select_n3A_279, %eq3A_298 : vector<784x1024xf32>
    %jit3A_300 = arith.constant 2147483647 : i32
    %broadcast_in_dim3A_301 = vector.broadcast %jit3A_300 : i32 to vector<784x1024xi32>
    %select_n3A_302 = arith.select %eq3A_299, %iota3A, %broadcast_in_dim3A_301 : vector<784x1024xi1>, vector<784x1024xi32>
    %reduce_min3A_303 = arith.constant dense<2147483647> : vector<784xi32>
    %reduce_min3A_304 = vector.multi_reduction <minsi>, %select_n3A_302, %reduce_min3A_303 [1] : vector<784x1024xi32> to vector<784xi32>
    %reduce_min3A_305 = arith.constant dense<0x7F800000> : vector<784xf32>
    %reduce_min3A_306 = vector.multi_reduction <minimumf>, %select_n3A_294, %reduce_min3A_305 [1] : vector<784x16xf32> to vector<784xf32>
    %broadcast_in_dim3A_307 = vector.shape_cast %reduce_min3A_306 : vector<784xf32> to vector<784x1xf32>
    %eq3A_308 = vector.broadcast %broadcast_in_dim3A_307 : vector<784x1xf32> to vector<784x16xf32>
    %eq3A_309 = arith.cmpf oeq, %select_n3A_294, %eq3A_308 : vector<784x16xf32>
    %jit3A_310 = arith.constant 2147483647 : i32
    %broadcast_in_dim3A_311 = vector.broadcast %jit3A_310 : i32 to vector<784x16xi32>
    %select_n3A_312 = arith.select %eq3A_309, %get3A_32, %broadcast_in_dim3A_311 : vector<784x16xi1>, vector<784x16xi32>
    %reduce_min3A_313 = arith.constant dense<2147483647> : vector<784xi32>
    %reduce_min3A_314 = vector.multi_reduction <minsi>, %select_n3A_312, %reduce_min3A_313 [1] : vector<784x16xi32> to vector<784xi32>
    %lt3A_315 = arith.cmpf olt, %reduce_min3A_296, %reduce_min3A_306 : vector<784xf32>
    %select_n3A_316 = arith.select %lt3A_315, %reduce_min3A_296, %reduce_min3A_306 : vector<784xi1>, vector<784xf32>
    %mul3A_317 = arith.constant 1024 : i32
    %mul3A_318 = arith.muli %arg0, %mul3A_317 : i32
    %add3A_319 = vector.broadcast %mul3A_318 : i32 to vector<784xi32>
    %add3A_320 = arith.addi %add3A_319, %reduce_min3A_304 : vector<784xi32>
    %select_n3A_321 = arith.select %lt3A_315, %add3A_320, %reduce_min3A_314 : vector<784xi1>, vector<784xi32>
    %broadcast_in_dim3A_322 = vector.shape_cast %select_n3A_316 : vector<784xf32> to vector<784x1xf32>
    %broadcast_in_dim3A_323 = vector.shape_cast %select_n3A_321 : vector<784xi32> to vector<784x1xi32>
    %broadcast_in_dim3A_324 = vector.shape_cast %lt3A_315 : vector<784xi1> to vector<784x1xi1>
    %broadcast_in_dim3A_325 = vector.shape_cast %reduce_min3A_304 : vector<784xi32> to vector<784x1xi32>
    %eq3A_326 = vector.broadcast %broadcast_in_dim3A_325 : vector<784x1xi32> to vector<784x1024xi32>
    %eq3A_327 = arith.cmpi eq, %iota3A, %eq3A_326 : vector<784x1024xi32>
    %and3A_328 = vector.broadcast %broadcast_in_dim3A_324 : vector<784x1xi1> to vector<784x1024xi1>
    %and3A_329 = arith.andi %and3A_328, %eq3A_327 : vector<784x1024xi1>
    %jit3A_330 = arith.constant 0x7F800000 : f32
    %broadcast_in_dim3A_331 = vector.broadcast %jit3A_330 : f32 to vector<784x1024xf32>
    %select_n3A_332 = arith.select %and3A_329, %broadcast_in_dim3A_331, %select_n3A_279 : vector<784x1024xi1>, vector<784x1024xf32>
    %not3A_333 = arith.constant dense<true> : vector<784xi1>
    %not3A_334 = arith.xori %lt3A_315, %not3A_333 : vector<784xi1>
    %broadcast_in_dim3A_335 = vector.shape_cast %not3A_334 : vector<784xi1> to vector<784x1xi1>
    %broadcast_in_dim3A_336 = vector.shape_cast %reduce_min3A_306 : vector<784xf32> to vector<784x1xf32>
    %eq3A_337 = vector.broadcast %broadcast_in_dim3A_336 : vector<784x1xf32> to vector<784x16xf32>
    %eq3A_338 = arith.cmpf oeq, %select_n3A_294, %eq3A_337 : vector<784x16xf32>
    %and3A_339 = vector.broadcast %broadcast_in_dim3A_335 : vector<784x1xi1> to vector<784x16xi1>
    %and3A_340 = arith.andi %and3A_339, %eq3A_338 : vector<784x16xi1>
    %broadcast_in_dim3A_341 = vector.shape_cast %reduce_min3A_314 : vector<784xi32> to vector<784x1xi32>
    %eq3A_342 = vector.broadcast %broadcast_in_dim3A_341 : vector<784x1xi32> to vector<784x16xi32>
    %eq3A_343 = arith.cmpi eq, %get3A_32, %eq3A_342 : vector<784x16xi32>
    %and3A_344 = arith.andi %and3A_340, %eq3A_343 : vector<784x16xi1>
    %jit3A_345 = arith.constant 0x7F800000 : f32
    %broadcast_in_dim3A_346 = vector.broadcast %jit3A_345 : f32 to vector<784x16xf32>
    %select_n3A_347 = arith.select %and3A_344, %broadcast_in_dim3A_346, %select_n3A_294 : vector<784x16xi1>, vector<784x16xf32>
    %reduce_min3A_348 = arith.constant dense<0x7F800000> : vector<784xf32>
    %reduce_min3A_349 = vector.multi_reduction <minimumf>, %select_n3A_332, %reduce_min3A_348 [1] : vector<784x1024xf32> to vector<784xf32>
    %broadcast_in_dim3A_350 = vector.shape_cast %reduce_min3A_349 : vector<784xf32> to vector<784x1xf32>
    %eq3A_351 = vector.broadcast %broadcast_in_dim3A_350 : vector<784x1xf32> to vector<784x1024xf32>
    %eq3A_352 = arith.cmpf oeq, %select_n3A_332, %eq3A_351 : vector<784x1024xf32>
    %jit3A_353 = arith.constant 2147483647 : i32
    %broadcast_in_dim3A_354 = vector.broadcast %jit3A_353 : i32 to vector<784x1024xi32>
    %select_n3A_355 = arith.select %eq3A_352, %iota3A, %broadcast_in_dim3A_354 : vector<784x1024xi1>, vector<784x1024xi32>
    %reduce_min3A_356 = arith.constant dense<2147483647> : vector<784xi32>
    %reduce_min3A_357 = vector.multi_reduction <minsi>, %select_n3A_355, %reduce_min3A_356 [1] : vector<784x1024xi32> to vector<784xi32>
    %reduce_min3A_358 = arith.constant dense<0x7F800000> : vector<784xf32>
    %reduce_min3A_359 = vector.multi_reduction <minimumf>, %select_n3A_347, %reduce_min3A_358 [1] : vector<784x16xf32> to vector<784xf32>
    %broadcast_in_dim3A_360 = vector.shape_cast %reduce_min3A_359 : vector<784xf32> to vector<784x1xf32>
    %eq3A_361 = vector.broadcast %broadcast_in_dim3A_360 : vector<784x1xf32> to vector<784x16xf32>
    %eq3A_362 = arith.cmpf oeq, %select_n3A_347, %eq3A_361 : vector<784x16xf32>
    %jit3A_363 = arith.constant 2147483647 : i32
    %broadcast_in_dim3A_364 = vector.broadcast %jit3A_363 : i32 to vector<784x16xi32>
    %select_n3A_365 = arith.select %eq3A_362, %get3A_32, %broadcast_in_dim3A_364 : vector<784x16xi1>, vector<784x16xi32>
    %reduce_min3A_366 = arith.constant dense<2147483647> : vector<784xi32>
    %reduce_min3A_367 = vector.multi_reduction <minsi>, %select_n3A_365, %reduce_min3A_366 [1] : vector<784x16xi32> to vector<784xi32>
    %lt3A_368 = arith.cmpf olt, %reduce_min3A_349, %reduce_min3A_359 : vector<784xf32>
    %select_n3A_369 = arith.select %lt3A_368, %reduce_min3A_349, %reduce_min3A_359 : vector<784xi1>, vector<784xf32>
    %mul3A_370 = arith.constant 1024 : i32
    %mul3A_371 = arith.muli %arg0, %mul3A_370 : i32
    %add3A_372 = vector.broadcast %mul3A_371 : i32 to vector<784xi32>
    %add3A_373 = arith.addi %add3A_372, %reduce_min3A_357 : vector<784xi32>
    %select_n3A_374 = arith.select %lt3A_368, %add3A_373, %reduce_min3A_367 : vector<784xi1>, vector<784xi32>
    %broadcast_in_dim3A_375 = vector.shape_cast %select_n3A_369 : vector<784xf32> to vector<784x1xf32>
    %broadcast_in_dim3A_376 = vector.shape_cast %select_n3A_374 : vector<784xi32> to vector<784x1xi32>
    %broadcast_in_dim3A_377 = vector.shape_cast %lt3A_368 : vector<784xi1> to vector<784x1xi1>
    %broadcast_in_dim3A_378 = vector.shape_cast %reduce_min3A_357 : vector<784xi32> to vector<784x1xi32>
    %eq3A_379 = vector.broadcast %broadcast_in_dim3A_378 : vector<784x1xi32> to vector<784x1024xi32>
    %eq3A_380 = arith.cmpi eq, %iota3A, %eq3A_379 : vector<784x1024xi32>
    %and3A_381 = vector.broadcast %broadcast_in_dim3A_377 : vector<784x1xi1> to vector<784x1024xi1>
    %and3A_382 = arith.andi %and3A_381, %eq3A_380 : vector<784x1024xi1>
    %jit3A_383 = arith.constant 0x7F800000 : f32
    %broadcast_in_dim3A_384 = vector.broadcast %jit3A_383 : f32 to vector<784x1024xf32>
    %select_n3A_385 = arith.select %and3A_382, %broadcast_in_dim3A_384, %select_n3A_332 : vector<784x1024xi1>, vector<784x1024xf32>
    %not3A_386 = arith.constant dense<true> : vector<784xi1>
    %not3A_387 = arith.xori %lt3A_368, %not3A_386 : vector<784xi1>
    %broadcast_in_dim3A_388 = vector.shape_cast %not3A_387 : vector<784xi1> to vector<784x1xi1>
    %broadcast_in_dim3A_389 = vector.shape_cast %reduce_min3A_359 : vector<784xf32> to vector<784x1xf32>
    %eq3A_390 = vector.broadcast %broadcast_in_dim3A_389 : vector<784x1xf32> to vector<784x16xf32>
    %eq3A_391 = arith.cmpf oeq, %select_n3A_347, %eq3A_390 : vector<784x16xf32>
    %and3A_392 = vector.broadcast %broadcast_in_dim3A_388 : vector<784x1xi1> to vector<784x16xi1>
    %and3A_393 = arith.andi %and3A_392, %eq3A_391 : vector<784x16xi1>
    %broadcast_in_dim3A_394 = vector.shape_cast %reduce_min3A_367 : vector<784xi32> to vector<784x1xi32>
    %eq3A_395 = vector.broadcast %broadcast_in_dim3A_394 : vector<784x1xi32> to vector<784x16xi32>
    %eq3A_396 = arith.cmpi eq, %get3A_32, %eq3A_395 : vector<784x16xi32>
    %and3A_397 = arith.andi %and3A_393, %eq3A_396 : vector<784x16xi1>
    %jit3A_398 = arith.constant 0x7F800000 : f32
    %broadcast_in_dim3A_399 = vector.broadcast %jit3A_398 : f32 to vector<784x16xf32>
    %select_n3A_400 = arith.select %and3A_397, %broadcast_in_dim3A_399, %select_n3A_347 : vector<784x16xi1>, vector<784x16xf32>
    %reduce_min3A_401 = arith.constant dense<0x7F800000> : vector<784xf32>
    %reduce_min3A_402 = vector.multi_reduction <minimumf>, %select_n3A_385, %reduce_min3A_401 [1] : vector<784x1024xf32> to vector<784xf32>
    %broadcast_in_dim3A_403 = vector.shape_cast %reduce_min3A_402 : vector<784xf32> to vector<784x1xf32>
    %eq3A_404 = vector.broadcast %broadcast_in_dim3A_403 : vector<784x1xf32> to vector<784x1024xf32>
    %eq3A_405 = arith.cmpf oeq, %select_n3A_385, %eq3A_404 : vector<784x1024xf32>
    %jit3A_406 = arith.constant 2147483647 : i32
    %broadcast_in_dim3A_407 = vector.broadcast %jit3A_406 : i32 to vector<784x1024xi32>
    %select_n3A_408 = arith.select %eq3A_405, %iota3A, %broadcast_in_dim3A_407 : vector<784x1024xi1>, vector<784x1024xi32>
    %reduce_min3A_409 = arith.constant dense<2147483647> : vector<784xi32>
    %reduce_min3A_410 = vector.multi_reduction <minsi>, %select_n3A_408, %reduce_min3A_409 [1] : vector<784x1024xi32> to vector<784xi32>
    %reduce_min3A_411 = arith.constant dense<0x7F800000> : vector<784xf32>
    %reduce_min3A_412 = vector.multi_reduction <minimumf>, %select_n3A_400, %reduce_min3A_411 [1] : vector<784x16xf32> to vector<784xf32>
    %broadcast_in_dim3A_413 = vector.shape_cast %reduce_min3A_412 : vector<784xf32> to vector<784x1xf32>
    %eq3A_414 = vector.broadcast %broadcast_in_dim3A_413 : vector<784x1xf32> to vector<784x16xf32>
    %eq3A_415 = arith.cmpf oeq, %select_n3A_400, %eq3A_414 : vector<784x16xf32>
    %jit3A_416 = arith.constant 2147483647 : i32
    %broadcast_in_dim3A_417 = vector.broadcast %jit3A_416 : i32 to vector<784x16xi32>
    %select_n3A_418 = arith.select %eq3A_415, %get3A_32, %broadcast_in_dim3A_417 : vector<784x16xi1>, vector<784x16xi32>
    %reduce_min3A_419 = arith.constant dense<2147483647> : vector<784xi32>
    %reduce_min3A_420 = vector.multi_reduction <minsi>, %select_n3A_418, %reduce_min3A_419 [1] : vector<784x16xi32> to vector<784xi32>
    %lt3A_421 = arith.cmpf olt, %reduce_min3A_402, %reduce_min3A_412 : vector<784xf32>
    %select_n3A_422 = arith.select %lt3A_421, %reduce_min3A_402, %reduce_min3A_412 : vector<784xi1>, vector<784xf32>
    %mul3A_423 = arith.constant 1024 : i32
    %mul3A_424 = arith.muli %arg0, %mul3A_423 : i32
    %add3A_425 = vector.broadcast %mul3A_424 : i32 to vector<784xi32>
    %add3A_426 = arith.addi %add3A_425, %reduce_min3A_410 : vector<784xi32>
    %select_n3A_427 = arith.select %lt3A_421, %add3A_426, %reduce_min3A_420 : vector<784xi1>, vector<784xi32>
    %broadcast_in_dim3A_428 = vector.shape_cast %select_n3A_422 : vector<784xf32> to vector<784x1xf32>
    %broadcast_in_dim3A_429 = vector.shape_cast %select_n3A_427 : vector<784xi32> to vector<784x1xi32>
    %broadcast_in_dim3A_430 = vector.shape_cast %lt3A_421 : vector<784xi1> to vector<784x1xi1>
    %broadcast_in_dim3A_431 = vector.shape_cast %reduce_min3A_410 : vector<784xi32> to vector<784x1xi32>
    %eq3A_432 = vector.broadcast %broadcast_in_dim3A_431 : vector<784x1xi32> to vector<784x1024xi32>
    %eq3A_433 = arith.cmpi eq, %iota3A, %eq3A_432 : vector<784x1024xi32>
    %and3A_434 = vector.broadcast %broadcast_in_dim3A_430 : vector<784x1xi1> to vector<784x1024xi1>
    %and3A_435 = arith.andi %and3A_434, %eq3A_433 : vector<784x1024xi1>
    %jit3A_436 = arith.constant 0x7F800000 : f32
    %broadcast_in_dim3A_437 = vector.broadcast %jit3A_436 : f32 to vector<784x1024xf32>
    %select_n3A_438 = arith.select %and3A_435, %broadcast_in_dim3A_437, %select_n3A_385 : vector<784x1024xi1>, vector<784x1024xf32>
    %not3A_439 = arith.constant dense<true> : vector<784xi1>
    %not3A_440 = arith.xori %lt3A_421, %not3A_439 : vector<784xi1>
    %broadcast_in_dim3A_441 = vector.shape_cast %not3A_440 : vector<784xi1> to vector<784x1xi1>
    %broadcast_in_dim3A_442 = vector.shape_cast %reduce_min3A_412 : vector<784xf32> to vector<784x1xf32>
    %eq3A_443 = vector.broadcast %broadcast_in_dim3A_442 : vector<784x1xf32> to vector<784x16xf32>
    %eq3A_444 = arith.cmpf oeq, %select_n3A_400, %eq3A_443 : vector<784x16xf32>
    %and3A_445 = vector.broadcast %broadcast_in_dim3A_441 : vector<784x1xi1> to vector<784x16xi1>
    %and3A_446 = arith.andi %and3A_445, %eq3A_444 : vector<784x16xi1>
    %broadcast_in_dim3A_447 = vector.shape_cast %reduce_min3A_420 : vector<784xi32> to vector<784x1xi32>
    %eq3A_448 = vector.broadcast %broadcast_in_dim3A_447 : vector<784x1xi32> to vector<784x16xi32>
    %eq3A_449 = arith.cmpi eq, %get3A_32, %eq3A_448 : vector<784x16xi32>
    %and3A_450 = arith.andi %and3A_446, %eq3A_449 : vector<784x16xi1>
    %jit3A_451 = arith.constant 0x7F800000 : f32
    %broadcast_in_dim3A_452 = vector.broadcast %jit3A_451 : f32 to vector<784x16xf32>
    %select_n3A_453 = arith.select %and3A_450, %broadcast_in_dim3A_452, %select_n3A_400 : vector<784x16xi1>, vector<784x16xf32>
    %reduce_min3A_454 = arith.constant dense<0x7F800000> : vector<784xf32>
    %reduce_min3A_455 = vector.multi_reduction <minimumf>, %select_n3A_438, %reduce_min3A_454 [1] : vector<784x1024xf32> to vector<784xf32>
    %broadcast_in_dim3A_456 = vector.shape_cast %reduce_min3A_455 : vector<784xf32> to vector<784x1xf32>
    %eq3A_457 = vector.broadcast %broadcast_in_dim3A_456 : vector<784x1xf32> to vector<784x1024xf32>
    %eq3A_458 = arith.cmpf oeq, %select_n3A_438, %eq3A_457 : vector<784x1024xf32>
    %jit3A_459 = arith.constant 2147483647 : i32
    %broadcast_in_dim3A_460 = vector.broadcast %jit3A_459 : i32 to vector<784x1024xi32>
    %select_n3A_461 = arith.select %eq3A_458, %iota3A, %broadcast_in_dim3A_460 : vector<784x1024xi1>, vector<784x1024xi32>
    %reduce_min3A_462 = arith.constant dense<2147483647> : vector<784xi32>
    %reduce_min3A_463 = vector.multi_reduction <minsi>, %select_n3A_461, %reduce_min3A_462 [1] : vector<784x1024xi32> to vector<784xi32>
    %reduce_min3A_464 = arith.constant dense<0x7F800000> : vector<784xf32>
    %reduce_min3A_465 = vector.multi_reduction <minimumf>, %select_n3A_453, %reduce_min3A_464 [1] : vector<784x16xf32> to vector<784xf32>
    %broadcast_in_dim3A_466 = vector.shape_cast %reduce_min3A_465 : vector<784xf32> to vector<784x1xf32>
    %eq3A_467 = vector.broadcast %broadcast_in_dim3A_466 : vector<784x1xf32> to vector<784x16xf32>
    %eq3A_468 = arith.cmpf oeq, %select_n3A_453, %eq3A_467 : vector<784x16xf32>
    %jit3A_469 = arith.constant 2147483647 : i32
    %broadcast_in_dim3A_470 = vector.broadcast %jit3A_469 : i32 to vector<784x16xi32>
    %select_n3A_471 = arith.select %eq3A_468, %get3A_32, %broadcast_in_dim3A_470 : vector<784x16xi1>, vector<784x16xi32>
    %reduce_min3A_472 = arith.constant dense<2147483647> : vector<784xi32>
    %reduce_min3A_473 = vector.multi_reduction <minsi>, %select_n3A_471, %reduce_min3A_472 [1] : vector<784x16xi32> to vector<784xi32>
    %lt3A_474 = arith.cmpf olt, %reduce_min3A_455, %reduce_min3A_465 : vector<784xf32>
    %select_n3A_475 = arith.select %lt3A_474, %reduce_min3A_455, %reduce_min3A_465 : vector<784xi1>, vector<784xf32>
    %mul3A_476 = arith.constant 1024 : i32
    %mul3A_477 = arith.muli %arg0, %mul3A_476 : i32
    %add3A_478 = vector.broadcast %mul3A_477 : i32 to vector<784xi32>
    %add3A_479 = arith.addi %add3A_478, %reduce_min3A_463 : vector<784xi32>
    %select_n3A_480 = arith.select %lt3A_474, %add3A_479, %reduce_min3A_473 : vector<784xi1>, vector<784xi32>
    %broadcast_in_dim3A_481 = vector.shape_cast %select_n3A_475 : vector<784xf32> to vector<784x1xf32>
    %broadcast_in_dim3A_482 = vector.shape_cast %select_n3A_480 : vector<784xi32> to vector<784x1xi32>
    %broadcast_in_dim3A_483 = vector.shape_cast %lt3A_474 : vector<784xi1> to vector<784x1xi1>
    %broadcast_in_dim3A_484 = vector.shape_cast %reduce_min3A_463 : vector<784xi32> to vector<784x1xi32>
    %eq3A_485 = vector.broadcast %broadcast_in_dim3A_484 : vector<784x1xi32> to vector<784x1024xi32>
    %eq3A_486 = arith.cmpi eq, %iota3A, %eq3A_485 : vector<784x1024xi32>
    %and3A_487 = vector.broadcast %broadcast_in_dim3A_483 : vector<784x1xi1> to vector<784x1024xi1>
    %and3A_488 = arith.andi %and3A_487, %eq3A_486 : vector<784x1024xi1>
    %jit3A_489 = arith.constant 0x7F800000 : f32
    %broadcast_in_dim3A_490 = vector.broadcast %jit3A_489 : f32 to vector<784x1024xf32>
    %select_n3A_491 = arith.select %and3A_488, %broadcast_in_dim3A_490, %select_n3A_438 : vector<784x1024xi1>, vector<784x1024xf32>
    %not3A_492 = arith.constant dense<true> : vector<784xi1>
    %not3A_493 = arith.xori %lt3A_474, %not3A_492 : vector<784xi1>
    %broadcast_in_dim3A_494 = vector.shape_cast %not3A_493 : vector<784xi1> to vector<784x1xi1>
    %broadcast_in_dim3A_495 = vector.shape_cast %reduce_min3A_465 : vector<784xf32> to vector<784x1xf32>
    %eq3A_496 = vector.broadcast %broadcast_in_dim3A_495 : vector<784x1xf32> to vector<784x16xf32>
    %eq3A_497 = arith.cmpf oeq, %select_n3A_453, %eq3A_496 : vector<784x16xf32>
    %and3A_498 = vector.broadcast %broadcast_in_dim3A_494 : vector<784x1xi1> to vector<784x16xi1>
    %and3A_499 = arith.andi %and3A_498, %eq3A_497 : vector<784x16xi1>
    %broadcast_in_dim3A_500 = vector.shape_cast %reduce_min3A_473 : vector<784xi32> to vector<784x1xi32>
    %eq3A_501 = vector.broadcast %broadcast_in_dim3A_500 : vector<784x1xi32> to vector<784x16xi32>
    %eq3A_502 = arith.cmpi eq, %get3A_32, %eq3A_501 : vector<784x16xi32>
    %and3A_503 = arith.andi %and3A_499, %eq3A_502 : vector<784x16xi1>
    %jit3A_504 = arith.constant 0x7F800000 : f32
    %broadcast_in_dim3A_505 = vector.broadcast %jit3A_504 : f32 to vector<784x16xf32>
    %select_n3A_506 = arith.select %and3A_503, %broadcast_in_dim3A_505, %select_n3A_453 : vector<784x16xi1>, vector<784x16xf32>
    %reduce_min3A_507 = arith.constant dense<0x7F800000> : vector<784xf32>
    %reduce_min3A_508 = vector.multi_reduction <minimumf>, %select_n3A_491, %reduce_min3A_507 [1] : vector<784x1024xf32> to vector<784xf32>
    %broadcast_in_dim3A_509 = vector.shape_cast %reduce_min3A_508 : vector<784xf32> to vector<784x1xf32>
    %eq3A_510 = vector.broadcast %broadcast_in_dim3A_509 : vector<784x1xf32> to vector<784x1024xf32>
    %eq3A_511 = arith.cmpf oeq, %select_n3A_491, %eq3A_510 : vector<784x1024xf32>
    %jit3A_512 = arith.constant 2147483647 : i32
    %broadcast_in_dim3A_513 = vector.broadcast %jit3A_512 : i32 to vector<784x1024xi32>
    %select_n3A_514 = arith.select %eq3A_511, %iota3A, %broadcast_in_dim3A_513 : vector<784x1024xi1>, vector<784x1024xi32>
    %reduce_min3A_515 = arith.constant dense<2147483647> : vector<784xi32>
    %reduce_min3A_516 = vector.multi_reduction <minsi>, %select_n3A_514, %reduce_min3A_515 [1] : vector<784x1024xi32> to vector<784xi32>
    %reduce_min3A_517 = arith.constant dense<0x7F800000> : vector<784xf32>
    %reduce_min3A_518 = vector.multi_reduction <minimumf>, %select_n3A_506, %reduce_min3A_517 [1] : vector<784x16xf32> to vector<784xf32>
    %broadcast_in_dim3A_519 = vector.shape_cast %reduce_min3A_518 : vector<784xf32> to vector<784x1xf32>
    %eq3A_520 = vector.broadcast %broadcast_in_dim3A_519 : vector<784x1xf32> to vector<784x16xf32>
    %eq3A_521 = arith.cmpf oeq, %select_n3A_506, %eq3A_520 : vector<784x16xf32>
    %jit3A_522 = arith.constant 2147483647 : i32
    %broadcast_in_dim3A_523 = vector.broadcast %jit3A_522 : i32 to vector<784x16xi32>
    %select_n3A_524 = arith.select %eq3A_521, %get3A_32, %broadcast_in_dim3A_523 : vector<784x16xi1>, vector<784x16xi32>
    %reduce_min3A_525 = arith.constant dense<2147483647> : vector<784xi32>
    %reduce_min3A_526 = vector.multi_reduction <minsi>, %select_n3A_524, %reduce_min3A_525 [1] : vector<784x16xi32> to vector<784xi32>
    %lt3A_527 = arith.cmpf olt, %reduce_min3A_508, %reduce_min3A_518 : vector<784xf32>
    %select_n3A_528 = arith.select %lt3A_527, %reduce_min3A_508, %reduce_min3A_518 : vector<784xi1>, vector<784xf32>
    %mul3A_529 = arith.constant 1024 : i32
    %mul3A_530 = arith.muli %arg0, %mul3A_529 : i32
    %add3A_531 = vector.broadcast %mul3A_530 : i32 to vector<784xi32>
    %add3A_532 = arith.addi %add3A_531, %reduce_min3A_516 : vector<784xi32>
    %select_n3A_533 = arith.select %lt3A_527, %add3A_532, %reduce_min3A_526 : vector<784xi1>, vector<784xi32>
    %broadcast_in_dim3A_534 = vector.shape_cast %select_n3A_528 : vector<784xf32> to vector<784x1xf32>
    %broadcast_in_dim3A_535 = vector.shape_cast %select_n3A_533 : vector<784xi32> to vector<784x1xi32>
    %broadcast_in_dim3A_536 = arith.constant 0x7F800000 : f32
    %broadcast_in_dim3A_537 = vector.broadcast %broadcast_in_dim3A_536 : f32 to vector<784x6xf32>
    %broadcast_in_dim3A_538 = arith.constant 0 : i32
    %broadcast_in_dim3A_539 = vector.broadcast %broadcast_in_dim3A_538 : i32 to vector<784x6xi32>
    %concatenate3A = tpu.concatenate %broadcast_in_dim3A_59, %broadcast_in_dim3A_110, %broadcast_in_dim3A_163, %broadcast_in_dim3A_216, %broadcast_in_dim3A_269, %broadcast_in_dim3A_322, %broadcast_in_dim3A_375, %broadcast_in_dim3A_428, %broadcast_in_dim3A_481, %broadcast_in_dim3A_534, %broadcast_in_dim3A_537 in 1 : vector<784x1xf32>, vector<784x1xf32>, vector<784x1xf32>, vector<784x1xf32>, vector<784x1xf32>, vector<784x1xf32>, vector<784x1xf32>, vector<784x1xf32>, vector<784x1xf32>, vector<784x1xf32>, vector<784x6xf32> -> vector<784x16xf32>
    %concatenate3A_540 = tpu.concatenate %broadcast_in_dim3A_60, %broadcast_in_dim3A_111, %broadcast_in_dim3A_164, %broadcast_in_dim3A_217, %broadcast_in_dim3A_270, %broadcast_in_dim3A_323, %broadcast_in_dim3A_376, %broadcast_in_dim3A_429, %broadcast_in_dim3A_482, %broadcast_in_dim3A_535, %broadcast_in_dim3A_539 in 1 : vector<784x1xi32>, vector<784x1xi32>, vector<784x1xi32>, vector<784x1xi32>, vector<784x1xi32>, vector<784x1xi32>, vector<784x1xi32>, vector<784x1xi32>, vector<784x1xi32>, vector<784x1xi32>, vector<784x6xi32> -> vector<784x16xi32>
    %swap3A = arith.constant 0 : index
    %swap3A_541 = arith.constant 0 : index
    %swap3A_542 = vector.load %arg4[%swap3A, %swap3A_541] : memref<784x16xf32, #tpu.memory_space<vmem>>, vector<784x16xf32>
    tpu.vector_store %arg4[%swap3A, %swap3A_541], %concatenate3A {strides = array<i32>} : memref<784x16xf32, #tpu.memory_space<vmem>>, vector<784x16xf32>,
    %swap3A_543 = arith.constant 0 : index
    %swap3A_544 = arith.constant 0 : index
    %swap3A_545 = vector.load %arg5[%swap3A_543, %swap3A_544] : memref<784x16xi32, #tpu.memory_space<vmem>>, vector<784x16xi32>
    tpu.vector_store %arg5[%swap3A_543, %swap3A_544], %concatenate3A_540 {strides = array<i32>} : memref<784x16xi32, #tpu.memory_space<vmem>>, vector<784x16xi32>,
    %eq3A_546 = arith.constant 99 : i32
    %eq3A_547 = arith.cmpi eq, %arg0, %eq3A_546 : i32
    %convert_element_type3A_548 = arith.extui %eq3A_547 : i1 to i32
    %cond3A_549 = arith.constant 0 : i32
    %cond3A_550 = arith.cmpi ne, %convert_element_type3A_548, %cond3A_549 : i32
    scf.if %cond3A_550 {
      %swap3A_551 = arith.constant 0 : index
      %swap3A_552 = arith.constant 0 : index
      %swap3A_553 = vector.load %arg3[%swap3A_551, %swap3A_552] : memref<784x16xi32, #tpu.memory_space<vmem>>, vector<784x16xi32>
      tpu.vector_store %arg3[%swap3A_551, %swap3A_552], %concatenate3A_540 {strides = array<i32>} : memref<784x16xi32, #tpu.memory_space<vmem>>, vector<784x16xi32>,
    } else {
    }
    return
  }
  func.func @transform_0(%arg0: i32) -> (i32, i32) {
    %c0_i32 = arith.constant 0 : i32
    %c0_i32_0 = arith.constant 0 : i32
    %c0_i32_1 = arith.constant 0 : i32
    return %c0_i32, %c0_i32_0 : i32, i32
  }
  func.func @transform_1(%arg0: i32) -> (i32, i32) {
    %c0_i32 = arith.constant 0 : i32
    %c0_i32_0 = arith.constant 0 : i32
    return %arg0, %c0_i32 : i32, i32
  }
  func.func @transform_2(%arg0: i32) -> (i32, i32) {
    %c0_i32 = arith.constant 0 : i32
    %c0_i32_0 = arith.constant 0 : i32
    %c0_i32_1 = arith.constant 0 : i32
    return %c0_i32, %c0_i32_0 : i32, i32
  }
}

module attributes {stable_mosaic.version = 14 : i64} {
  func.func @_omp_head_kernel(%arg0: memref<784x128xf32, #tpu.memory_space<vmem>>, %arg1: memref<10x784x128xf32, #tpu.memory_space<vmem>>, %arg2: memref<784x10xf32, #tpu.memory_space<vmem>>, %arg3: memref<784x100xf32, #tpu.memory_space<vmem>>, %arg4: memref<784x10xf32, #tpu.memory_space<vmem>>) attributes {dimension_semantics = [], scalar_prefetch = 0 : i64, scratch_operands = 0 : i64, tpu.core_type = #tpu.core_type<tc>} {
    %get3A = arith.constant 0 : index
    %get3A_0 = arith.constant 0 : index
    %get3A_1 = vector.load %arg0[%get3A, %get3A_0] : memref<784x128xf32, #tpu.memory_space<vmem>>, vector<784x128xf32>
    %bitcast_convert_type3A = tpu.bitcast %get3A_1 : vector<784x128xf32> -> vector<784x128xi32>
    %add3A = arith.constant 32767 : i32
    %add3A_2 = vector.broadcast %add3A : i32 to vector<784x128xi32>
    %add3A_3 = arith.addi %bitcast_convert_type3A, %add3A_2 : vector<784x128xi32>
    %shift_right_logical3A = arith.constant 16 : i32
    %shift_right_logical3A_4 = vector.broadcast %shift_right_logical3A : i32 to vector<784x128xi32>
    %shift_right_logical3A_5 = arith.shrui %bitcast_convert_type3A, %shift_right_logical3A_4 : vector<784x128xi32>
    %and3A = arith.constant 1 : i32
    %and3A_6 = vector.broadcast %and3A : i32 to vector<784x128xi32>
    %and3A_7 = arith.andi %shift_right_logical3A_5, %and3A_6 : vector<784x128xi32>
    %add3A_8 = arith.addi %add3A_3, %and3A_7 : vector<784x128xi32>
    %and3A_9 = arith.constant -65536 : i32
    %and3A_10 = vector.broadcast %and3A_9 : i32 to vector<784x128xi32>
    %and3A_11 = arith.andi %add3A_8, %and3A_10 : vector<784x128xi32>
    %bitcast_convert_type3A_12 = tpu.bitcast %and3A_11 : vector<784x128xi32> -> vector<784x128xf32>
    %get3A_13 = arith.constant 0 : index
    %get3A_14 = arith.constant 0 : index
    %get3A_15 = arith.constant 0 : index
    %get3A_16 = vector.load %arg1[%get3A_13, %get3A_14, %get3A_15] : memref<10x784x128xf32, #tpu.memory_space<vmem>>, vector<1x784x128xf32>
    %get3A_17 = vector.shape_cast %get3A_16 : vector<1x784x128xf32> to vector<784x128xf32>
    %bitcast_convert_type3A_18 = tpu.bitcast %get3A_17 : vector<784x128xf32> -> vector<784x128xi32>
    %add3A_19 = arith.constant 32767 : i32
    %add3A_20 = vector.broadcast %add3A_19 : i32 to vector<784x128xi32>
    %add3A_21 = arith.addi %bitcast_convert_type3A_18, %add3A_20 : vector<784x128xi32>
    %shift_right_logical3A_22 = arith.constant 16 : i32
    %shift_right_logical3A_23 = vector.broadcast %shift_right_logical3A_22 : i32 to vector<784x128xi32>
    %shift_right_logical3A_24 = arith.shrui %bitcast_convert_type3A_18, %shift_right_logical3A_23 : vector<784x128xi32>
    %and3A_25 = arith.constant 1 : i32
    %and3A_26 = vector.broadcast %and3A_25 : i32 to vector<784x128xi32>
    %and3A_27 = arith.andi %shift_right_logical3A_24, %and3A_26 : vector<784x128xi32>
    %add3A_28 = arith.addi %add3A_21, %and3A_27 : vector<784x128xi32>
    %and3A_29 = arith.constant -65536 : i32
    %and3A_30 = vector.broadcast %and3A_29 : i32 to vector<784x128xi32>
    %and3A_31 = arith.andi %add3A_28, %and3A_30 : vector<784x128xi32>
    %bitcast_convert_type3A_32 = tpu.bitcast %and3A_31 : vector<784x128xi32> -> vector<784x128xf32>
    %get3A_33 = arith.constant 1 : index
    %get3A_34 = arith.constant 0 : index
    %get3A_35 = arith.constant 0 : index
    %get3A_36 = vector.load %arg1[%get3A_33, %get3A_34, %get3A_35] : memref<10x784x128xf32, #tpu.memory_space<vmem>>, vector<1x784x128xf32>
    %get3A_37 = vector.shape_cast %get3A_36 : vector<1x784x128xf32> to vector<784x128xf32>
    %bitcast_convert_type3A_38 = tpu.bitcast %get3A_37 : vector<784x128xf32> -> vector<784x128xi32>
    %add3A_39 = arith.constant 32767 : i32
    %add3A_40 = vector.broadcast %add3A_39 : i32 to vector<784x128xi32>
    %add3A_41 = arith.addi %bitcast_convert_type3A_38, %add3A_40 : vector<784x128xi32>
    %shift_right_logical3A_42 = arith.constant 16 : i32
    %shift_right_logical3A_43 = vector.broadcast %shift_right_logical3A_42 : i32 to vector<784x128xi32>
    %shift_right_logical3A_44 = arith.shrui %bitcast_convert_type3A_38, %shift_right_logical3A_43 : vector<784x128xi32>
    %and3A_45 = arith.constant 1 : i32
    %and3A_46 = vector.broadcast %and3A_45 : i32 to vector<784x128xi32>
    %and3A_47 = arith.andi %shift_right_logical3A_44, %and3A_46 : vector<784x128xi32>
    %add3A_48 = arith.addi %add3A_41, %and3A_47 : vector<784x128xi32>
    %and3A_49 = arith.constant -65536 : i32
    %and3A_50 = vector.broadcast %and3A_49 : i32 to vector<784x128xi32>
    %and3A_51 = arith.andi %add3A_48, %and3A_50 : vector<784x128xi32>
    %bitcast_convert_type3A_52 = tpu.bitcast %and3A_51 : vector<784x128xi32> -> vector<784x128xf32>
    %get3A_53 = arith.constant 2 : index
    %get3A_54 = arith.constant 0 : index
    %get3A_55 = arith.constant 0 : index
    %get3A_56 = vector.load %arg1[%get3A_53, %get3A_54, %get3A_55] : memref<10x784x128xf32, #tpu.memory_space<vmem>>, vector<1x784x128xf32>
    %get3A_57 = vector.shape_cast %get3A_56 : vector<1x784x128xf32> to vector<784x128xf32>
    %bitcast_convert_type3A_58 = tpu.bitcast %get3A_57 : vector<784x128xf32> -> vector<784x128xi32>
    %add3A_59 = arith.constant 32767 : i32
    %add3A_60 = vector.broadcast %add3A_59 : i32 to vector<784x128xi32>
    %add3A_61 = arith.addi %bitcast_convert_type3A_58, %add3A_60 : vector<784x128xi32>
    %shift_right_logical3A_62 = arith.constant 16 : i32
    %shift_right_logical3A_63 = vector.broadcast %shift_right_logical3A_62 : i32 to vector<784x128xi32>
    %shift_right_logical3A_64 = arith.shrui %bitcast_convert_type3A_58, %shift_right_logical3A_63 : vector<784x128xi32>
    %and3A_65 = arith.constant 1 : i32
    %and3A_66 = vector.broadcast %and3A_65 : i32 to vector<784x128xi32>
    %and3A_67 = arith.andi %shift_right_logical3A_64, %and3A_66 : vector<784x128xi32>
    %add3A_68 = arith.addi %add3A_61, %and3A_67 : vector<784x128xi32>
    %and3A_69 = arith.constant -65536 : i32
    %and3A_70 = vector.broadcast %and3A_69 : i32 to vector<784x128xi32>
    %and3A_71 = arith.andi %add3A_68, %and3A_70 : vector<784x128xi32>
    %bitcast_convert_type3A_72 = tpu.bitcast %and3A_71 : vector<784x128xi32> -> vector<784x128xf32>
    %get3A_73 = arith.constant 3 : index
    %get3A_74 = arith.constant 0 : index
    %get3A_75 = arith.constant 0 : index
    %get3A_76 = vector.load %arg1[%get3A_73, %get3A_74, %get3A_75] : memref<10x784x128xf32, #tpu.memory_space<vmem>>, vector<1x784x128xf32>
    %get3A_77 = vector.shape_cast %get3A_76 : vector<1x784x128xf32> to vector<784x128xf32>
    %bitcast_convert_type3A_78 = tpu.bitcast %get3A_77 : vector<784x128xf32> -> vector<784x128xi32>
    %add3A_79 = arith.constant 32767 : i32
    %add3A_80 = vector.broadcast %add3A_79 : i32 to vector<784x128xi32>
    %add3A_81 = arith.addi %bitcast_convert_type3A_78, %add3A_80 : vector<784x128xi32>
    %shift_right_logical3A_82 = arith.constant 16 : i32
    %shift_right_logical3A_83 = vector.broadcast %shift_right_logical3A_82 : i32 to vector<784x128xi32>
    %shift_right_logical3A_84 = arith.shrui %bitcast_convert_type3A_78, %shift_right_logical3A_83 : vector<784x128xi32>
    %and3A_85 = arith.constant 1 : i32
    %and3A_86 = vector.broadcast %and3A_85 : i32 to vector<784x128xi32>
    %and3A_87 = arith.andi %shift_right_logical3A_84, %and3A_86 : vector<784x128xi32>
    %add3A_88 = arith.addi %add3A_81, %and3A_87 : vector<784x128xi32>
    %and3A_89 = arith.constant -65536 : i32
    %and3A_90 = vector.broadcast %and3A_89 : i32 to vector<784x128xi32>
    %and3A_91 = arith.andi %add3A_88, %and3A_90 : vector<784x128xi32>
    %bitcast_convert_type3A_92 = tpu.bitcast %and3A_91 : vector<784x128xi32> -> vector<784x128xf32>
    %get3A_93 = arith.constant 4 : index
    %get3A_94 = arith.constant 0 : index
    %get3A_95 = arith.constant 0 : index
    %get3A_96 = vector.load %arg1[%get3A_93, %get3A_94, %get3A_95] : memref<10x784x128xf32, #tpu.memory_space<vmem>>, vector<1x784x128xf32>
    %get3A_97 = vector.shape_cast %get3A_96 : vector<1x784x128xf32> to vector<784x128xf32>
    %bitcast_convert_type3A_98 = tpu.bitcast %get3A_97 : vector<784x128xf32> -> vector<784x128xi32>
    %add3A_99 = arith.constant 32767 : i32
    %add3A_100 = vector.broadcast %add3A_99 : i32 to vector<784x128xi32>
    %add3A_101 = arith.addi %bitcast_convert_type3A_98, %add3A_100 : vector<784x128xi32>
    %shift_right_logical3A_102 = arith.constant 16 : i32
    %shift_right_logical3A_103 = vector.broadcast %shift_right_logical3A_102 : i32 to vector<784x128xi32>
    %shift_right_logical3A_104 = arith.shrui %bitcast_convert_type3A_98, %shift_right_logical3A_103 : vector<784x128xi32>
    %and3A_105 = arith.constant 1 : i32
    %and3A_106 = vector.broadcast %and3A_105 : i32 to vector<784x128xi32>
    %and3A_107 = arith.andi %shift_right_logical3A_104, %and3A_106 : vector<784x128xi32>
    %add3A_108 = arith.addi %add3A_101, %and3A_107 : vector<784x128xi32>
    %and3A_109 = arith.constant -65536 : i32
    %and3A_110 = vector.broadcast %and3A_109 : i32 to vector<784x128xi32>
    %and3A_111 = arith.andi %add3A_108, %and3A_110 : vector<784x128xi32>
    %bitcast_convert_type3A_112 = tpu.bitcast %and3A_111 : vector<784x128xi32> -> vector<784x128xf32>
    %get3A_113 = arith.constant 5 : index
    %get3A_114 = arith.constant 0 : index
    %get3A_115 = arith.constant 0 : index
    %get3A_116 = vector.load %arg1[%get3A_113, %get3A_114, %get3A_115] : memref<10x784x128xf32, #tpu.memory_space<vmem>>, vector<1x784x128xf32>
    %get3A_117 = vector.shape_cast %get3A_116 : vector<1x784x128xf32> to vector<784x128xf32>
    %bitcast_convert_type3A_118 = tpu.bitcast %get3A_117 : vector<784x128xf32> -> vector<784x128xi32>
    %add3A_119 = arith.constant 32767 : i32
    %add3A_120 = vector.broadcast %add3A_119 : i32 to vector<784x128xi32>
    %add3A_121 = arith.addi %bitcast_convert_type3A_118, %add3A_120 : vector<784x128xi32>
    %shift_right_logical3A_122 = arith.constant 16 : i32
    %shift_right_logical3A_123 = vector.broadcast %shift_right_logical3A_122 : i32 to vector<784x128xi32>
    %shift_right_logical3A_124 = arith.shrui %bitcast_convert_type3A_118, %shift_right_logical3A_123 : vector<784x128xi32>
    %and3A_125 = arith.constant 1 : i32
    %and3A_126 = vector.broadcast %and3A_125 : i32 to vector<784x128xi32>
    %and3A_127 = arith.andi %shift_right_logical3A_124, %and3A_126 : vector<784x128xi32>
    %add3A_128 = arith.addi %add3A_121, %and3A_127 : vector<784x128xi32>
    %and3A_129 = arith.constant -65536 : i32
    %and3A_130 = vector.broadcast %and3A_129 : i32 to vector<784x128xi32>
    %and3A_131 = arith.andi %add3A_128, %and3A_130 : vector<784x128xi32>
    %bitcast_convert_type3A_132 = tpu.bitcast %and3A_131 : vector<784x128xi32> -> vector<784x128xf32>
    %get3A_133 = arith.constant 6 : index
    %get3A_134 = arith.constant 0 : index
    %get3A_135 = arith.constant 0 : index
    %get3A_136 = vector.load %arg1[%get3A_133, %get3A_134, %get3A_135] : memref<10x784x128xf32, #tpu.memory_space<vmem>>, vector<1x784x128xf32>
    %get3A_137 = vector.shape_cast %get3A_136 : vector<1x784x128xf32> to vector<784x128xf32>
    %bitcast_convert_type3A_138 = tpu.bitcast %get3A_137 : vector<784x128xf32> -> vector<784x128xi32>
    %add3A_139 = arith.constant 32767 : i32
    %add3A_140 = vector.broadcast %add3A_139 : i32 to vector<784x128xi32>
    %add3A_141 = arith.addi %bitcast_convert_type3A_138, %add3A_140 : vector<784x128xi32>
    %shift_right_logical3A_142 = arith.constant 16 : i32
    %shift_right_logical3A_143 = vector.broadcast %shift_right_logical3A_142 : i32 to vector<784x128xi32>
    %shift_right_logical3A_144 = arith.shrui %bitcast_convert_type3A_138, %shift_right_logical3A_143 : vector<784x128xi32>
    %and3A_145 = arith.constant 1 : i32
    %and3A_146 = vector.broadcast %and3A_145 : i32 to vector<784x128xi32>
    %and3A_147 = arith.andi %shift_right_logical3A_144, %and3A_146 : vector<784x128xi32>
    %add3A_148 = arith.addi %add3A_141, %and3A_147 : vector<784x128xi32>
    %and3A_149 = arith.constant -65536 : i32
    %and3A_150 = vector.broadcast %and3A_149 : i32 to vector<784x128xi32>
    %and3A_151 = arith.andi %add3A_148, %and3A_150 : vector<784x128xi32>
    %bitcast_convert_type3A_152 = tpu.bitcast %and3A_151 : vector<784x128xi32> -> vector<784x128xf32>
    %get3A_153 = arith.constant 7 : index
    %get3A_154 = arith.constant 0 : index
    %get3A_155 = arith.constant 0 : index
    %get3A_156 = vector.load %arg1[%get3A_153, %get3A_154, %get3A_155] : memref<10x784x128xf32, #tpu.memory_space<vmem>>, vector<1x784x128xf32>
    %get3A_157 = vector.shape_cast %get3A_156 : vector<1x784x128xf32> to vector<784x128xf32>
    %bitcast_convert_type3A_158 = tpu.bitcast %get3A_157 : vector<784x128xf32> -> vector<784x128xi32>
    %add3A_159 = arith.constant 32767 : i32
    %add3A_160 = vector.broadcast %add3A_159 : i32 to vector<784x128xi32>
    %add3A_161 = arith.addi %bitcast_convert_type3A_158, %add3A_160 : vector<784x128xi32>
    %shift_right_logical3A_162 = arith.constant 16 : i32
    %shift_right_logical3A_163 = vector.broadcast %shift_right_logical3A_162 : i32 to vector<784x128xi32>
    %shift_right_logical3A_164 = arith.shrui %bitcast_convert_type3A_158, %shift_right_logical3A_163 : vector<784x128xi32>
    %and3A_165 = arith.constant 1 : i32
    %and3A_166 = vector.broadcast %and3A_165 : i32 to vector<784x128xi32>
    %and3A_167 = arith.andi %shift_right_logical3A_164, %and3A_166 : vector<784x128xi32>
    %add3A_168 = arith.addi %add3A_161, %and3A_167 : vector<784x128xi32>
    %and3A_169 = arith.constant -65536 : i32
    %and3A_170 = vector.broadcast %and3A_169 : i32 to vector<784x128xi32>
    %and3A_171 = arith.andi %add3A_168, %and3A_170 : vector<784x128xi32>
    %bitcast_convert_type3A_172 = tpu.bitcast %and3A_171 : vector<784x128xi32> -> vector<784x128xf32>
    %get3A_173 = arith.constant 8 : index
    %get3A_174 = arith.constant 0 : index
    %get3A_175 = arith.constant 0 : index
    %get3A_176 = vector.load %arg1[%get3A_173, %get3A_174, %get3A_175] : memref<10x784x128xf32, #tpu.memory_space<vmem>>, vector<1x784x128xf32>
    %get3A_177 = vector.shape_cast %get3A_176 : vector<1x784x128xf32> to vector<784x128xf32>
    %bitcast_convert_type3A_178 = tpu.bitcast %get3A_177 : vector<784x128xf32> -> vector<784x128xi32>
    %add3A_179 = arith.constant 32767 : i32
    %add3A_180 = vector.broadcast %add3A_179 : i32 to vector<784x128xi32>
    %add3A_181 = arith.addi %bitcast_convert_type3A_178, %add3A_180 : vector<784x128xi32>
    %shift_right_logical3A_182 = arith.constant 16 : i32
    %shift_right_logical3A_183 = vector.broadcast %shift_right_logical3A_182 : i32 to vector<784x128xi32>
    %shift_right_logical3A_184 = arith.shrui %bitcast_convert_type3A_178, %shift_right_logical3A_183 : vector<784x128xi32>
    %and3A_185 = arith.constant 1 : i32
    %and3A_186 = vector.broadcast %and3A_185 : i32 to vector<784x128xi32>
    %and3A_187 = arith.andi %shift_right_logical3A_184, %and3A_186 : vector<784x128xi32>
    %add3A_188 = arith.addi %add3A_181, %and3A_187 : vector<784x128xi32>
    %and3A_189 = arith.constant -65536 : i32
    %and3A_190 = vector.broadcast %and3A_189 : i32 to vector<784x128xi32>
    %and3A_191 = arith.andi %add3A_188, %and3A_190 : vector<784x128xi32>
    %bitcast_convert_type3A_192 = tpu.bitcast %and3A_191 : vector<784x128xi32> -> vector<784x128xf32>
    %get3A_193 = arith.constant 9 : index
    %get3A_194 = arith.constant 0 : index
    %get3A_195 = arith.constant 0 : index
    %get3A_196 = vector.load %arg1[%get3A_193, %get3A_194, %get3A_195] : memref<10x784x128xf32, #tpu.memory_space<vmem>>, vector<1x784x128xf32>
    %get3A_197 = vector.shape_cast %get3A_196 : vector<1x784x128xf32> to vector<784x128xf32>
    %bitcast_convert_type3A_198 = tpu.bitcast %get3A_197 : vector<784x128xf32> -> vector<784x128xi32>
    %add3A_199 = arith.constant 32767 : i32
    %add3A_200 = vector.broadcast %add3A_199 : i32 to vector<784x128xi32>
    %add3A_201 = arith.addi %bitcast_convert_type3A_198, %add3A_200 : vector<784x128xi32>
    %shift_right_logical3A_202 = arith.constant 16 : i32
    %shift_right_logical3A_203 = vector.broadcast %shift_right_logical3A_202 : i32 to vector<784x128xi32>
    %shift_right_logical3A_204 = arith.shrui %bitcast_convert_type3A_198, %shift_right_logical3A_203 : vector<784x128xi32>
    %and3A_205 = arith.constant 1 : i32
    %and3A_206 = vector.broadcast %and3A_205 : i32 to vector<784x128xi32>
    %and3A_207 = arith.andi %shift_right_logical3A_204, %and3A_206 : vector<784x128xi32>
    %add3A_208 = arith.addi %add3A_201, %and3A_207 : vector<784x128xi32>
    %and3A_209 = arith.constant -65536 : i32
    %and3A_210 = vector.broadcast %and3A_209 : i32 to vector<784x128xi32>
    %and3A_211 = arith.andi %add3A_208, %and3A_210 : vector<784x128xi32>
    %bitcast_convert_type3A_212 = tpu.bitcast %and3A_211 : vector<784x128xi32> -> vector<784x128xf32>
    %mul3A = arith.mulf %bitcast_convert_type3A_32, %bitcast_convert_type3A_12 : vector<784x128xf32>
    %reduce_sum3A = arith.constant dense<0.000000e+00> : vector<784xf32>
    %reduce_sum3A_213 = vector.multi_reduction <add>, %mul3A, %reduce_sum3A [1] : vector<784x128xf32> to vector<784xf32>
    %broadcast_in_dim3A = vector.shape_cast %reduce_sum3A_213 : vector<784xf32> to vector<784x1xf32>
    %mul3A_214 = arith.mulf %bitcast_convert_type3A_52, %bitcast_convert_type3A_12 : vector<784x128xf32>
    %reduce_sum3A_215 = arith.constant dense<0.000000e+00> : vector<784xf32>
    %reduce_sum3A_216 = vector.multi_reduction <add>, %mul3A_214, %reduce_sum3A_215 [1] : vector<784x128xf32> to vector<784xf32>
    %broadcast_in_dim3A_217 = vector.shape_cast %reduce_sum3A_216 : vector<784xf32> to vector<784x1xf32>
    %mul3A_218 = arith.mulf %bitcast_convert_type3A_72, %bitcast_convert_type3A_12 : vector<784x128xf32>
    %reduce_sum3A_219 = arith.constant dense<0.000000e+00> : vector<784xf32>
    %reduce_sum3A_220 = vector.multi_reduction <add>, %mul3A_218, %reduce_sum3A_219 [1] : vector<784x128xf32> to vector<784xf32>
    %broadcast_in_dim3A_221 = vector.shape_cast %reduce_sum3A_220 : vector<784xf32> to vector<784x1xf32>
    %mul3A_222 = arith.mulf %bitcast_convert_type3A_92, %bitcast_convert_type3A_12 : vector<784x128xf32>
    %reduce_sum3A_223 = arith.constant dense<0.000000e+00> : vector<784xf32>
    %reduce_sum3A_224 = vector.multi_reduction <add>, %mul3A_222, %reduce_sum3A_223 [1] : vector<784x128xf32> to vector<784xf32>
    %broadcast_in_dim3A_225 = vector.shape_cast %reduce_sum3A_224 : vector<784xf32> to vector<784x1xf32>
    %mul3A_226 = arith.mulf %bitcast_convert_type3A_112, %bitcast_convert_type3A_12 : vector<784x128xf32>
    %reduce_sum3A_227 = arith.constant dense<0.000000e+00> : vector<784xf32>
    %reduce_sum3A_228 = vector.multi_reduction <add>, %mul3A_226, %reduce_sum3A_227 [1] : vector<784x128xf32> to vector<784xf32>
    %broadcast_in_dim3A_229 = vector.shape_cast %reduce_sum3A_228 : vector<784xf32> to vector<784x1xf32>
    %mul3A_230 = arith.mulf %bitcast_convert_type3A_132, %bitcast_convert_type3A_12 : vector<784x128xf32>
    %reduce_sum3A_231 = arith.constant dense<0.000000e+00> : vector<784xf32>
    %reduce_sum3A_232 = vector.multi_reduction <add>, %mul3A_230, %reduce_sum3A_231 [1] : vector<784x128xf32> to vector<784xf32>
    %broadcast_in_dim3A_233 = vector.shape_cast %reduce_sum3A_232 : vector<784xf32> to vector<784x1xf32>
    %mul3A_234 = arith.mulf %bitcast_convert_type3A_152, %bitcast_convert_type3A_12 : vector<784x128xf32>
    %reduce_sum3A_235 = arith.constant dense<0.000000e+00> : vector<784xf32>
    %reduce_sum3A_236 = vector.multi_reduction <add>, %mul3A_234, %reduce_sum3A_235 [1] : vector<784x128xf32> to vector<784xf32>
    %broadcast_in_dim3A_237 = vector.shape_cast %reduce_sum3A_236 : vector<784xf32> to vector<784x1xf32>
    %mul3A_238 = arith.mulf %bitcast_convert_type3A_172, %bitcast_convert_type3A_12 : vector<784x128xf32>
    %reduce_sum3A_239 = arith.constant dense<0.000000e+00> : vector<784xf32>
    %reduce_sum3A_240 = vector.multi_reduction <add>, %mul3A_238, %reduce_sum3A_239 [1] : vector<784x128xf32> to vector<784xf32>
    %broadcast_in_dim3A_241 = vector.shape_cast %reduce_sum3A_240 : vector<784xf32> to vector<784x1xf32>
    %mul3A_242 = arith.mulf %bitcast_convert_type3A_192, %bitcast_convert_type3A_12 : vector<784x128xf32>
    %reduce_sum3A_243 = arith.constant dense<0.000000e+00> : vector<784xf32>
    %reduce_sum3A_244 = vector.multi_reduction <add>, %mul3A_242, %reduce_sum3A_243 [1] : vector<784x128xf32> to vector<784xf32>
    %broadcast_in_dim3A_245 = vector.shape_cast %reduce_sum3A_244 : vector<784xf32> to vector<784x1xf32>
    %mul3A_246 = arith.mulf %bitcast_convert_type3A_212, %bitcast_convert_type3A_12 : vector<784x128xf32>
    %reduce_sum3A_247 = arith.constant dense<0.000000e+00> : vector<784xf32>
    %reduce_sum3A_248 = vector.multi_reduction <add>, %mul3A_246, %reduce_sum3A_247 [1] : vector<784x128xf32> to vector<784xf32>
    %broadcast_in_dim3A_249 = vector.shape_cast %reduce_sum3A_248 : vector<784xf32> to vector<784x1xf32>
    %concatenate3A = tpu.concatenate %broadcast_in_dim3A, %broadcast_in_dim3A_217, %broadcast_in_dim3A_221, %broadcast_in_dim3A_225, %broadcast_in_dim3A_229, %broadcast_in_dim3A_233, %broadcast_in_dim3A_237, %broadcast_in_dim3A_241, %broadcast_in_dim3A_245, %broadcast_in_dim3A_249 in 1 : vector<784x1xf32>, vector<784x1xf32>, vector<784x1xf32>, vector<784x1xf32>, vector<784x1xf32>, vector<784x1xf32>, vector<784x1xf32>, vector<784x1xf32>, vector<784x1xf32>, vector<784x1xf32> -> vector<784x10xf32>
    %swap3A = arith.constant 0 : index
    %swap3A_250 = arith.constant 0 : index
    %swap3A_251 = vector.load %arg2[%swap3A, %swap3A_250] : memref<784x10xf32, #tpu.memory_space<vmem>>, vector<784x10xf32>
    tpu.vector_store %arg2[%swap3A, %swap3A_250], %concatenate3A {strides = array<i32>} : memref<784x10xf32, #tpu.memory_space<vmem>>, vector<784x10xf32>,
    %mul3A_252 = arith.mulf %bitcast_convert_type3A_32, %bitcast_convert_type3A_32 : vector<784x128xf32>
    %reduce_sum3A_253 = arith.constant dense<0.000000e+00> : vector<784xf32>
    %reduce_sum3A_254 = vector.multi_reduction <add>, %mul3A_252, %reduce_sum3A_253 [1] : vector<784x128xf32> to vector<784xf32>
    %broadcast_in_dim3A_255 = vector.shape_cast %reduce_sum3A_254 : vector<784xf32> to vector<784x1xf32>
    %mul3A_256 = arith.mulf %bitcast_convert_type3A_32, %bitcast_convert_type3A_52 : vector<784x128xf32>
    %reduce_sum3A_257 = arith.constant dense<0.000000e+00> : vector<784xf32>
    %reduce_sum3A_258 = vector.multi_reduction <add>, %mul3A_256, %reduce_sum3A_257 [1] : vector<784x128xf32> to vector<784xf32>
    %broadcast_in_dim3A_259 = vector.shape_cast %reduce_sum3A_258 : vector<784xf32> to vector<784x1xf32>
    %mul3A_260 = arith.mulf %bitcast_convert_type3A_32, %bitcast_convert_type3A_72 : vector<784x128xf32>
    %reduce_sum3A_261 = arith.constant dense<0.000000e+00> : vector<784xf32>
    %reduce_sum3A_262 = vector.multi_reduction <add>, %mul3A_260, %reduce_sum3A_261 [1] : vector<784x128xf32> to vector<784xf32>
    %broadcast_in_dim3A_263 = vector.shape_cast %reduce_sum3A_262 : vector<784xf32> to vector<784x1xf32>
    %mul3A_264 = arith.mulf %bitcast_convert_type3A_32, %bitcast_convert_type3A_92 : vector<784x128xf32>
    %reduce_sum3A_265 = arith.constant dense<0.000000e+00> : vector<784xf32>
    %reduce_sum3A_266 = vector.multi_reduction <add>, %mul3A_264, %reduce_sum3A_265 [1] : vector<784x128xf32> to vector<784xf32>
    %broadcast_in_dim3A_267 = vector.shape_cast %reduce_sum3A_266 : vector<784xf32> to vector<784x1xf32>
    %mul3A_268 = arith.mulf %bitcast_convert_type3A_32, %bitcast_convert_type3A_112 : vector<784x128xf32>
    %reduce_sum3A_269 = arith.constant dense<0.000000e+00> : vector<784xf32>
    %reduce_sum3A_270 = vector.multi_reduction <add>, %mul3A_268, %reduce_sum3A_269 [1] : vector<784x128xf32> to vector<784xf32>
    %broadcast_in_dim3A_271 = vector.shape_cast %reduce_sum3A_270 : vector<784xf32> to vector<784x1xf32>
    %mul3A_272 = arith.mulf %bitcast_convert_type3A_32, %bitcast_convert_type3A_132 : vector<784x128xf32>
    %reduce_sum3A_273 = arith.constant dense<0.000000e+00> : vector<784xf32>
    %reduce_sum3A_274 = vector.multi_reduction <add>, %mul3A_272, %reduce_sum3A_273 [1] : vector<784x128xf32> to vector<784xf32>
    %broadcast_in_dim3A_275 = vector.shape_cast %reduce_sum3A_274 : vector<784xf32> to vector<784x1xf32>
    %mul3A_276 = arith.mulf %bitcast_convert_type3A_32, %bitcast_convert_type3A_152 : vector<784x128xf32>
    %reduce_sum3A_277 = arith.constant dense<0.000000e+00> : vector<784xf32>
    %reduce_sum3A_278 = vector.multi_reduction <add>, %mul3A_276, %reduce_sum3A_277 [1] : vector<784x128xf32> to vector<784xf32>
    %broadcast_in_dim3A_279 = vector.shape_cast %reduce_sum3A_278 : vector<784xf32> to vector<784x1xf32>
    %mul3A_280 = arith.mulf %bitcast_convert_type3A_32, %bitcast_convert_type3A_172 : vector<784x128xf32>
    %reduce_sum3A_281 = arith.constant dense<0.000000e+00> : vector<784xf32>
    %reduce_sum3A_282 = vector.multi_reduction <add>, %mul3A_280, %reduce_sum3A_281 [1] : vector<784x128xf32> to vector<784xf32>
    %broadcast_in_dim3A_283 = vector.shape_cast %reduce_sum3A_282 : vector<784xf32> to vector<784x1xf32>
    %mul3A_284 = arith.mulf %bitcast_convert_type3A_32, %bitcast_convert_type3A_192 : vector<784x128xf32>
    %reduce_sum3A_285 = arith.constant dense<0.000000e+00> : vector<784xf32>
    %reduce_sum3A_286 = vector.multi_reduction <add>, %mul3A_284, %reduce_sum3A_285 [1] : vector<784x128xf32> to vector<784xf32>
    %broadcast_in_dim3A_287 = vector.shape_cast %reduce_sum3A_286 : vector<784xf32> to vector<784x1xf32>
    %mul3A_288 = arith.mulf %bitcast_convert_type3A_32, %bitcast_convert_type3A_212 : vector<784x128xf32>
    %reduce_sum3A_289 = arith.constant dense<0.000000e+00> : vector<784xf32>
    %reduce_sum3A_290 = vector.multi_reduction <add>, %mul3A_288, %reduce_sum3A_289 [1] : vector<784x128xf32> to vector<784xf32>
    %broadcast_in_dim3A_291 = vector.shape_cast %reduce_sum3A_290 : vector<784xf32> to vector<784x1xf32>
    %mul3A_292 = arith.mulf %bitcast_convert_type3A_52, %bitcast_convert_type3A_52 : vector<784x128xf32>
    %reduce_sum3A_293 = arith.constant dense<0.000000e+00> : vector<784xf32>
    %reduce_sum3A_294 = vector.multi_reduction <add>, %mul3A_292, %reduce_sum3A_293 [1] : vector<784x128xf32> to vector<784xf32>
    %broadcast_in_dim3A_295 = vector.shape_cast %reduce_sum3A_294 : vector<784xf32> to vector<784x1xf32>
    %mul3A_296 = arith.mulf %bitcast_convert_type3A_52, %bitcast_convert_type3A_72 : vector<784x128xf32>
    %reduce_sum3A_297 = arith.constant dense<0.000000e+00> : vector<784xf32>
    %reduce_sum3A_298 = vector.multi_reduction <add>, %mul3A_296, %reduce_sum3A_297 [1] : vector<784x128xf32> to vector<784xf32>
    %broadcast_in_dim3A_299 = vector.shape_cast %reduce_sum3A_298 : vector<784xf32> to vector<784x1xf32>
    %mul3A_300 = arith.mulf %bitcast_convert_type3A_52, %bitcast_convert_type3A_92 : vector<784x128xf32>
    %reduce_sum3A_301 = arith.constant dense<0.000000e+00> : vector<784xf32>
    %reduce_sum3A_302 = vector.multi_reduction <add>, %mul3A_300, %reduce_sum3A_301 [1] : vector<784x128xf32> to vector<784xf32>
    %broadcast_in_dim3A_303 = vector.shape_cast %reduce_sum3A_302 : vector<784xf32> to vector<784x1xf32>
    %mul3A_304 = arith.mulf %bitcast_convert_type3A_52, %bitcast_convert_type3A_112 : vector<784x128xf32>
    %reduce_sum3A_305 = arith.constant dense<0.000000e+00> : vector<784xf32>
    %reduce_sum3A_306 = vector.multi_reduction <add>, %mul3A_304, %reduce_sum3A_305 [1] : vector<784x128xf32> to vector<784xf32>
    %broadcast_in_dim3A_307 = vector.shape_cast %reduce_sum3A_306 : vector<784xf32> to vector<784x1xf32>
    %mul3A_308 = arith.mulf %bitcast_convert_type3A_52, %bitcast_convert_type3A_132 : vector<784x128xf32>
    %reduce_sum3A_309 = arith.constant dense<0.000000e+00> : vector<784xf32>
    %reduce_sum3A_310 = vector.multi_reduction <add>, %mul3A_308, %reduce_sum3A_309 [1] : vector<784x128xf32> to vector<784xf32>
    %broadcast_in_dim3A_311 = vector.shape_cast %reduce_sum3A_310 : vector<784xf32> to vector<784x1xf32>
    %mul3A_312 = arith.mulf %bitcast_convert_type3A_52, %bitcast_convert_type3A_152 : vector<784x128xf32>
    %reduce_sum3A_313 = arith.constant dense<0.000000e+00> : vector<784xf32>
    %reduce_sum3A_314 = vector.multi_reduction <add>, %mul3A_312, %reduce_sum3A_313 [1] : vector<784x128xf32> to vector<784xf32>
    %broadcast_in_dim3A_315 = vector.shape_cast %reduce_sum3A_314 : vector<784xf32> to vector<784x1xf32>
    %mul3A_316 = arith.mulf %bitcast_convert_type3A_52, %bitcast_convert_type3A_172 : vector<784x128xf32>
    %reduce_sum3A_317 = arith.constant dense<0.000000e+00> : vector<784xf32>
    %reduce_sum3A_318 = vector.multi_reduction <add>, %mul3A_316, %reduce_sum3A_317 [1] : vector<784x128xf32> to vector<784xf32>
    %broadcast_in_dim3A_319 = vector.shape_cast %reduce_sum3A_318 : vector<784xf32> to vector<784x1xf32>
    %mul3A_320 = arith.mulf %bitcast_convert_type3A_52, %bitcast_convert_type3A_192 : vector<784x128xf32>
    %reduce_sum3A_321 = arith.constant dense<0.000000e+00> : vector<784xf32>
    %reduce_sum3A_322 = vector.multi_reduction <add>, %mul3A_320, %reduce_sum3A_321 [1] : vector<784x128xf32> to vector<784xf32>
    %broadcast_in_dim3A_323 = vector.shape_cast %reduce_sum3A_322 : vector<784xf32> to vector<784x1xf32>
    %mul3A_324 = arith.mulf %bitcast_convert_type3A_52, %bitcast_convert_type3A_212 : vector<784x128xf32>
    %reduce_sum3A_325 = arith.constant dense<0.000000e+00> : vector<784xf32>
    %reduce_sum3A_326 = vector.multi_reduction <add>, %mul3A_324, %reduce_sum3A_325 [1] : vector<784x128xf32> to vector<784xf32>
    %broadcast_in_dim3A_327 = vector.shape_cast %reduce_sum3A_326 : vector<784xf32> to vector<784x1xf32>
    %mul3A_328 = arith.mulf %bitcast_convert_type3A_72, %bitcast_convert_type3A_72 : vector<784x128xf32>
    %reduce_sum3A_329 = arith.constant dense<0.000000e+00> : vector<784xf32>
    %reduce_sum3A_330 = vector.multi_reduction <add>, %mul3A_328, %reduce_sum3A_329 [1] : vector<784x128xf32> to vector<784xf32>
    %broadcast_in_dim3A_331 = vector.shape_cast %reduce_sum3A_330 : vector<784xf32> to vector<784x1xf32>
    %mul3A_332 = arith.mulf %bitcast_convert_type3A_72, %bitcast_convert_type3A_92 : vector<784x128xf32>
    %reduce_sum3A_333 = arith.constant dense<0.000000e+00> : vector<784xf32>
    %reduce_sum3A_334 = vector.multi_reduction <add>, %mul3A_332, %reduce_sum3A_333 [1] : vector<784x128xf32> to vector<784xf32>
    %broadcast_in_dim3A_335 = vector.shape_cast %reduce_sum3A_334 : vector<784xf32> to vector<784x1xf32>
    %mul3A_336 = arith.mulf %bitcast_convert_type3A_72, %bitcast_convert_type3A_112 : vector<784x128xf32>
    %reduce_sum3A_337 = arith.constant dense<0.000000e+00> : vector<784xf32>
    %reduce_sum3A_338 = vector.multi_reduction <add>, %mul3A_336, %reduce_sum3A_337 [1] : vector<784x128xf32> to vector<784xf32>
    %broadcast_in_dim3A_339 = vector.shape_cast %reduce_sum3A_338 : vector<784xf32> to vector<784x1xf32>
    %mul3A_340 = arith.mulf %bitcast_convert_type3A_72, %bitcast_convert_type3A_132 : vector<784x128xf32>
    %reduce_sum3A_341 = arith.constant dense<0.000000e+00> : vector<784xf32>
    %reduce_sum3A_342 = vector.multi_reduction <add>, %mul3A_340, %reduce_sum3A_341 [1] : vector<784x128xf32> to vector<784xf32>
    %broadcast_in_dim3A_343 = vector.shape_cast %reduce_sum3A_342 : vector<784xf32> to vector<784x1xf32>
    %mul3A_344 = arith.mulf %bitcast_convert_type3A_72, %bitcast_convert_type3A_152 : vector<784x128xf32>
    %reduce_sum3A_345 = arith.constant dense<0.000000e+00> : vector<784xf32>
    %reduce_sum3A_346 = vector.multi_reduction <add>, %mul3A_344, %reduce_sum3A_345 [1] : vector<784x128xf32> to vector<784xf32>
    %broadcast_in_dim3A_347 = vector.shape_cast %reduce_sum3A_346 : vector<784xf32> to vector<784x1xf32>
    %mul3A_348 = arith.mulf %bitcast_convert_type3A_72, %bitcast_convert_type3A_172 : vector<784x128xf32>
    %reduce_sum3A_349 = arith.constant dense<0.000000e+00> : vector<784xf32>
    %reduce_sum3A_350 = vector.multi_reduction <add>, %mul3A_348, %reduce_sum3A_349 [1] : vector<784x128xf32> to vector<784xf32>
    %broadcast_in_dim3A_351 = vector.shape_cast %reduce_sum3A_350 : vector<784xf32> to vector<784x1xf32>
    %mul3A_352 = arith.mulf %bitcast_convert_type3A_72, %bitcast_convert_type3A_192 : vector<784x128xf32>
    %reduce_sum3A_353 = arith.constant dense<0.000000e+00> : vector<784xf32>
    %reduce_sum3A_354 = vector.multi_reduction <add>, %mul3A_352, %reduce_sum3A_353 [1] : vector<784x128xf32> to vector<784xf32>
    %broadcast_in_dim3A_355 = vector.shape_cast %reduce_sum3A_354 : vector<784xf32> to vector<784x1xf32>
    %mul3A_356 = arith.mulf %bitcast_convert_type3A_72, %bitcast_convert_type3A_212 : vector<784x128xf32>
    %reduce_sum3A_357 = arith.constant dense<0.000000e+00> : vector<784xf32>
    %reduce_sum3A_358 = vector.multi_reduction <add>, %mul3A_356, %reduce_sum3A_357 [1] : vector<784x128xf32> to vector<784xf32>
    %broadcast_in_dim3A_359 = vector.shape_cast %reduce_sum3A_358 : vector<784xf32> to vector<784x1xf32>
    %mul3A_360 = arith.mulf %bitcast_convert_type3A_92, %bitcast_convert_type3A_92 : vector<784x128xf32>
    %reduce_sum3A_361 = arith.constant dense<0.000000e+00> : vector<784xf32>
    %reduce_sum3A_362 = vector.multi_reduction <add>, %mul3A_360, %reduce_sum3A_361 [1] : vector<784x128xf32> to vector<784xf32>
    %broadcast_in_dim3A_363 = vector.shape_cast %reduce_sum3A_362 : vector<784xf32> to vector<784x1xf32>
    %mul3A_364 = arith.mulf %bitcast_convert_type3A_92, %bitcast_convert_type3A_112 : vector<784x128xf32>
    %reduce_sum3A_365 = arith.constant dense<0.000000e+00> : vector<784xf32>
    %reduce_sum3A_366 = vector.multi_reduction <add>, %mul3A_364, %reduce_sum3A_365 [1] : vector<784x128xf32> to vector<784xf32>
    %broadcast_in_dim3A_367 = vector.shape_cast %reduce_sum3A_366 : vector<784xf32> to vector<784x1xf32>
    %mul3A_368 = arith.mulf %bitcast_convert_type3A_92, %bitcast_convert_type3A_132 : vector<784x128xf32>
    %reduce_sum3A_369 = arith.constant dense<0.000000e+00> : vector<784xf32>
    %reduce_sum3A_370 = vector.multi_reduction <add>, %mul3A_368, %reduce_sum3A_369 [1] : vector<784x128xf32> to vector<784xf32>
    %broadcast_in_dim3A_371 = vector.shape_cast %reduce_sum3A_370 : vector<784xf32> to vector<784x1xf32>
    %mul3A_372 = arith.mulf %bitcast_convert_type3A_92, %bitcast_convert_type3A_152 : vector<784x128xf32>
    %reduce_sum3A_373 = arith.constant dense<0.000000e+00> : vector<784xf32>
    %reduce_sum3A_374 = vector.multi_reduction <add>, %mul3A_372, %reduce_sum3A_373 [1] : vector<784x128xf32> to vector<784xf32>
    %broadcast_in_dim3A_375 = vector.shape_cast %reduce_sum3A_374 : vector<784xf32> to vector<784x1xf32>
    %mul3A_376 = arith.mulf %bitcast_convert_type3A_92, %bitcast_convert_type3A_172 : vector<784x128xf32>
    %reduce_sum3A_377 = arith.constant dense<0.000000e+00> : vector<784xf32>
    %reduce_sum3A_378 = vector.multi_reduction <add>, %mul3A_376, %reduce_sum3A_377 [1] : vector<784x128xf32> to vector<784xf32>
    %broadcast_in_dim3A_379 = vector.shape_cast %reduce_sum3A_378 : vector<784xf32> to vector<784x1xf32>
    %mul3A_380 = arith.mulf %bitcast_convert_type3A_92, %bitcast_convert_type3A_192 : vector<784x128xf32>
    %reduce_sum3A_381 = arith.constant dense<0.000000e+00> : vector<784xf32>
    %reduce_sum3A_382 = vector.multi_reduction <add>, %mul3A_380, %reduce_sum3A_381 [1] : vector<784x128xf32> to vector<784xf32>
    %broadcast_in_dim3A_383 = vector.shape_cast %reduce_sum3A_382 : vector<784xf32> to vector<784x1xf32>
    %mul3A_384 = arith.mulf %bitcast_convert_type3A_92, %bitcast_convert_type3A_212 : vector<784x128xf32>
    %reduce_sum3A_385 = arith.constant dense<0.000000e+00> : vector<784xf32>
    %reduce_sum3A_386 = vector.multi_reduction <add>, %mul3A_384, %reduce_sum3A_385 [1] : vector<784x128xf32> to vector<784xf32>
    %broadcast_in_dim3A_387 = vector.shape_cast %reduce_sum3A_386 : vector<784xf32> to vector<784x1xf32>
    %mul3A_388 = arith.mulf %bitcast_convert_type3A_112, %bitcast_convert_type3A_112 : vector<784x128xf32>
    %reduce_sum3A_389 = arith.constant dense<0.000000e+00> : vector<784xf32>
    %reduce_sum3A_390 = vector.multi_reduction <add>, %mul3A_388, %reduce_sum3A_389 [1] : vector<784x128xf32> to vector<784xf32>
    %broadcast_in_dim3A_391 = vector.shape_cast %reduce_sum3A_390 : vector<784xf32> to vector<784x1xf32>
    %mul3A_392 = arith.mulf %bitcast_convert_type3A_112, %bitcast_convert_type3A_132 : vector<784x128xf32>
    %reduce_sum3A_393 = arith.constant dense<0.000000e+00> : vector<784xf32>
    %reduce_sum3A_394 = vector.multi_reduction <add>, %mul3A_392, %reduce_sum3A_393 [1] : vector<784x128xf32> to vector<784xf32>
    %broadcast_in_dim3A_395 = vector.shape_cast %reduce_sum3A_394 : vector<784xf32> to vector<784x1xf32>
    %mul3A_396 = arith.mulf %bitcast_convert_type3A_112, %bitcast_convert_type3A_152 : vector<784x128xf32>
    %reduce_sum3A_397 = arith.constant dense<0.000000e+00> : vector<784xf32>
    %reduce_sum3A_398 = vector.multi_reduction <add>, %mul3A_396, %reduce_sum3A_397 [1] : vector<784x128xf32> to vector<784xf32>
    %broadcast_in_dim3A_399 = vector.shape_cast %reduce_sum3A_398 : vector<784xf32> to vector<784x1xf32>
    %mul3A_400 = arith.mulf %bitcast_convert_type3A_112, %bitcast_convert_type3A_172 : vector<784x128xf32>
    %reduce_sum3A_401 = arith.constant dense<0.000000e+00> : vector<784xf32>
    %reduce_sum3A_402 = vector.multi_reduction <add>, %mul3A_400, %reduce_sum3A_401 [1] : vector<784x128xf32> to vector<784xf32>
    %broadcast_in_dim3A_403 = vector.shape_cast %reduce_sum3A_402 : vector<784xf32> to vector<784x1xf32>
    %mul3A_404 = arith.mulf %bitcast_convert_type3A_112, %bitcast_convert_type3A_192 : vector<784x128xf32>
    %reduce_sum3A_405 = arith.constant dense<0.000000e+00> : vector<784xf32>
    %reduce_sum3A_406 = vector.multi_reduction <add>, %mul3A_404, %reduce_sum3A_405 [1] : vector<784x128xf32> to vector<784xf32>
    %broadcast_in_dim3A_407 = vector.shape_cast %reduce_sum3A_406 : vector<784xf32> to vector<784x1xf32>
    %mul3A_408 = arith.mulf %bitcast_convert_type3A_112, %bitcast_convert_type3A_212 : vector<784x128xf32>
    %reduce_sum3A_409 = arith.constant dense<0.000000e+00> : vector<784xf32>
    %reduce_sum3A_410 = vector.multi_reduction <add>, %mul3A_408, %reduce_sum3A_409 [1] : vector<784x128xf32> to vector<784xf32>
    %broadcast_in_dim3A_411 = vector.shape_cast %reduce_sum3A_410 : vector<784xf32> to vector<784x1xf32>
    %mul3A_412 = arith.mulf %bitcast_convert_type3A_132, %bitcast_convert_type3A_132 : vector<784x128xf32>
    %reduce_sum3A_413 = arith.constant dense<0.000000e+00> : vector<784xf32>
    %reduce_sum3A_414 = vector.multi_reduction <add>, %mul3A_412, %reduce_sum3A_413 [1] : vector<784x128xf32> to vector<784xf32>
    %broadcast_in_dim3A_415 = vector.shape_cast %reduce_sum3A_414 : vector<784xf32> to vector<784x1xf32>
    %mul3A_416 = arith.mulf %bitcast_convert_type3A_132, %bitcast_convert_type3A_152 : vector<784x128xf32>
    %reduce_sum3A_417 = arith.constant dense<0.000000e+00> : vector<784xf32>
    %reduce_sum3A_418 = vector.multi_reduction <add>, %mul3A_416, %reduce_sum3A_417 [1] : vector<784x128xf32> to vector<784xf32>
    %broadcast_in_dim3A_419 = vector.shape_cast %reduce_sum3A_418 : vector<784xf32> to vector<784x1xf32>
    %mul3A_420 = arith.mulf %bitcast_convert_type3A_132, %bitcast_convert_type3A_172 : vector<784x128xf32>
    %reduce_sum3A_421 = arith.constant dense<0.000000e+00> : vector<784xf32>
    %reduce_sum3A_422 = vector.multi_reduction <add>, %mul3A_420, %reduce_sum3A_421 [1] : vector<784x128xf32> to vector<784xf32>
    %broadcast_in_dim3A_423 = vector.shape_cast %reduce_sum3A_422 : vector<784xf32> to vector<784x1xf32>
    %mul3A_424 = arith.mulf %bitcast_convert_type3A_132, %bitcast_convert_type3A_192 : vector<784x128xf32>
    %reduce_sum3A_425 = arith.constant dense<0.000000e+00> : vector<784xf32>
    %reduce_sum3A_426 = vector.multi_reduction <add>, %mul3A_424, %reduce_sum3A_425 [1] : vector<784x128xf32> to vector<784xf32>
    %broadcast_in_dim3A_427 = vector.shape_cast %reduce_sum3A_426 : vector<784xf32> to vector<784x1xf32>
    %mul3A_428 = arith.mulf %bitcast_convert_type3A_132, %bitcast_convert_type3A_212 : vector<784x128xf32>
    %reduce_sum3A_429 = arith.constant dense<0.000000e+00> : vector<784xf32>
    %reduce_sum3A_430 = vector.multi_reduction <add>, %mul3A_428, %reduce_sum3A_429 [1] : vector<784x128xf32> to vector<784xf32>
    %broadcast_in_dim3A_431 = vector.shape_cast %reduce_sum3A_430 : vector<784xf32> to vector<784x1xf32>
    %mul3A_432 = arith.mulf %bitcast_convert_type3A_152, %bitcast_convert_type3A_152 : vector<784x128xf32>
    %reduce_sum3A_433 = arith.constant dense<0.000000e+00> : vector<784xf32>
    %reduce_sum3A_434 = vector.multi_reduction <add>, %mul3A_432, %reduce_sum3A_433 [1] : vector<784x128xf32> to vector<784xf32>
    %broadcast_in_dim3A_435 = vector.shape_cast %reduce_sum3A_434 : vector<784xf32> to vector<784x1xf32>
    %mul3A_436 = arith.mulf %bitcast_convert_type3A_152, %bitcast_convert_type3A_172 : vector<784x128xf32>
    %reduce_sum3A_437 = arith.constant dense<0.000000e+00> : vector<784xf32>
    %reduce_sum3A_438 = vector.multi_reduction <add>, %mul3A_436, %reduce_sum3A_437 [1] : vector<784x128xf32> to vector<784xf32>
    %broadcast_in_dim3A_439 = vector.shape_cast %reduce_sum3A_438 : vector<784xf32> to vector<784x1xf32>
    %mul3A_440 = arith.mulf %bitcast_convert_type3A_152, %bitcast_convert_type3A_192 : vector<784x128xf32>
    %reduce_sum3A_441 = arith.constant dense<0.000000e+00> : vector<784xf32>
    %reduce_sum3A_442 = vector.multi_reduction <add>, %mul3A_440, %reduce_sum3A_441 [1] : vector<784x128xf32> to vector<784xf32>
    %broadcast_in_dim3A_443 = vector.shape_cast %reduce_sum3A_442 : vector<784xf32> to vector<784x1xf32>
    %mul3A_444 = arith.mulf %bitcast_convert_type3A_152, %bitcast_convert_type3A_212 : vector<784x128xf32>
    %reduce_sum3A_445 = arith.constant dense<0.000000e+00> : vector<784xf32>
    %reduce_sum3A_446 = vector.multi_reduction <add>, %mul3A_444, %reduce_sum3A_445 [1] : vector<784x128xf32> to vector<784xf32>
    %broadcast_in_dim3A_447 = vector.shape_cast %reduce_sum3A_446 : vector<784xf32> to vector<784x1xf32>
    %mul3A_448 = arith.mulf %bitcast_convert_type3A_172, %bitcast_convert_type3A_172 : vector<784x128xf32>
    %reduce_sum3A_449 = arith.constant dense<0.000000e+00> : vector<784xf32>
    %reduce_sum3A_450 = vector.multi_reduction <add>, %mul3A_448, %reduce_sum3A_449 [1] : vector<784x128xf32> to vector<784xf32>
    %broadcast_in_dim3A_451 = vector.shape_cast %reduce_sum3A_450 : vector<784xf32> to vector<784x1xf32>
    %mul3A_452 = arith.mulf %bitcast_convert_type3A_172, %bitcast_convert_type3A_192 : vector<784x128xf32>
    %reduce_sum3A_453 = arith.constant dense<0.000000e+00> : vector<784xf32>
    %reduce_sum3A_454 = vector.multi_reduction <add>, %mul3A_452, %reduce_sum3A_453 [1] : vector<784x128xf32> to vector<784xf32>
    %broadcast_in_dim3A_455 = vector.shape_cast %reduce_sum3A_454 : vector<784xf32> to vector<784x1xf32>
    %mul3A_456 = arith.mulf %bitcast_convert_type3A_172, %bitcast_convert_type3A_212 : vector<784x128xf32>
    %reduce_sum3A_457 = arith.constant dense<0.000000e+00> : vector<784xf32>
    %reduce_sum3A_458 = vector.multi_reduction <add>, %mul3A_456, %reduce_sum3A_457 [1] : vector<784x128xf32> to vector<784xf32>
    %broadcast_in_dim3A_459 = vector.shape_cast %reduce_sum3A_458 : vector<784xf32> to vector<784x1xf32>
    %mul3A_460 = arith.mulf %bitcast_convert_type3A_192, %bitcast_convert_type3A_192 : vector<784x128xf32>
    %reduce_sum3A_461 = arith.constant dense<0.000000e+00> : vector<784xf32>
    %reduce_sum3A_462 = vector.multi_reduction <add>, %mul3A_460, %reduce_sum3A_461 [1] : vector<784x128xf32> to vector<784xf32>
    %broadcast_in_dim3A_463 = vector.shape_cast %reduce_sum3A_462 : vector<784xf32> to vector<784x1xf32>
    %mul3A_464 = arith.mulf %bitcast_convert_type3A_192, %bitcast_convert_type3A_212 : vector<784x128xf32>
    %reduce_sum3A_465 = arith.constant dense<0.000000e+00> : vector<784xf32>
    %reduce_sum3A_466 = vector.multi_reduction <add>, %mul3A_464, %reduce_sum3A_465 [1] : vector<784x128xf32> to vector<784xf32>
    %broadcast_in_dim3A_467 = vector.shape_cast %reduce_sum3A_466 : vector<784xf32> to vector<784x1xf32>
    %mul3A_468 = arith.mulf %bitcast_convert_type3A_212, %bitcast_convert_type3A_212 : vector<784x128xf32>
    %reduce_sum3A_469 = arith.constant dense<0.000000e+00> : vector<784xf32>
    %reduce_sum3A_470 = vector.multi_reduction <add>, %mul3A_468, %reduce_sum3A_469 [1] : vector<784x128xf32> to vector<784xf32>
    %broadcast_in_dim3A_471 = vector.shape_cast %reduce_sum3A_470 : vector<784xf32> to vector<784x1xf32>
    %concatenate3A_472 = tpu.concatenate %broadcast_in_dim3A_255, %broadcast_in_dim3A_259, %broadcast_in_dim3A_263, %broadcast_in_dim3A_267, %broadcast_in_dim3A_271, %broadcast_in_dim3A_275, %broadcast_in_dim3A_279, %broadcast_in_dim3A_283, %broadcast_in_dim3A_287, %broadcast_in_dim3A_291, %broadcast_in_dim3A_259, %broadcast_in_dim3A_295, %broadcast_in_dim3A_299, %broadcast_in_dim3A_303, %broadcast_in_dim3A_307, %broadcast_in_dim3A_311, %broadcast_in_dim3A_315, %broadcast_in_dim3A_319, %broadcast_in_dim3A_323, %broadcast_in_dim3A_327, %broadcast_in_dim3A_263, %broadcast_in_dim3A_299, %broadcast_in_dim3A_331, %broadcast_in_dim3A_335, %broadcast_in_dim3A_339, %broadcast_in_dim3A_343, %broadcast_in_dim3A_347, %broadcast_in_dim3A_351, %broadcast_in_dim3A_355, %broadcast_in_dim3A_359, %broadcast_in_dim3A_267, %broadcast_in_dim3A_303, %broadcast_in_dim3A_335, %broadcast_in_dim3A_363, %broadcast_in_dim3A_367, %broadcast_in_dim3A_371, %broadcast_in_dim3A_375, %broadcast_in_dim3A_379, %broadcast_in_dim3A_383, %broadcast_in_dim3A_387, %broadcast_in_dim3A_271, %broadcast_in_dim3A_307, %broadcast_in_dim3A_339, %broadcast_in_dim3A_367, %broadcast_in_dim3A_391, %broadcast_in_dim3A_395, %broadcast_in_dim3A_399, %broadcast_in_dim3A_403, %broadcast_in_dim3A_407, %broadcast_in_dim3A_411, %broadcast_in_dim3A_275, %broadcast_in_dim3A_311, %broadcast_in_dim3A_343, %broadcast_in_dim3A_371, %broadcast_in_dim3A_395, %broadcast_in_dim3A_415, %broadcast_in_dim3A_419, %broadcast_in_dim3A_423, %broadcast_in_dim3A_427, %broadcast_in_dim3A_431, %broadcast_in_dim3A_279, %broadcast_in_dim3A_315, %broadcast_in_dim3A_347, %broadcast_in_dim3A_375, %broadcast_in_dim3A_399, %broadcast_in_dim3A_419, %broadcast_in_dim3A_435, %broadcast_in_dim3A_439, %broadcast_in_dim3A_443, %broadcast_in_dim3A_447, %broadcast_in_dim3A_283, %broadcast_in_dim3A_319, %broadcast_in_dim3A_351, %broadcast_in_dim3A_379, %broadcast_in_dim3A_403, %broadcast_in_dim3A_423, %broadcast_in_dim3A_439, %broadcast_in_dim3A_451, %broadcast_in_dim3A_455, %broadcast_in_dim3A_459, %broadcast_in_dim3A_287, %broadcast_in_dim3A_323, %broadcast_in_dim3A_355, %broadcast_in_dim3A_383, %broadcast_in_dim3A_407, %broadcast_in_dim3A_427, %broadcast_in_dim3A_443, %broadcast_in_dim3A_455, %broadcast_in_dim3A_463, %broadcast_in_dim3A_467, %broadcast_in_dim3A_291, %broadcast_in_dim3A_327, %broadcast_in_dim3A_359, %broadcast_in_dim3A_387, %broadcast_in_dim3A_411, %broadcast_in_dim3A_431, %broadcast_in_dim3A_447, %broadcast_in_dim3A_459, %broadcast_in_dim3A_467, %broadcast_in_dim3A_471 in 1 : vector<784x1xf32>, vector<784x1xf32>, vector<784x1xf32>, vector<784x1xf32>, vector<784x1xf32>, vector<784x1xf32>, vector<784x1xf32>, vector<784x1xf32>, vector<784x1xf32>, vector<784x1xf32>, vector<784x1xf32>, vector<784x1xf32>, vector<784x1xf32>, vector<784x1xf32>, vector<784x1xf32>, vector<784x1xf32>, vector<784x1xf32>, vector<784x1xf32>, vector<784x1xf32>, vector<784x1xf32>, vector<784x1xf32>, vector<784x1xf32>, vector<784x1xf32>, vector<784x1xf32>, vector<784x1xf32>, vector<784x1xf32>, vector<784x1xf32>, vector<784x1xf32>, vector<784x1xf32>, vector<784x1xf32>, vector<784x1xf32>, vector<784x1xf32>, vector<784x1xf32>, vector<784x1xf32>, vector<784x1xf32>, vector<784x1xf32>, vector<784x1xf32>, vector<784x1xf32>, vector<784x1xf32>, vector<784x1xf32>, vector<784x1xf32>, vector<784x1xf32>, vector<784x1xf32>, vector<784x1xf32>, vector<784x1xf32>, vector<784x1xf32>, vector<784x1xf32>, vector<784x1xf32>, vector<784x1xf32>, vector<784x1xf32>, vector<784x1xf32>, vector<784x1xf32>, vector<784x1xf32>, vector<784x1xf32>, vector<784x1xf32>, vector<784x1xf32>, vector<784x1xf32>, vector<784x1xf32>, vector<784x1xf32>, vector<784x1xf32>, vector<784x1xf32>, vector<784x1xf32>, vector<784x1xf32>, vector<784x1xf32>, vector<784x1xf32>, vector<784x1xf32>, vector<784x1xf32>, vector<784x1xf32>, vector<784x1xf32>, vector<784x1xf32>, vector<784x1xf32>, vector<784x1xf32>, vector<784x1xf32>, vector<784x1xf32>, vector<784x1xf32>, vector<784x1xf32>, vector<784x1xf32>, vector<784x1xf32>, vector<784x1xf32>, vector<784x1xf32>, vector<784x1xf32>, vector<784x1xf32>, vector<784x1xf32>, vector<784x1xf32>, vector<784x1xf32>, vector<784x1xf32>, vector<784x1xf32>, vector<784x1xf32>, vector<784x1xf32>, vector<784x1xf32>, vector<784x1xf32>, vector<784x1xf32>, vector<784x1xf32>, vector<784x1xf32>, vector<784x1xf32>, vector<784x1xf32>, vector<784x1xf32>, vector<784x1xf32>, vector<784x1xf32>, vector<784x1xf32> -> vector<784x100xf32>
    %swap3A_473 = arith.constant 0 : index
    %swap3A_474 = arith.constant 0 : index
    %swap3A_475 = vector.load %arg3[%swap3A_473, %swap3A_474] : memref<784x100xf32, #tpu.memory_space<vmem>>, vector<784x100xf32>
    tpu.vector_store %arg3[%swap3A_473, %swap3A_474], %concatenate3A_472 {strides = array<i32>} : memref<784x100xf32, #tpu.memory_space<vmem>>, vector<784x100xf32>,
    %abs3A = math.absf %concatenate3A : vector<784x10xf32>
    %reduce_max3A = arith.constant dense<0xFF800000> : vector<784xf32>
    %reduce_max3A_476 = vector.multi_reduction <maximumf>, %abs3A, %reduce_max3A [1] : vector<784x10xf32> to vector<784xf32>
    %iota3A = tpu.iota {dimensions = array<i32: 1>} : vector<784x10xi32>
    %broadcast_in_dim3A_477 = vector.shape_cast %reduce_max3A_476 : vector<784xf32> to vector<784x1xf32>
    %eq3A = vector.broadcast %broadcast_in_dim3A_477 : vector<784x1xf32> to vector<784x10xf32>
    %eq3A_478 = arith.cmpf oeq, %abs3A, %eq3A : vector<784x10xf32>
    %jit3A = arith.constant 2147483647 : i32
    %broadcast_in_dim3A_479 = vector.broadcast %jit3A : i32 to vector<784x10xi32>
    %select_n3A = arith.select %eq3A_478, %iota3A, %broadcast_in_dim3A_479 : vector<784x10xi1>, vector<784x10xi32>
    %reduce_min3A = arith.constant dense<2147483647> : vector<784xi32>
    %reduce_min3A_480 = vector.multi_reduction <minsi>, %select_n3A, %reduce_min3A [1] : vector<784x10xi32> to vector<784xi32>
    %broadcast_in_dim3A_481 = vector.shape_cast %reduce_min3A_480 : vector<784xi32> to vector<784x1xi32>
    %eq3A_482 = vector.broadcast %broadcast_in_dim3A_481 : vector<784x1xi32> to vector<784x10xi32>
    %eq3A_483 = arith.cmpi eq, %iota3A, %eq3A_482 : vector<784x10xi32>
    %convert_element_type3A = arith.extui %eq3A_483 : vector<784x10xi1> to vector<784x10xi32>
    %convert_element_type3A_484 = arith.sitofp %convert_element_type3A : vector<784x10xi32> to vector<784x10xf32>
    %swap3A_485 = arith.constant 0 : index
    %swap3A_486 = arith.constant 0 : index
    %swap3A_487 = vector.load %arg4[%swap3A_485, %swap3A_486] : memref<784x10xf32, #tpu.memory_space<vmem>>, vector<784x10xf32>
    tpu.vector_store %arg4[%swap3A_485, %swap3A_486], %convert_element_type3A_484 {strides = array<i32>} : memref<784x10xf32, #tpu.memory_space<vmem>>, vector<784x10xf32>,
    return
  }
}

module attributes {stable_mosaic.version = 14 : i64} {
  func.func @_omp_select_kernel(%arg0: memref<784x128xf32, #tpu.memory_space<vmem>>, %arg1: memref<10x784x128xf32, #tpu.memory_space<vmem>>, %arg2: memref<784x10xf32, #tpu.memory_space<vmem>>, %arg3: memref<784x10xf32, #tpu.memory_space<vmem>>, %arg4: memref<784x10xf32, #tpu.memory_space<vmem>>) attributes {dimension_semantics = [], scalar_prefetch = 0 : i64, scratch_operands = 0 : i64, tpu.core_type = #tpu.core_type<tc>} {
    %get3A = arith.constant 0 : index
    %get3A_0 = arith.constant 0 : index
    %get3A_1 = vector.load %arg0[%get3A, %get3A_0] : memref<784x128xf32, #tpu.memory_space<vmem>>, vector<784x128xf32>
    %get3A_2 = arith.constant 0 : index
    %get3A_3 = arith.constant 0 : index
    %get3A_4 = arith.constant 0 : index
    %get3A_5 = vector.load %arg1[%get3A_2, %get3A_3, %get3A_4] : memref<10x784x128xf32, #tpu.memory_space<vmem>>, vector<1x784x128xf32>
    %get3A_6 = vector.shape_cast %get3A_5 : vector<1x784x128xf32> to vector<784x128xf32>
    %bitcast_convert_type3A = tpu.bitcast %get3A_6 : vector<784x128xf32> -> vector<784x128xi32>
    %add3A = arith.constant 32767 : i32
    %add3A_7 = vector.broadcast %add3A : i32 to vector<784x128xi32>
    %add3A_8 = arith.addi %bitcast_convert_type3A, %add3A_7 : vector<784x128xi32>
    %shift_right_logical3A = arith.constant 16 : i32
    %shift_right_logical3A_9 = vector.broadcast %shift_right_logical3A : i32 to vector<784x128xi32>
    %shift_right_logical3A_10 = arith.shrui %bitcast_convert_type3A, %shift_right_logical3A_9 : vector<784x128xi32>
    %and3A = arith.constant 1 : i32
    %and3A_11 = vector.broadcast %and3A : i32 to vector<784x128xi32>
    %and3A_12 = arith.andi %shift_right_logical3A_10, %and3A_11 : vector<784x128xi32>
    %add3A_13 = arith.addi %add3A_8, %and3A_12 : vector<784x128xi32>
    %and3A_14 = arith.constant -65536 : i32
    %and3A_15 = vector.broadcast %and3A_14 : i32 to vector<784x128xi32>
    %and3A_16 = arith.andi %add3A_13, %and3A_15 : vector<784x128xi32>
    %bitcast_convert_type3A_17 = tpu.bitcast %and3A_16 : vector<784x128xi32> -> vector<784x128xf32>
    %get3A_18 = arith.constant 1 : index
    %get3A_19 = arith.constant 0 : index
    %get3A_20 = arith.constant 0 : index
    %get3A_21 = vector.load %arg1[%get3A_18, %get3A_19, %get3A_20] : memref<10x784x128xf32, #tpu.memory_space<vmem>>, vector<1x784x128xf32>
    %get3A_22 = vector.shape_cast %get3A_21 : vector<1x784x128xf32> to vector<784x128xf32>
    %bitcast_convert_type3A_23 = tpu.bitcast %get3A_22 : vector<784x128xf32> -> vector<784x128xi32>
    %add3A_24 = arith.constant 32767 : i32
    %add3A_25 = vector.broadcast %add3A_24 : i32 to vector<784x128xi32>
    %add3A_26 = arith.addi %bitcast_convert_type3A_23, %add3A_25 : vector<784x128xi32>
    %shift_right_logical3A_27 = arith.constant 16 : i32
    %shift_right_logical3A_28 = vector.broadcast %shift_right_logical3A_27 : i32 to vector<784x128xi32>
    %shift_right_logical3A_29 = arith.shrui %bitcast_convert_type3A_23, %shift_right_logical3A_28 : vector<784x128xi32>
    %and3A_30 = arith.constant 1 : i32
    %and3A_31 = vector.broadcast %and3A_30 : i32 to vector<784x128xi32>
    %and3A_32 = arith.andi %shift_right_logical3A_29, %and3A_31 : vector<784x128xi32>
    %add3A_33 = arith.addi %add3A_26, %and3A_32 : vector<784x128xi32>
    %and3A_34 = arith.constant -65536 : i32
    %and3A_35 = vector.broadcast %and3A_34 : i32 to vector<784x128xi32>
    %and3A_36 = arith.andi %add3A_33, %and3A_35 : vector<784x128xi32>
    %bitcast_convert_type3A_37 = tpu.bitcast %and3A_36 : vector<784x128xi32> -> vector<784x128xf32>
    %get3A_38 = arith.constant 2 : index
    %get3A_39 = arith.constant 0 : index
    %get3A_40 = arith.constant 0 : index
    %get3A_41 = vector.load %arg1[%get3A_38, %get3A_39, %get3A_40] : memref<10x784x128xf32, #tpu.memory_space<vmem>>, vector<1x784x128xf32>
    %get3A_42 = vector.shape_cast %get3A_41 : vector<1x784x128xf32> to vector<784x128xf32>
    %bitcast_convert_type3A_43 = tpu.bitcast %get3A_42 : vector<784x128xf32> -> vector<784x128xi32>
    %add3A_44 = arith.constant 32767 : i32
    %add3A_45 = vector.broadcast %add3A_44 : i32 to vector<784x128xi32>
    %add3A_46 = arith.addi %bitcast_convert_type3A_43, %add3A_45 : vector<784x128xi32>
    %shift_right_logical3A_47 = arith.constant 16 : i32
    %shift_right_logical3A_48 = vector.broadcast %shift_right_logical3A_47 : i32 to vector<784x128xi32>
    %shift_right_logical3A_49 = arith.shrui %bitcast_convert_type3A_43, %shift_right_logical3A_48 : vector<784x128xi32>
    %and3A_50 = arith.constant 1 : i32
    %and3A_51 = vector.broadcast %and3A_50 : i32 to vector<784x128xi32>
    %and3A_52 = arith.andi %shift_right_logical3A_49, %and3A_51 : vector<784x128xi32>
    %add3A_53 = arith.addi %add3A_46, %and3A_52 : vector<784x128xi32>
    %and3A_54 = arith.constant -65536 : i32
    %and3A_55 = vector.broadcast %and3A_54 : i32 to vector<784x128xi32>
    %and3A_56 = arith.andi %add3A_53, %and3A_55 : vector<784x128xi32>
    %bitcast_convert_type3A_57 = tpu.bitcast %and3A_56 : vector<784x128xi32> -> vector<784x128xf32>
    %get3A_58 = arith.constant 3 : index
    %get3A_59 = arith.constant 0 : index
    %get3A_60 = arith.constant 0 : index
    %get3A_61 = vector.load %arg1[%get3A_58, %get3A_59, %get3A_60] : memref<10x784x128xf32, #tpu.memory_space<vmem>>, vector<1x784x128xf32>
    %get3A_62 = vector.shape_cast %get3A_61 : vector<1x784x128xf32> to vector<784x128xf32>
    %bitcast_convert_type3A_63 = tpu.bitcast %get3A_62 : vector<784x128xf32> -> vector<784x128xi32>
    %add3A_64 = arith.constant 32767 : i32
    %add3A_65 = vector.broadcast %add3A_64 : i32 to vector<784x128xi32>
    %add3A_66 = arith.addi %bitcast_convert_type3A_63, %add3A_65 : vector<784x128xi32>
    %shift_right_logical3A_67 = arith.constant 16 : i32
    %shift_right_logical3A_68 = vector.broadcast %shift_right_logical3A_67 : i32 to vector<784x128xi32>
    %shift_right_logical3A_69 = arith.shrui %bitcast_convert_type3A_63, %shift_right_logical3A_68 : vector<784x128xi32>
    %and3A_70 = arith.constant 1 : i32
    %and3A_71 = vector.broadcast %and3A_70 : i32 to vector<784x128xi32>
    %and3A_72 = arith.andi %shift_right_logical3A_69, %and3A_71 : vector<784x128xi32>
    %add3A_73 = arith.addi %add3A_66, %and3A_72 : vector<784x128xi32>
    %and3A_74 = arith.constant -65536 : i32
    %and3A_75 = vector.broadcast %and3A_74 : i32 to vector<784x128xi32>
    %and3A_76 = arith.andi %add3A_73, %and3A_75 : vector<784x128xi32>
    %bitcast_convert_type3A_77 = tpu.bitcast %and3A_76 : vector<784x128xi32> -> vector<784x128xf32>
    %get3A_78 = arith.constant 4 : index
    %get3A_79 = arith.constant 0 : index
    %get3A_80 = arith.constant 0 : index
    %get3A_81 = vector.load %arg1[%get3A_78, %get3A_79, %get3A_80] : memref<10x784x128xf32, #tpu.memory_space<vmem>>, vector<1x784x128xf32>
    %get3A_82 = vector.shape_cast %get3A_81 : vector<1x784x128xf32> to vector<784x128xf32>
    %bitcast_convert_type3A_83 = tpu.bitcast %get3A_82 : vector<784x128xf32> -> vector<784x128xi32>
    %add3A_84 = arith.constant 32767 : i32
    %add3A_85 = vector.broadcast %add3A_84 : i32 to vector<784x128xi32>
    %add3A_86 = arith.addi %bitcast_convert_type3A_83, %add3A_85 : vector<784x128xi32>
    %shift_right_logical3A_87 = arith.constant 16 : i32
    %shift_right_logical3A_88 = vector.broadcast %shift_right_logical3A_87 : i32 to vector<784x128xi32>
    %shift_right_logical3A_89 = arith.shrui %bitcast_convert_type3A_83, %shift_right_logical3A_88 : vector<784x128xi32>
    %and3A_90 = arith.constant 1 : i32
    %and3A_91 = vector.broadcast %and3A_90 : i32 to vector<784x128xi32>
    %and3A_92 = arith.andi %shift_right_logical3A_89, %and3A_91 : vector<784x128xi32>
    %add3A_93 = arith.addi %add3A_86, %and3A_92 : vector<784x128xi32>
    %and3A_94 = arith.constant -65536 : i32
    %and3A_95 = vector.broadcast %and3A_94 : i32 to vector<784x128xi32>
    %and3A_96 = arith.andi %add3A_93, %and3A_95 : vector<784x128xi32>
    %bitcast_convert_type3A_97 = tpu.bitcast %and3A_96 : vector<784x128xi32> -> vector<784x128xf32>
    %get3A_98 = arith.constant 5 : index
    %get3A_99 = arith.constant 0 : index
    %get3A_100 = arith.constant 0 : index
    %get3A_101 = vector.load %arg1[%get3A_98, %get3A_99, %get3A_100] : memref<10x784x128xf32, #tpu.memory_space<vmem>>, vector<1x784x128xf32>
    %get3A_102 = vector.shape_cast %get3A_101 : vector<1x784x128xf32> to vector<784x128xf32>
    %bitcast_convert_type3A_103 = tpu.bitcast %get3A_102 : vector<784x128xf32> -> vector<784x128xi32>
    %add3A_104 = arith.constant 32767 : i32
    %add3A_105 = vector.broadcast %add3A_104 : i32 to vector<784x128xi32>
    %add3A_106 = arith.addi %bitcast_convert_type3A_103, %add3A_105 : vector<784x128xi32>
    %shift_right_logical3A_107 = arith.constant 16 : i32
    %shift_right_logical3A_108 = vector.broadcast %shift_right_logical3A_107 : i32 to vector<784x128xi32>
    %shift_right_logical3A_109 = arith.shrui %bitcast_convert_type3A_103, %shift_right_logical3A_108 : vector<784x128xi32>
    %and3A_110 = arith.constant 1 : i32
    %and3A_111 = vector.broadcast %and3A_110 : i32 to vector<784x128xi32>
    %and3A_112 = arith.andi %shift_right_logical3A_109, %and3A_111 : vector<784x128xi32>
    %add3A_113 = arith.addi %add3A_106, %and3A_112 : vector<784x128xi32>
    %and3A_114 = arith.constant -65536 : i32
    %and3A_115 = vector.broadcast %and3A_114 : i32 to vector<784x128xi32>
    %and3A_116 = arith.andi %add3A_113, %and3A_115 : vector<784x128xi32>
    %bitcast_convert_type3A_117 = tpu.bitcast %and3A_116 : vector<784x128xi32> -> vector<784x128xf32>
    %get3A_118 = arith.constant 6 : index
    %get3A_119 = arith.constant 0 : index
    %get3A_120 = arith.constant 0 : index
    %get3A_121 = vector.load %arg1[%get3A_118, %get3A_119, %get3A_120] : memref<10x784x128xf32, #tpu.memory_space<vmem>>, vector<1x784x128xf32>
    %get3A_122 = vector.shape_cast %get3A_121 : vector<1x784x128xf32> to vector<784x128xf32>
    %bitcast_convert_type3A_123 = tpu.bitcast %get3A_122 : vector<784x128xf32> -> vector<784x128xi32>
    %add3A_124 = arith.constant 32767 : i32
    %add3A_125 = vector.broadcast %add3A_124 : i32 to vector<784x128xi32>
    %add3A_126 = arith.addi %bitcast_convert_type3A_123, %add3A_125 : vector<784x128xi32>
    %shift_right_logical3A_127 = arith.constant 16 : i32
    %shift_right_logical3A_128 = vector.broadcast %shift_right_logical3A_127 : i32 to vector<784x128xi32>
    %shift_right_logical3A_129 = arith.shrui %bitcast_convert_type3A_123, %shift_right_logical3A_128 : vector<784x128xi32>
    %and3A_130 = arith.constant 1 : i32
    %and3A_131 = vector.broadcast %and3A_130 : i32 to vector<784x128xi32>
    %and3A_132 = arith.andi %shift_right_logical3A_129, %and3A_131 : vector<784x128xi32>
    %add3A_133 = arith.addi %add3A_126, %and3A_132 : vector<784x128xi32>
    %and3A_134 = arith.constant -65536 : i32
    %and3A_135 = vector.broadcast %and3A_134 : i32 to vector<784x128xi32>
    %and3A_136 = arith.andi %add3A_133, %and3A_135 : vector<784x128xi32>
    %bitcast_convert_type3A_137 = tpu.bitcast %and3A_136 : vector<784x128xi32> -> vector<784x128xf32>
    %get3A_138 = arith.constant 7 : index
    %get3A_139 = arith.constant 0 : index
    %get3A_140 = arith.constant 0 : index
    %get3A_141 = vector.load %arg1[%get3A_138, %get3A_139, %get3A_140] : memref<10x784x128xf32, #tpu.memory_space<vmem>>, vector<1x784x128xf32>
    %get3A_142 = vector.shape_cast %get3A_141 : vector<1x784x128xf32> to vector<784x128xf32>
    %bitcast_convert_type3A_143 = tpu.bitcast %get3A_142 : vector<784x128xf32> -> vector<784x128xi32>
    %add3A_144 = arith.constant 32767 : i32
    %add3A_145 = vector.broadcast %add3A_144 : i32 to vector<784x128xi32>
    %add3A_146 = arith.addi %bitcast_convert_type3A_143, %add3A_145 : vector<784x128xi32>
    %shift_right_logical3A_147 = arith.constant 16 : i32
    %shift_right_logical3A_148 = vector.broadcast %shift_right_logical3A_147 : i32 to vector<784x128xi32>
    %shift_right_logical3A_149 = arith.shrui %bitcast_convert_type3A_143, %shift_right_logical3A_148 : vector<784x128xi32>
    %and3A_150 = arith.constant 1 : i32
    %and3A_151 = vector.broadcast %and3A_150 : i32 to vector<784x128xi32>
    %and3A_152 = arith.andi %shift_right_logical3A_149, %and3A_151 : vector<784x128xi32>
    %add3A_153 = arith.addi %add3A_146, %and3A_152 : vector<784x128xi32>
    %and3A_154 = arith.constant -65536 : i32
    %and3A_155 = vector.broadcast %and3A_154 : i32 to vector<784x128xi32>
    %and3A_156 = arith.andi %add3A_153, %and3A_155 : vector<784x128xi32>
    %bitcast_convert_type3A_157 = tpu.bitcast %and3A_156 : vector<784x128xi32> -> vector<784x128xf32>
    %get3A_158 = arith.constant 8 : index
    %get3A_159 = arith.constant 0 : index
    %get3A_160 = arith.constant 0 : index
    %get3A_161 = vector.load %arg1[%get3A_158, %get3A_159, %get3A_160] : memref<10x784x128xf32, #tpu.memory_space<vmem>>, vector<1x784x128xf32>
    %get3A_162 = vector.shape_cast %get3A_161 : vector<1x784x128xf32> to vector<784x128xf32>
    %bitcast_convert_type3A_163 = tpu.bitcast %get3A_162 : vector<784x128xf32> -> vector<784x128xi32>
    %add3A_164 = arith.constant 32767 : i32
    %add3A_165 = vector.broadcast %add3A_164 : i32 to vector<784x128xi32>
    %add3A_166 = arith.addi %bitcast_convert_type3A_163, %add3A_165 : vector<784x128xi32>
    %shift_right_logical3A_167 = arith.constant 16 : i32
    %shift_right_logical3A_168 = vector.broadcast %shift_right_logical3A_167 : i32 to vector<784x128xi32>
    %shift_right_logical3A_169 = arith.shrui %bitcast_convert_type3A_163, %shift_right_logical3A_168 : vector<784x128xi32>
    %and3A_170 = arith.constant 1 : i32
    %and3A_171 = vector.broadcast %and3A_170 : i32 to vector<784x128xi32>
    %and3A_172 = arith.andi %shift_right_logical3A_169, %and3A_171 : vector<784x128xi32>
    %add3A_173 = arith.addi %add3A_166, %and3A_172 : vector<784x128xi32>
    %and3A_174 = arith.constant -65536 : i32
    %and3A_175 = vector.broadcast %and3A_174 : i32 to vector<784x128xi32>
    %and3A_176 = arith.andi %add3A_173, %and3A_175 : vector<784x128xi32>
    %bitcast_convert_type3A_177 = tpu.bitcast %and3A_176 : vector<784x128xi32> -> vector<784x128xf32>
    %get3A_178 = arith.constant 9 : index
    %get3A_179 = arith.constant 0 : index
    %get3A_180 = arith.constant 0 : index
    %get3A_181 = vector.load %arg1[%get3A_178, %get3A_179, %get3A_180] : memref<10x784x128xf32, #tpu.memory_space<vmem>>, vector<1x784x128xf32>
    %get3A_182 = vector.shape_cast %get3A_181 : vector<1x784x128xf32> to vector<784x128xf32>
    %bitcast_convert_type3A_183 = tpu.bitcast %get3A_182 : vector<784x128xf32> -> vector<784x128xi32>
    %add3A_184 = arith.constant 32767 : i32
    %add3A_185 = vector.broadcast %add3A_184 : i32 to vector<784x128xi32>
    %add3A_186 = arith.addi %bitcast_convert_type3A_183, %add3A_185 : vector<784x128xi32>
    %shift_right_logical3A_187 = arith.constant 16 : i32
    %shift_right_logical3A_188 = vector.broadcast %shift_right_logical3A_187 : i32 to vector<784x128xi32>
    %shift_right_logical3A_189 = arith.shrui %bitcast_convert_type3A_183, %shift_right_logical3A_188 : vector<784x128xi32>
    %and3A_190 = arith.constant 1 : i32
    %and3A_191 = vector.broadcast %and3A_190 : i32 to vector<784x128xi32>
    %and3A_192 = arith.andi %shift_right_logical3A_189, %and3A_191 : vector<784x128xi32>
    %add3A_193 = arith.addi %add3A_186, %and3A_192 : vector<784x128xi32>
    %and3A_194 = arith.constant -65536 : i32
    %and3A_195 = vector.broadcast %and3A_194 : i32 to vector<784x128xi32>
    %and3A_196 = arith.andi %add3A_193, %and3A_195 : vector<784x128xi32>
    %bitcast_convert_type3A_197 = tpu.bitcast %and3A_196 : vector<784x128xi32> -> vector<784x128xf32>
    %get3A_198 = arith.constant 0 : index
    %get3A_199 = arith.constant 0 : index
    %get3A_200 = vector.load %arg2[%get3A_198, %get3A_199] : memref<784x10xf32, #tpu.memory_space<vmem>>, vector<784x10xf32>
    %bitcast_convert_type3A_201 = tpu.bitcast %get3A_200 : vector<784x10xf32> -> vector<784x10xi32>
    %add3A_202 = arith.constant 32767 : i32
    %add3A_203 = vector.broadcast %add3A_202 : i32 to vector<784x10xi32>
    %add3A_204 = arith.addi %bitcast_convert_type3A_201, %add3A_203 : vector<784x10xi32>
    %shift_right_logical3A_205 = arith.constant 16 : i32
    %shift_right_logical3A_206 = vector.broadcast %shift_right_logical3A_205 : i32 to vector<784x10xi32>
    %shift_right_logical3A_207 = arith.shrui %bitcast_convert_type3A_201, %shift_right_logical3A_206 : vector<784x10xi32>
    %and3A_208 = arith.constant 1 : i32
    %and3A_209 = vector.broadcast %and3A_208 : i32 to vector<784x10xi32>
    %and3A_210 = arith.andi %shift_right_logical3A_207, %and3A_209 : vector<784x10xi32>
    %add3A_211 = arith.addi %add3A_204, %and3A_210 : vector<784x10xi32>
    %and3A_212 = arith.constant -65536 : i32
    %and3A_213 = vector.broadcast %and3A_212 : i32 to vector<784x10xi32>
    %and3A_214 = arith.andi %add3A_211, %and3A_213 : vector<784x10xi32>
    %bitcast_convert_type3A_215 = tpu.bitcast %and3A_214 : vector<784x10xi32> -> vector<784x10xf32>
    %broadcast_in_dim3A = arith.constant 0.000000e+00 : f32
    %broadcast_in_dim3A_216 = vector.broadcast %broadcast_in_dim3A : f32 to vector<784x128xf32>
    %slice3A = vector.extract_strided_slice %bitcast_convert_type3A_215 {offsets = [0, 0], sizes = [784, 1], strides = [1, 1]} : vector<784x10xf32> to vector<784x1xf32>
    %mul3A = vector.broadcast %slice3A : vector<784x1xf32> to vector<784x128xf32>
    %mul3A_217 = arith.mulf %mul3A, %bitcast_convert_type3A_17 : vector<784x128xf32>
    %add3A_218 = arith.addf %broadcast_in_dim3A_216, %mul3A_217 : vector<784x128xf32>
    %slice3A_219 = vector.extract_strided_slice %bitcast_convert_type3A_215 {offsets = [0, 1], sizes = [784, 1], strides = [1, 1]} : vector<784x10xf32> to vector<784x1xf32>
    %mul3A_220 = vector.broadcast %slice3A_219 : vector<784x1xf32> to vector<784x128xf32>
    %mul3A_221 = arith.mulf %mul3A_220, %bitcast_convert_type3A_37 : vector<784x128xf32>
    %add3A_222 = arith.addf %add3A_218, %mul3A_221 : vector<784x128xf32>
    %slice3A_223 = vector.extract_strided_slice %bitcast_convert_type3A_215 {offsets = [0, 2], sizes = [784, 1], strides = [1, 1]} : vector<784x10xf32> to vector<784x1xf32>
    %mul3A_224 = vector.broadcast %slice3A_223 : vector<784x1xf32> to vector<784x128xf32>
    %mul3A_225 = arith.mulf %mul3A_224, %bitcast_convert_type3A_57 : vector<784x128xf32>
    %add3A_226 = arith.addf %add3A_222, %mul3A_225 : vector<784x128xf32>
    %slice3A_227 = vector.extract_strided_slice %bitcast_convert_type3A_215 {offsets = [0, 3], sizes = [784, 1], strides = [1, 1]} : vector<784x10xf32> to vector<784x1xf32>
    %mul3A_228 = vector.broadcast %slice3A_227 : vector<784x1xf32> to vector<784x128xf32>
    %mul3A_229 = arith.mulf %mul3A_228, %bitcast_convert_type3A_77 : vector<784x128xf32>
    %add3A_230 = arith.addf %add3A_226, %mul3A_229 : vector<784x128xf32>
    %slice3A_231 = vector.extract_strided_slice %bitcast_convert_type3A_215 {offsets = [0, 4], sizes = [784, 1], strides = [1, 1]} : vector<784x10xf32> to vector<784x1xf32>
    %mul3A_232 = vector.broadcast %slice3A_231 : vector<784x1xf32> to vector<784x128xf32>
    %mul3A_233 = arith.mulf %mul3A_232, %bitcast_convert_type3A_97 : vector<784x128xf32>
    %add3A_234 = arith.addf %add3A_230, %mul3A_233 : vector<784x128xf32>
    %slice3A_235 = vector.extract_strided_slice %bitcast_convert_type3A_215 {offsets = [0, 5], sizes = [784, 1], strides = [1, 1]} : vector<784x10xf32> to vector<784x1xf32>
    %mul3A_236 = vector.broadcast %slice3A_235 : vector<784x1xf32> to vector<784x128xf32>
    %mul3A_237 = arith.mulf %mul3A_236, %bitcast_convert_type3A_117 : vector<784x128xf32>
    %add3A_238 = arith.addf %add3A_234, %mul3A_237 : vector<784x128xf32>
    %slice3A_239 = vector.extract_strided_slice %bitcast_convert_type3A_215 {offsets = [0, 6], sizes = [784, 1], strides = [1, 1]} : vector<784x10xf32> to vector<784x1xf32>
    %mul3A_240 = vector.broadcast %slice3A_239 : vector<784x1xf32> to vector<784x128xf32>
    %mul3A_241 = arith.mulf %mul3A_240, %bitcast_convert_type3A_137 : vector<784x128xf32>
    %add3A_242 = arith.addf %add3A_238, %mul3A_241 : vector<784x128xf32>
    %slice3A_243 = vector.extract_strided_slice %bitcast_convert_type3A_215 {offsets = [0, 7], sizes = [784, 1], strides = [1, 1]} : vector<784x10xf32> to vector<784x1xf32>
    %mul3A_244 = vector.broadcast %slice3A_243 : vector<784x1xf32> to vector<784x128xf32>
    %mul3A_245 = arith.mulf %mul3A_244, %bitcast_convert_type3A_157 : vector<784x128xf32>
    %add3A_246 = arith.addf %add3A_242, %mul3A_245 : vector<784x128xf32>
    %slice3A_247 = vector.extract_strided_slice %bitcast_convert_type3A_215 {offsets = [0, 8], sizes = [784, 1], strides = [1, 1]} : vector<784x10xf32> to vector<784x1xf32>
    %mul3A_248 = vector.broadcast %slice3A_247 : vector<784x1xf32> to vector<784x128xf32>
    %mul3A_249 = arith.mulf %mul3A_248, %bitcast_convert_type3A_177 : vector<784x128xf32>
    %add3A_250 = arith.addf %add3A_246, %mul3A_249 : vector<784x128xf32>
    %slice3A_251 = vector.extract_strided_slice %bitcast_convert_type3A_215 {offsets = [0, 9], sizes = [784, 1], strides = [1, 1]} : vector<784x10xf32> to vector<784x1xf32>
    %mul3A_252 = vector.broadcast %slice3A_251 : vector<784x1xf32> to vector<784x128xf32>
    %mul3A_253 = arith.mulf %mul3A_252, %bitcast_convert_type3A_197 : vector<784x128xf32>
    %add3A_254 = arith.addf %add3A_250, %mul3A_253 : vector<784x128xf32>
    %sub3A = arith.subf %get3A_1, %add3A_254 : vector<784x128xf32>
    %bitcast_convert_type3A_255 = tpu.bitcast %sub3A : vector<784x128xf32> -> vector<784x128xi32>
    %add3A_256 = arith.constant 32767 : i32
    %add3A_257 = vector.broadcast %add3A_256 : i32 to vector<784x128xi32>
    %add3A_258 = arith.addi %bitcast_convert_type3A_255, %add3A_257 : vector<784x128xi32>
    %shift_right_logical3A_259 = arith.constant 16 : i32
    %shift_right_logical3A_260 = vector.broadcast %shift_right_logical3A_259 : i32 to vector<784x128xi32>
    %shift_right_logical3A_261 = arith.shrui %bitcast_convert_type3A_255, %shift_right_logical3A_260 : vector<784x128xi32>
    %and3A_262 = arith.constant 1 : i32
    %and3A_263 = vector.broadcast %and3A_262 : i32 to vector<784x128xi32>
    %and3A_264 = arith.andi %shift_right_logical3A_261, %and3A_263 : vector<784x128xi32>
    %add3A_265 = arith.addi %add3A_258, %and3A_264 : vector<784x128xi32>
    %and3A_266 = arith.constant -65536 : i32
    %and3A_267 = vector.broadcast %and3A_266 : i32 to vector<784x128xi32>
    %and3A_268 = arith.andi %add3A_265, %and3A_267 : vector<784x128xi32>
    %bitcast_convert_type3A_269 = tpu.bitcast %and3A_268 : vector<784x128xi32> -> vector<784x128xf32>
    %mul3A_270 = arith.mulf %bitcast_convert_type3A_17, %bitcast_convert_type3A_269 : vector<784x128xf32>
    %reduce_sum3A = arith.constant dense<0.000000e+00> : vector<784xf32>
    %reduce_sum3A_271 = vector.multi_reduction <add>, %mul3A_270, %reduce_sum3A [1] : vector<784x128xf32> to vector<784xf32>
    %broadcast_in_dim3A_272 = vector.shape_cast %reduce_sum3A_271 : vector<784xf32> to vector<784x1xf32>
    %mul3A_273 = arith.mulf %bitcast_convert_type3A_37, %bitcast_convert_type3A_269 : vector<784x128xf32>
    %reduce_sum3A_274 = arith.constant dense<0.000000e+00> : vector<784xf32>
    %reduce_sum3A_275 = vector.multi_reduction <add>, %mul3A_273, %reduce_sum3A_274 [1] : vector<784x128xf32> to vector<784xf32>
    %broadcast_in_dim3A_276 = vector.shape_cast %reduce_sum3A_275 : vector<784xf32> to vector<784x1xf32>
    %mul3A_277 = arith.mulf %bitcast_convert_type3A_57, %bitcast_convert_type3A_269 : vector<784x128xf32>
    %reduce_sum3A_278 = arith.constant dense<0.000000e+00> : vector<784xf32>
    %reduce_sum3A_279 = vector.multi_reduction <add>, %mul3A_277, %reduce_sum3A_278 [1] : vector<784x128xf32> to vector<784xf32>
    %broadcast_in_dim3A_280 = vector.shape_cast %reduce_sum3A_279 : vector<784xf32> to vector<784x1xf32>
    %mul3A_281 = arith.mulf %bitcast_convert_type3A_77, %bitcast_convert_type3A_269 : vector<784x128xf32>
    %reduce_sum3A_282 = arith.constant dense<0.000000e+00> : vector<784xf32>
    %reduce_sum3A_283 = vector.multi_reduction <add>, %mul3A_281, %reduce_sum3A_282 [1] : vector<784x128xf32> to vector<784xf32>
    %broadcast_in_dim3A_284 = vector.shape_cast %reduce_sum3A_283 : vector<784xf32> to vector<784x1xf32>
    %mul3A_285 = arith.mulf %bitcast_convert_type3A_97, %bitcast_convert_type3A_269 : vector<784x128xf32>
    %reduce_sum3A_286 = arith.constant dense<0.000000e+00> : vector<784xf32>
    %reduce_sum3A_287 = vector.multi_reduction <add>, %mul3A_285, %reduce_sum3A_286 [1] : vector<784x128xf32> to vector<784xf32>
    %broadcast_in_dim3A_288 = vector.shape_cast %reduce_sum3A_287 : vector<784xf32> to vector<784x1xf32>
    %mul3A_289 = arith.mulf %bitcast_convert_type3A_117, %bitcast_convert_type3A_269 : vector<784x128xf32>
    %reduce_sum3A_290 = arith.constant dense<0.000000e+00> : vector<784xf32>
    %reduce_sum3A_291 = vector.multi_reduction <add>, %mul3A_289, %reduce_sum3A_290 [1] : vector<784x128xf32> to vector<784xf32>
    %broadcast_in_dim3A_292 = vector.shape_cast %reduce_sum3A_291 : vector<784xf32> to vector<784x1xf32>
    %mul3A_293 = arith.mulf %bitcast_convert_type3A_137, %bitcast_convert_type3A_269 : vector<784x128xf32>
    %reduce_sum3A_294 = arith.constant dense<0.000000e+00> : vector<784xf32>
    %reduce_sum3A_295 = vector.multi_reduction <add>, %mul3A_293, %reduce_sum3A_294 [1] : vector<784x128xf32> to vector<784xf32>
    %broadcast_in_dim3A_296 = vector.shape_cast %reduce_sum3A_295 : vector<784xf32> to vector<784x1xf32>
    %mul3A_297 = arith.mulf %bitcast_convert_type3A_157, %bitcast_convert_type3A_269 : vector<784x128xf32>
    %reduce_sum3A_298 = arith.constant dense<0.000000e+00> : vector<784xf32>
    %reduce_sum3A_299 = vector.multi_reduction <add>, %mul3A_297, %reduce_sum3A_298 [1] : vector<784x128xf32> to vector<784xf32>
    %broadcast_in_dim3A_300 = vector.shape_cast %reduce_sum3A_299 : vector<784xf32> to vector<784x1xf32>
    %mul3A_301 = arith.mulf %bitcast_convert_type3A_177, %bitcast_convert_type3A_269 : vector<784x128xf32>
    %reduce_sum3A_302 = arith.constant dense<0.000000e+00> : vector<784xf32>
    %reduce_sum3A_303 = vector.multi_reduction <add>, %mul3A_301, %reduce_sum3A_302 [1] : vector<784x128xf32> to vector<784xf32>
    %broadcast_in_dim3A_304 = vector.shape_cast %reduce_sum3A_303 : vector<784xf32> to vector<784x1xf32>
    %mul3A_305 = arith.mulf %bitcast_convert_type3A_197, %bitcast_convert_type3A_269 : vector<784x128xf32>
    %reduce_sum3A_306 = arith.constant dense<0.000000e+00> : vector<784xf32>
    %reduce_sum3A_307 = vector.multi_reduction <add>, %mul3A_305, %reduce_sum3A_306 [1] : vector<784x128xf32> to vector<784xf32>
    %broadcast_in_dim3A_308 = vector.shape_cast %reduce_sum3A_307 : vector<784xf32> to vector<784x1xf32>
    %concatenate3A = tpu.concatenate %broadcast_in_dim3A_272, %broadcast_in_dim3A_276, %broadcast_in_dim3A_280, %broadcast_in_dim3A_284, %broadcast_in_dim3A_288, %broadcast_in_dim3A_292, %broadcast_in_dim3A_296, %broadcast_in_dim3A_300, %broadcast_in_dim3A_304, %broadcast_in_dim3A_308 in 1 : vector<784x1xf32>, vector<784x1xf32>, vector<784x1xf32>, vector<784x1xf32>, vector<784x1xf32>, vector<784x1xf32>, vector<784x1xf32>, vector<784x1xf32>, vector<784x1xf32>, vector<784x1xf32> -> vector<784x10xf32>
    %abs3A = math.absf %concatenate3A : vector<784x10xf32>
    %get3A_309 = arith.constant 0 : index
    %get3A_310 = arith.constant 0 : index
    %get3A_311 = vector.load %arg3[%get3A_309, %get3A_310] : memref<784x10xf32, #tpu.memory_space<vmem>>, vector<784x10xf32>
    %gt3A = arith.constant 0.000000e+00 : f32
    %gt3A_312 = vector.broadcast %gt3A : f32 to vector<784x10xf32>
    %gt3A_313 = arith.cmpf ogt, %get3A_311, %gt3A_312 : vector<784x10xf32>
    %jit3A = arith.constant 0xFF800000 : f32
    %broadcast_in_dim3A_314 = vector.broadcast %jit3A : f32 to vector<784x10xf32>
    %select_n3A = arith.select %gt3A_313, %broadcast_in_dim3A_314, %abs3A : vector<784x10xi1>, vector<784x10xf32>
    %reduce_max3A = arith.constant dense<0xFF800000> : vector<784xf32>
    %reduce_max3A_315 = vector.multi_reduction <maximumf>, %select_n3A, %reduce_max3A [1] : vector<784x10xf32> to vector<784xf32>
    %iota3A = tpu.iota {dimensions = array<i32: 1>} : vector<784x10xi32>
    %broadcast_in_dim3A_316 = vector.shape_cast %reduce_max3A_315 : vector<784xf32> to vector<784x1xf32>
    %eq3A = vector.broadcast %broadcast_in_dim3A_316 : vector<784x1xf32> to vector<784x10xf32>
    %eq3A_317 = arith.cmpf oeq, %select_n3A, %eq3A : vector<784x10xf32>
    %jit3A_318 = arith.constant 2147483647 : i32
    %broadcast_in_dim3A_319 = vector.broadcast %jit3A_318 : i32 to vector<784x10xi32>
    %select_n3A_320 = arith.select %eq3A_317, %iota3A, %broadcast_in_dim3A_319 : vector<784x10xi1>, vector<784x10xi32>
    %reduce_min3A = arith.constant dense<2147483647> : vector<784xi32>
    %reduce_min3A_321 = vector.multi_reduction <minsi>, %select_n3A_320, %reduce_min3A [1] : vector<784x10xi32> to vector<784xi32>
    %broadcast_in_dim3A_322 = vector.shape_cast %reduce_min3A_321 : vector<784xi32> to vector<784x1xi32>
    %eq3A_323 = vector.broadcast %broadcast_in_dim3A_322 : vector<784x1xi32> to vector<784x10xi32>
    %eq3A_324 = arith.cmpi eq, %iota3A, %eq3A_323 : vector<784x10xi32>
    %convert_element_type3A = arith.extui %eq3A_324 : vector<784x10xi1> to vector<784x10xi32>
    %convert_element_type3A_325 = arith.sitofp %convert_element_type3A : vector<784x10xi32> to vector<784x10xf32>
    %swap3A = arith.constant 0 : index
    %swap3A_326 = arith.constant 0 : index
    %swap3A_327 = vector.load %arg4[%swap3A, %swap3A_326] : memref<784x10xf32, #tpu.memory_space<vmem>>, vector<784x10xf32>
    tpu.vector_store %arg4[%swap3A, %swap3A_326], %convert_element_type3A_325 {strides = array<i32>} : memref<784x10xf32, #tpu.memory_space<vmem>>, vector<784x10xf32>,
    return
  }
}

module attributes {stable_mosaic.version = 14 : i64} {
  func.func @_omp_final_kernel(%arg0: memref<784x128xf32, #tpu.memory_space<vmem>>, %arg1: memref<10x784x128xf32, #tpu.memory_space<vmem>>, %arg2: memref<784x10xf32, #tpu.memory_space<vmem>>, %arg3: memref<784x100xf32, #tpu.memory_space<vmem>>, %arg4: memref<784x10xf32, #tpu.memory_space<vmem>>, %arg5: memref<784x10xf32, #tpu.memory_space<vmem>>, %arg6: memref<784x10xf32, #tpu.memory_space<vmem>>, %arg7: memref<784x128xf32, #tpu.memory_space<vmem>>, %arg8: memref<784x128xf32, #tpu.memory_space<vmem>>, %arg9: memref<1x1xf32, #tpu.memory_space<vmem>>) attributes {dimension_semantics = [], scalar_prefetch = 0 : i64, scratch_operands = 0 : i64, tpu.core_type = #tpu.core_type<tc>} {
    %get3A = arith.constant 0 : index
    %get3A_0 = arith.constant 0 : index
    %get3A_1 = vector.load %arg0[%get3A, %get3A_0] : memref<784x128xf32, #tpu.memory_space<vmem>>, vector<784x128xf32>
    %get3A_2 = arith.constant 0 : index
    %get3A_3 = arith.constant 0 : index
    %get3A_4 = arith.constant 0 : index
    %get3A_5 = vector.load %arg1[%get3A_2, %get3A_3, %get3A_4] : memref<10x784x128xf32, #tpu.memory_space<vmem>>, vector<1x784x128xf32>
    %get3A_6 = vector.shape_cast %get3A_5 : vector<1x784x128xf32> to vector<784x128xf32>
    %swap3A = arith.constant 0 : index
    %swap3A_7 = arith.constant 0 : index
    %swap3A_8 = vector.load %arg7[%swap3A, %swap3A_7] : memref<784x128xf32, #tpu.memory_space<vmem>>, vector<784x128xf32>
    tpu.vector_store %arg7[%swap3A, %swap3A_7], %get3A_6 {strides = array<i32>} : memref<784x128xf32, #tpu.memory_space<vmem>>, vector<784x128xf32>,
    %get3A_9 = arith.constant 0 : index
    %get3A_10 = arith.constant 0 : index
    %get3A_11 = arith.constant 0 : index
    %get3A_12 = vector.load %arg1[%get3A_9, %get3A_10, %get3A_11] : memref<10x784x128xf32, #tpu.memory_space<vmem>>, vector<1x784x128xf32>
    %get3A_13 = vector.shape_cast %get3A_12 : vector<1x784x128xf32> to vector<784x128xf32>
    %get3A_14 = arith.constant 1 : index
    %get3A_15 = arith.constant 0 : index
    %get3A_16 = arith.constant 0 : index
    %get3A_17 = vector.load %arg1[%get3A_14, %get3A_15, %get3A_16] : memref<10x784x128xf32, #tpu.memory_space<vmem>>, vector<1x784x128xf32>
    %get3A_18 = vector.shape_cast %get3A_17 : vector<1x784x128xf32> to vector<784x128xf32>
    %get3A_19 = arith.constant 2 : index
    %get3A_20 = arith.constant 0 : index
    %get3A_21 = arith.constant 0 : index
    %get3A_22 = vector.load %arg1[%get3A_19, %get3A_20, %get3A_21] : memref<10x784x128xf32, #tpu.memory_space<vmem>>, vector<1x784x128xf32>
    %get3A_23 = vector.shape_cast %get3A_22 : vector<1x784x128xf32> to vector<784x128xf32>
    %get3A_24 = arith.constant 3 : index
    %get3A_25 = arith.constant 0 : index
    %get3A_26 = arith.constant 0 : index
    %get3A_27 = vector.load %arg1[%get3A_24, %get3A_25, %get3A_26] : memref<10x784x128xf32, #tpu.memory_space<vmem>>, vector<1x784x128xf32>
    %get3A_28 = vector.shape_cast %get3A_27 : vector<1x784x128xf32> to vector<784x128xf32>
    %get3A_29 = arith.constant 4 : index
    %get3A_30 = arith.constant 0 : index
    %get3A_31 = arith.constant 0 : index
    %get3A_32 = vector.load %arg1[%get3A_29, %get3A_30, %get3A_31] : memref<10x784x128xf32, #tpu.memory_space<vmem>>, vector<1x784x128xf32>
    %get3A_33 = vector.shape_cast %get3A_32 : vector<1x784x128xf32> to vector<784x128xf32>
    %get3A_34 = arith.constant 5 : index
    %get3A_35 = arith.constant 0 : index
    %get3A_36 = arith.constant 0 : index
    %get3A_37 = vector.load %arg1[%get3A_34, %get3A_35, %get3A_36] : memref<10x784x128xf32, #tpu.memory_space<vmem>>, vector<1x784x128xf32>
    %get3A_38 = vector.shape_cast %get3A_37 : vector<1x784x128xf32> to vector<784x128xf32>
    %get3A_39 = arith.constant 6 : index
    %get3A_40 = arith.constant 0 : index
    %get3A_41 = arith.constant 0 : index
    %get3A_42 = vector.load %arg1[%get3A_39, %get3A_40, %get3A_41] : memref<10x784x128xf32, #tpu.memory_space<vmem>>, vector<1x784x128xf32>
    %get3A_43 = vector.shape_cast %get3A_42 : vector<1x784x128xf32> to vector<784x128xf32>
    %get3A_44 = arith.constant 7 : index
    %get3A_45 = arith.constant 0 : index
    %get3A_46 = arith.constant 0 : index
    %get3A_47 = vector.load %arg1[%get3A_44, %get3A_45, %get3A_46] : memref<10x784x128xf32, #tpu.memory_space<vmem>>, vector<1x784x128xf32>
    %get3A_48 = vector.shape_cast %get3A_47 : vector<1x784x128xf32> to vector<784x128xf32>
    %get3A_49 = arith.constant 8 : index
    %get3A_50 = arith.constant 0 : index
    %get3A_51 = arith.constant 0 : index
    %get3A_52 = vector.load %arg1[%get3A_49, %get3A_50, %get3A_51] : memref<10x784x128xf32, #tpu.memory_space<vmem>>, vector<1x784x128xf32>
    %get3A_53 = vector.shape_cast %get3A_52 : vector<1x784x128xf32> to vector<784x128xf32>
    %get3A_54 = arith.constant 9 : index
    %get3A_55 = arith.constant 0 : index
    %get3A_56 = arith.constant 0 : index
    %get3A_57 = vector.load %arg1[%get3A_54, %get3A_55, %get3A_56] : memref<10x784x128xf32, #tpu.memory_space<vmem>>, vector<1x784x128xf32>
    %get3A_58 = vector.shape_cast %get3A_57 : vector<1x784x128xf32> to vector<784x128xf32>
    %get3A_59 = arith.constant 0 : index
    %get3A_60 = arith.constant 0 : index
    %get3A_61 = vector.load %arg2[%get3A_59, %get3A_60] : memref<784x10xf32, #tpu.memory_space<vmem>>, vector<784x10xf32>
    %get3A_62 = arith.constant 0 : index
    %get3A_63 = arith.constant 0 : index
    %get3A_64 = vector.load %arg4[%get3A_62, %get3A_63] : memref<784x10xf32, #tpu.memory_space<vmem>>, vector<784x10xf32>
    %get3A_65 = arith.constant 0 : index
    %get3A_66 = arith.constant 0 : index
    %get3A_67 = vector.load %arg5[%get3A_65, %get3A_66] : memref<784x10xf32, #tpu.memory_space<vmem>>, vector<784x10xf32>
    %get3A_68 = arith.constant 0 : index
    %get3A_69 = arith.constant 0 : index
    %get3A_70 = vector.load %arg6[%get3A_68, %get3A_69] : memref<784x10xf32, #tpu.memory_space<vmem>>, vector<784x10xf32>
    %broadcast_in_dim3A = arith.constant 0.000000e+00 : f32
    %broadcast_in_dim3A_71 = vector.broadcast %broadcast_in_dim3A : f32 to vector<784x128xf32>
    %slice3A = vector.extract_strided_slice %get3A_64 {offsets = [0, 0], sizes = [784, 1], strides = [1, 1]} : vector<784x10xf32> to vector<784x1xf32>
    %mul3A = vector.broadcast %slice3A : vector<784x1xf32> to vector<784x128xf32>
    %mul3A_72 = arith.mulf %mul3A, %get3A_13 : vector<784x128xf32>
    %add3A = arith.addf %broadcast_in_dim3A_71, %mul3A_72 : vector<784x128xf32>
    %slice3A_73 = vector.extract_strided_slice %get3A_64 {offsets = [0, 1], sizes = [784, 1], strides = [1, 1]} : vector<784x10xf32> to vector<784x1xf32>
    %mul3A_74 = vector.broadcast %slice3A_73 : vector<784x1xf32> to vector<784x128xf32>
    %mul3A_75 = arith.mulf %mul3A_74, %get3A_18 : vector<784x128xf32>
    %add3A_76 = arith.addf %add3A, %mul3A_75 : vector<784x128xf32>
    %slice3A_77 = vector.extract_strided_slice %get3A_64 {offsets = [0, 2], sizes = [784, 1], strides = [1, 1]} : vector<784x10xf32> to vector<784x1xf32>
    %mul3A_78 = vector.broadcast %slice3A_77 : vector<784x1xf32> to vector<784x128xf32>
    %mul3A_79 = arith.mulf %mul3A_78, %get3A_23 : vector<784x128xf32>
    %add3A_80 = arith.addf %add3A_76, %mul3A_79 : vector<784x128xf32>
    %slice3A_81 = vector.extract_strided_slice %get3A_64 {offsets = [0, 3], sizes = [784, 1], strides = [1, 1]} : vector<784x10xf32> to vector<784x1xf32>
    %mul3A_82 = vector.broadcast %slice3A_81 : vector<784x1xf32> to vector<784x128xf32>
    %mul3A_83 = arith.mulf %mul3A_82, %get3A_28 : vector<784x128xf32>
    %add3A_84 = arith.addf %add3A_80, %mul3A_83 : vector<784x128xf32>
    %slice3A_85 = vector.extract_strided_slice %get3A_64 {offsets = [0, 4], sizes = [784, 1], strides = [1, 1]} : vector<784x10xf32> to vector<784x1xf32>
    %mul3A_86 = vector.broadcast %slice3A_85 : vector<784x1xf32> to vector<784x128xf32>
    %mul3A_87 = arith.mulf %mul3A_86, %get3A_33 : vector<784x128xf32>
    %add3A_88 = arith.addf %add3A_84, %mul3A_87 : vector<784x128xf32>
    %slice3A_89 = vector.extract_strided_slice %get3A_64 {offsets = [0, 5], sizes = [784, 1], strides = [1, 1]} : vector<784x10xf32> to vector<784x1xf32>
    %mul3A_90 = vector.broadcast %slice3A_89 : vector<784x1xf32> to vector<784x128xf32>
    %mul3A_91 = arith.mulf %mul3A_90, %get3A_38 : vector<784x128xf32>
    %add3A_92 = arith.addf %add3A_88, %mul3A_91 : vector<784x128xf32>
    %slice3A_93 = vector.extract_strided_slice %get3A_64 {offsets = [0, 6], sizes = [784, 1], strides = [1, 1]} : vector<784x10xf32> to vector<784x1xf32>
    %mul3A_94 = vector.broadcast %slice3A_93 : vector<784x1xf32> to vector<784x128xf32>
    %mul3A_95 = arith.mulf %mul3A_94, %get3A_43 : vector<784x128xf32>
    %add3A_96 = arith.addf %add3A_92, %mul3A_95 : vector<784x128xf32>
    %slice3A_97 = vector.extract_strided_slice %get3A_64 {offsets = [0, 7], sizes = [784, 1], strides = [1, 1]} : vector<784x10xf32> to vector<784x1xf32>
    %mul3A_98 = vector.broadcast %slice3A_97 : vector<784x1xf32> to vector<784x128xf32>
    %mul3A_99 = arith.mulf %mul3A_98, %get3A_48 : vector<784x128xf32>
    %add3A_100 = arith.addf %add3A_96, %mul3A_99 : vector<784x128xf32>
    %slice3A_101 = vector.extract_strided_slice %get3A_64 {offsets = [0, 8], sizes = [784, 1], strides = [1, 1]} : vector<784x10xf32> to vector<784x1xf32>
    %mul3A_102 = vector.broadcast %slice3A_101 : vector<784x1xf32> to vector<784x128xf32>
    %mul3A_103 = arith.mulf %mul3A_102, %get3A_53 : vector<784x128xf32>
    %add3A_104 = arith.addf %add3A_100, %mul3A_103 : vector<784x128xf32>
    %slice3A_105 = vector.extract_strided_slice %get3A_64 {offsets = [0, 9], sizes = [784, 1], strides = [1, 1]} : vector<784x10xf32> to vector<784x1xf32>
    %mul3A_106 = vector.broadcast %slice3A_105 : vector<784x1xf32> to vector<784x128xf32>
    %mul3A_107 = arith.mulf %mul3A_106, %get3A_58 : vector<784x128xf32>
    %add3A_108 = arith.addf %add3A_104, %mul3A_107 : vector<784x128xf32>
    %mul3A_109 = arith.mulf %get3A_61, %get3A_64 : vector<784x10xf32>
    %reduce_sum3A = arith.constant dense<0.000000e+00> : vector<784xf32>
    %reduce_sum3A_110 = vector.multi_reduction <add>, %mul3A_109, %reduce_sum3A [1] : vector<784x10xf32> to vector<784xf32>
    %broadcast_in_dim3A_111 = arith.constant 0.000000e+00 : f32
    %broadcast_in_dim3A_112 = vector.broadcast %broadcast_in_dim3A_111 : f32 to vector<784x10xf32>
    %slice3A_113 = vector.extract_strided_slice %get3A_64 {offsets = [0, 0], sizes = [784, 1], strides = [1, 1]} : vector<784x10xf32> to vector<784x1xf32>
    %get3A_114 = arith.constant 0 : index
    %get3A_115 = arith.constant 0 : index
    %get3A_116 = vector.load %arg3[%get3A_114, %get3A_115] : memref<784x100xf32, #tpu.memory_space<vmem>>, vector<784x10xf32>
    %mul3A_117 = vector.broadcast %slice3A_113 : vector<784x1xf32> to vector<784x10xf32>
    %mul3A_118 = arith.mulf %mul3A_117, %get3A_116 : vector<784x10xf32>
    %add3A_119 = arith.addf %broadcast_in_dim3A_112, %mul3A_118 : vector<784x10xf32>
    %slice3A_120 = vector.extract_strided_slice %get3A_64 {offsets = [0, 1], sizes = [784, 1], strides = [1, 1]} : vector<784x10xf32> to vector<784x1xf32>
    %get3A_121 = arith.constant 0 : index
    %get3A_122 = arith.constant 10 : index
    %get3A_123 = vector.load %arg3[%get3A_121, %get3A_122] : memref<784x100xf32, #tpu.memory_space<vmem>>, vector<784x10xf32>
    %mul3A_124 = vector.broadcast %slice3A_120 : vector<784x1xf32> to vector<784x10xf32>
    %mul3A_125 = arith.mulf %mul3A_124, %get3A_123 : vector<784x10xf32>
    %add3A_126 = arith.addf %add3A_119, %mul3A_125 : vector<784x10xf32>
    %slice3A_127 = vector.extract_strided_slice %get3A_64 {offsets = [0, 2], sizes = [784, 1], strides = [1, 1]} : vector<784x10xf32> to vector<784x1xf32>
    %get3A_128 = arith.constant 0 : index
    %get3A_129 = arith.constant 20 : index
    %get3A_130 = vector.load %arg3[%get3A_128, %get3A_129] : memref<784x100xf32, #tpu.memory_space<vmem>>, vector<784x10xf32>
    %mul3A_131 = vector.broadcast %slice3A_127 : vector<784x1xf32> to vector<784x10xf32>
    %mul3A_132 = arith.mulf %mul3A_131, %get3A_130 : vector<784x10xf32>
    %add3A_133 = arith.addf %add3A_126, %mul3A_132 : vector<784x10xf32>
    %slice3A_134 = vector.extract_strided_slice %get3A_64 {offsets = [0, 3], sizes = [784, 1], strides = [1, 1]} : vector<784x10xf32> to vector<784x1xf32>
    %get3A_135 = arith.constant 0 : index
    %get3A_136 = arith.constant 30 : index
    %get3A_137 = vector.load %arg3[%get3A_135, %get3A_136] : memref<784x100xf32, #tpu.memory_space<vmem>>, vector<784x10xf32>
    %mul3A_138 = vector.broadcast %slice3A_134 : vector<784x1xf32> to vector<784x10xf32>
    %mul3A_139 = arith.mulf %mul3A_138, %get3A_137 : vector<784x10xf32>
    %add3A_140 = arith.addf %add3A_133, %mul3A_139 : vector<784x10xf32>
    %slice3A_141 = vector.extract_strided_slice %get3A_64 {offsets = [0, 4], sizes = [784, 1], strides = [1, 1]} : vector<784x10xf32> to vector<784x1xf32>
    %get3A_142 = arith.constant 0 : index
    %get3A_143 = arith.constant 40 : index
    %get3A_144 = vector.load %arg3[%get3A_142, %get3A_143] : memref<784x100xf32, #tpu.memory_space<vmem>>, vector<784x10xf32>
    %mul3A_145 = vector.broadcast %slice3A_141 : vector<784x1xf32> to vector<784x10xf32>
    %mul3A_146 = arith.mulf %mul3A_145, %get3A_144 : vector<784x10xf32>
    %add3A_147 = arith.addf %add3A_140, %mul3A_146 : vector<784x10xf32>
    %slice3A_148 = vector.extract_strided_slice %get3A_64 {offsets = [0, 5], sizes = [784, 1], strides = [1, 1]} : vector<784x10xf32> to vector<784x1xf32>
    %get3A_149 = arith.constant 0 : index
    %get3A_150 = arith.constant 50 : index
    %get3A_151 = vector.load %arg3[%get3A_149, %get3A_150] : memref<784x100xf32, #tpu.memory_space<vmem>>, vector<784x10xf32>
    %mul3A_152 = vector.broadcast %slice3A_148 : vector<784x1xf32> to vector<784x10xf32>
    %mul3A_153 = arith.mulf %mul3A_152, %get3A_151 : vector<784x10xf32>
    %add3A_154 = arith.addf %add3A_147, %mul3A_153 : vector<784x10xf32>
    %slice3A_155 = vector.extract_strided_slice %get3A_64 {offsets = [0, 6], sizes = [784, 1], strides = [1, 1]} : vector<784x10xf32> to vector<784x1xf32>
    %get3A_156 = arith.constant 0 : index
    %get3A_157 = arith.constant 60 : index
    %get3A_158 = vector.load %arg3[%get3A_156, %get3A_157] : memref<784x100xf32, #tpu.memory_space<vmem>>, vector<784x10xf32>
    %mul3A_159 = vector.broadcast %slice3A_155 : vector<784x1xf32> to vector<784x10xf32>
    %mul3A_160 = arith.mulf %mul3A_159, %get3A_158 : vector<784x10xf32>
    %add3A_161 = arith.addf %add3A_154, %mul3A_160 : vector<784x10xf32>
    %slice3A_162 = vector.extract_strided_slice %get3A_64 {offsets = [0, 7], sizes = [784, 1], strides = [1, 1]} : vector<784x10xf32> to vector<784x1xf32>
    %get3A_163 = arith.constant 0 : index
    %get3A_164 = arith.constant 70 : index
    %get3A_165 = vector.load %arg3[%get3A_163, %get3A_164] : memref<784x100xf32, #tpu.memory_space<vmem>>, vector<784x10xf32>
    %mul3A_166 = vector.broadcast %slice3A_162 : vector<784x1xf32> to vector<784x10xf32>
    %mul3A_167 = arith.mulf %mul3A_166, %get3A_165 : vector<784x10xf32>
    %add3A_168 = arith.addf %add3A_161, %mul3A_167 : vector<784x10xf32>
    %slice3A_169 = vector.extract_strided_slice %get3A_64 {offsets = [0, 8], sizes = [784, 1], strides = [1, 1]} : vector<784x10xf32> to vector<784x1xf32>
    %get3A_170 = arith.constant 0 : index
    %get3A_171 = arith.constant 80 : index
    %get3A_172 = vector.load %arg3[%get3A_170, %get3A_171] : memref<784x100xf32, #tpu.memory_space<vmem>>, vector<784x10xf32>
    %mul3A_173 = vector.broadcast %slice3A_169 : vector<784x1xf32> to vector<784x10xf32>
    %mul3A_174 = arith.mulf %mul3A_173, %get3A_172 : vector<784x10xf32>
    %add3A_175 = arith.addf %add3A_168, %mul3A_174 : vector<784x10xf32>
    %slice3A_176 = vector.extract_strided_slice %get3A_64 {offsets = [0, 9], sizes = [784, 1], strides = [1, 1]} : vector<784x10xf32> to vector<784x1xf32>
    %get3A_177 = arith.constant 0 : index
    %get3A_178 = arith.constant 90 : index
    %get3A_179 = vector.load %arg3[%get3A_177, %get3A_178] : memref<784x100xf32, #tpu.memory_space<vmem>>, vector<784x10xf32>
    %mul3A_180 = vector.broadcast %slice3A_176 : vector<784x1xf32> to vector<784x10xf32>
    %mul3A_181 = arith.mulf %mul3A_180, %get3A_179 : vector<784x10xf32>
    %add3A_182 = arith.addf %add3A_175, %mul3A_181 : vector<784x10xf32>
    %broadcast_in_dim3A_183 = arith.constant 0.000000e+00 : f32
    %broadcast_in_dim3A_184 = vector.broadcast %broadcast_in_dim3A_183 : f32 to vector<784x128xf32>
    %slice3A_185 = vector.extract_strided_slice %get3A_67 {offsets = [0, 0], sizes = [784, 1], strides = [1, 1]} : vector<784x10xf32> to vector<784x1xf32>
    %mul3A_186 = vector.broadcast %slice3A_185 : vector<784x1xf32> to vector<784x128xf32>
    %mul3A_187 = arith.mulf %mul3A_186, %get3A_13 : vector<784x128xf32>
    %add3A_188 = arith.addf %broadcast_in_dim3A_184, %mul3A_187 : vector<784x128xf32>
    %slice3A_189 = vector.extract_strided_slice %get3A_67 {offsets = [0, 1], sizes = [784, 1], strides = [1, 1]} : vector<784x10xf32> to vector<784x1xf32>
    %mul3A_190 = vector.broadcast %slice3A_189 : vector<784x1xf32> to vector<784x128xf32>
    %mul3A_191 = arith.mulf %mul3A_190, %get3A_18 : vector<784x128xf32>
    %add3A_192 = arith.addf %add3A_188, %mul3A_191 : vector<784x128xf32>
    %slice3A_193 = vector.extract_strided_slice %get3A_67 {offsets = [0, 2], sizes = [784, 1], strides = [1, 1]} : vector<784x10xf32> to vector<784x1xf32>
    %mul3A_194 = vector.broadcast %slice3A_193 : vector<784x1xf32> to vector<784x128xf32>
    %mul3A_195 = arith.mulf %mul3A_194, %get3A_23 : vector<784x128xf32>
    %add3A_196 = arith.addf %add3A_192, %mul3A_195 : vector<784x128xf32>
    %slice3A_197 = vector.extract_strided_slice %get3A_67 {offsets = [0, 3], sizes = [784, 1], strides = [1, 1]} : vector<784x10xf32> to vector<784x1xf32>
    %mul3A_198 = vector.broadcast %slice3A_197 : vector<784x1xf32> to vector<784x128xf32>
    %mul3A_199 = arith.mulf %mul3A_198, %get3A_28 : vector<784x128xf32>
    %add3A_200 = arith.addf %add3A_196, %mul3A_199 : vector<784x128xf32>
    %slice3A_201 = vector.extract_strided_slice %get3A_67 {offsets = [0, 4], sizes = [784, 1], strides = [1, 1]} : vector<784x10xf32> to vector<784x1xf32>
    %mul3A_202 = vector.broadcast %slice3A_201 : vector<784x1xf32> to vector<784x128xf32>
    %mul3A_203 = arith.mulf %mul3A_202, %get3A_33 : vector<784x128xf32>
    %add3A_204 = arith.addf %add3A_200, %mul3A_203 : vector<784x128xf32>
    %slice3A_205 = vector.extract_strided_slice %get3A_67 {offsets = [0, 5], sizes = [784, 1], strides = [1, 1]} : vector<784x10xf32> to vector<784x1xf32>
    %mul3A_206 = vector.broadcast %slice3A_205 : vector<784x1xf32> to vector<784x128xf32>
    %mul3A_207 = arith.mulf %mul3A_206, %get3A_38 : vector<784x128xf32>
    %add3A_208 = arith.addf %add3A_204, %mul3A_207 : vector<784x128xf32>
    %slice3A_209 = vector.extract_strided_slice %get3A_67 {offsets = [0, 6], sizes = [784, 1], strides = [1, 1]} : vector<784x10xf32> to vector<784x1xf32>
    %mul3A_210 = vector.broadcast %slice3A_209 : vector<784x1xf32> to vector<784x128xf32>
    %mul3A_211 = arith.mulf %mul3A_210, %get3A_43 : vector<784x128xf32>
    %add3A_212 = arith.addf %add3A_208, %mul3A_211 : vector<784x128xf32>
    %slice3A_213 = vector.extract_strided_slice %get3A_67 {offsets = [0, 7], sizes = [784, 1], strides = [1, 1]} : vector<784x10xf32> to vector<784x1xf32>
    %mul3A_214 = vector.broadcast %slice3A_213 : vector<784x1xf32> to vector<784x128xf32>
    %mul3A_215 = arith.mulf %mul3A_214, %get3A_48 : vector<784x128xf32>
    %add3A_216 = arith.addf %add3A_212, %mul3A_215 : vector<784x128xf32>
    %slice3A_217 = vector.extract_strided_slice %get3A_67 {offsets = [0, 8], sizes = [784, 1], strides = [1, 1]} : vector<784x10xf32> to vector<784x1xf32>
    %mul3A_218 = vector.broadcast %slice3A_217 : vector<784x1xf32> to vector<784x128xf32>
    %mul3A_219 = arith.mulf %mul3A_218, %get3A_53 : vector<784x128xf32>
    %add3A_220 = arith.addf %add3A_216, %mul3A_219 : vector<784x128xf32>
    %slice3A_221 = vector.extract_strided_slice %get3A_67 {offsets = [0, 9], sizes = [784, 1], strides = [1, 1]} : vector<784x10xf32> to vector<784x1xf32>
    %mul3A_222 = vector.broadcast %slice3A_221 : vector<784x1xf32> to vector<784x128xf32>
    %mul3A_223 = arith.mulf %mul3A_222, %get3A_58 : vector<784x128xf32>
    %add3A_224 = arith.addf %add3A_220, %mul3A_223 : vector<784x128xf32>
    %mul3A_225 = arith.mulf %get3A_61, %get3A_67 : vector<784x10xf32>
    %reduce_sum3A_226 = arith.constant dense<0.000000e+00> : vector<784xf32>
    %reduce_sum3A_227 = vector.multi_reduction <add>, %mul3A_225, %reduce_sum3A_226 [1] : vector<784x10xf32> to vector<784xf32>
    %broadcast_in_dim3A_228 = arith.constant 0.000000e+00 : f32
    %broadcast_in_dim3A_229 = vector.broadcast %broadcast_in_dim3A_228 : f32 to vector<784x10xf32>
    %slice3A_230 = vector.extract_strided_slice %get3A_67 {offsets = [0, 0], sizes = [784, 1], strides = [1, 1]} : vector<784x10xf32> to vector<784x1xf32>
    %get3A_231 = arith.constant 0 : index
    %get3A_232 = arith.constant 0 : index
    %get3A_233 = vector.load %arg3[%get3A_231, %get3A_232] : memref<784x100xf32, #tpu.memory_space<vmem>>, vector<784x10xf32>
    %mul3A_234 = vector.broadcast %slice3A_230 : vector<784x1xf32> to vector<784x10xf32>
    %mul3A_235 = arith.mulf %mul3A_234, %get3A_233 : vector<784x10xf32>
    %add3A_236 = arith.addf %broadcast_in_dim3A_229, %mul3A_235 : vector<784x10xf32>
    %slice3A_237 = vector.extract_strided_slice %get3A_67 {offsets = [0, 1], sizes = [784, 1], strides = [1, 1]} : vector<784x10xf32> to vector<784x1xf32>
    %get3A_238 = arith.constant 0 : index
    %get3A_239 = arith.constant 10 : index
    %get3A_240 = vector.load %arg3[%get3A_238, %get3A_239] : memref<784x100xf32, #tpu.memory_space<vmem>>, vector<784x10xf32>
    %mul3A_241 = vector.broadcast %slice3A_237 : vector<784x1xf32> to vector<784x10xf32>
    %mul3A_242 = arith.mulf %mul3A_241, %get3A_240 : vector<784x10xf32>
    %add3A_243 = arith.addf %add3A_236, %mul3A_242 : vector<784x10xf32>
    %slice3A_244 = vector.extract_strided_slice %get3A_67 {offsets = [0, 2], sizes = [784, 1], strides = [1, 1]} : vector<784x10xf32> to vector<784x1xf32>
    %get3A_245 = arith.constant 0 : index
    %get3A_246 = arith.constant 20 : index
    %get3A_247 = vector.load %arg3[%get3A_245, %get3A_246] : memref<784x100xf32, #tpu.memory_space<vmem>>, vector<784x10xf32>
    %mul3A_248 = vector.broadcast %slice3A_244 : vector<784x1xf32> to vector<784x10xf32>
    %mul3A_249 = arith.mulf %mul3A_248, %get3A_247 : vector<784x10xf32>
    %add3A_250 = arith.addf %add3A_243, %mul3A_249 : vector<784x10xf32>
    %slice3A_251 = vector.extract_strided_slice %get3A_67 {offsets = [0, 3], sizes = [784, 1], strides = [1, 1]} : vector<784x10xf32> to vector<784x1xf32>
    %get3A_252 = arith.constant 0 : index
    %get3A_253 = arith.constant 30 : index
    %get3A_254 = vector.load %arg3[%get3A_252, %get3A_253] : memref<784x100xf32, #tpu.memory_space<vmem>>, vector<784x10xf32>
    %mul3A_255 = vector.broadcast %slice3A_251 : vector<784x1xf32> to vector<784x10xf32>
    %mul3A_256 = arith.mulf %mul3A_255, %get3A_254 : vector<784x10xf32>
    %add3A_257 = arith.addf %add3A_250, %mul3A_256 : vector<784x10xf32>
    %slice3A_258 = vector.extract_strided_slice %get3A_67 {offsets = [0, 4], sizes = [784, 1], strides = [1, 1]} : vector<784x10xf32> to vector<784x1xf32>
    %get3A_259 = arith.constant 0 : index
    %get3A_260 = arith.constant 40 : index
    %get3A_261 = vector.load %arg3[%get3A_259, %get3A_260] : memref<784x100xf32, #tpu.memory_space<vmem>>, vector<784x10xf32>
    %mul3A_262 = vector.broadcast %slice3A_258 : vector<784x1xf32> to vector<784x10xf32>
    %mul3A_263 = arith.mulf %mul3A_262, %get3A_261 : vector<784x10xf32>
    %add3A_264 = arith.addf %add3A_257, %mul3A_263 : vector<784x10xf32>
    %slice3A_265 = vector.extract_strided_slice %get3A_67 {offsets = [0, 5], sizes = [784, 1], strides = [1, 1]} : vector<784x10xf32> to vector<784x1xf32>
    %get3A_266 = arith.constant 0 : index
    %get3A_267 = arith.constant 50 : index
    %get3A_268 = vector.load %arg3[%get3A_266, %get3A_267] : memref<784x100xf32, #tpu.memory_space<vmem>>, vector<784x10xf32>
    %mul3A_269 = vector.broadcast %slice3A_265 : vector<784x1xf32> to vector<784x10xf32>
    %mul3A_270 = arith.mulf %mul3A_269, %get3A_268 : vector<784x10xf32>
    %add3A_271 = arith.addf %add3A_264, %mul3A_270 : vector<784x10xf32>
    %slice3A_272 = vector.extract_strided_slice %get3A_67 {offsets = [0, 6], sizes = [784, 1], strides = [1, 1]} : vector<784x10xf32> to vector<784x1xf32>
    %get3A_273 = arith.constant 0 : index
    %get3A_274 = arith.constant 60 : index
    %get3A_275 = vector.load %arg3[%get3A_273, %get3A_274] : memref<784x100xf32, #tpu.memory_space<vmem>>, vector<784x10xf32>
    %mul3A_276 = vector.broadcast %slice3A_272 : vector<784x1xf32> to vector<784x10xf32>
    %mul3A_277 = arith.mulf %mul3A_276, %get3A_275 : vector<784x10xf32>
    %add3A_278 = arith.addf %add3A_271, %mul3A_277 : vector<784x10xf32>
    %slice3A_279 = vector.extract_strided_slice %get3A_67 {offsets = [0, 7], sizes = [784, 1], strides = [1, 1]} : vector<784x10xf32> to vector<784x1xf32>
    %get3A_280 = arith.constant 0 : index
    %get3A_281 = arith.constant 70 : index
    %get3A_282 = vector.load %arg3[%get3A_280, %get3A_281] : memref<784x100xf32, #tpu.memory_space<vmem>>, vector<784x10xf32>
    %mul3A_283 = vector.broadcast %slice3A_279 : vector<784x1xf32> to vector<784x10xf32>
    %mul3A_284 = arith.mulf %mul3A_283, %get3A_282 : vector<784x10xf32>
    %add3A_285 = arith.addf %add3A_278, %mul3A_284 : vector<784x10xf32>
    %slice3A_286 = vector.extract_strided_slice %get3A_67 {offsets = [0, 8], sizes = [784, 1], strides = [1, 1]} : vector<784x10xf32> to vector<784x1xf32>
    %get3A_287 = arith.constant 0 : index
    %get3A_288 = arith.constant 80 : index
    %get3A_289 = vector.load %arg3[%get3A_287, %get3A_288] : memref<784x100xf32, #tpu.memory_space<vmem>>, vector<784x10xf32>
    %mul3A_290 = vector.broadcast %slice3A_286 : vector<784x1xf32> to vector<784x10xf32>
    %mul3A_291 = arith.mulf %mul3A_290, %get3A_289 : vector<784x10xf32>
    %add3A_292 = arith.addf %add3A_285, %mul3A_291 : vector<784x10xf32>
    %slice3A_293 = vector.extract_strided_slice %get3A_67 {offsets = [0, 9], sizes = [784, 1], strides = [1, 1]} : vector<784x10xf32> to vector<784x1xf32>
    %get3A_294 = arith.constant 0 : index
    %get3A_295 = arith.constant 90 : index
    %get3A_296 = vector.load %arg3[%get3A_294, %get3A_295] : memref<784x100xf32, #tpu.memory_space<vmem>>, vector<784x10xf32>
    %mul3A_297 = vector.broadcast %slice3A_293 : vector<784x1xf32> to vector<784x10xf32>
    %mul3A_298 = arith.mulf %mul3A_297, %get3A_296 : vector<784x10xf32>
    %add3A_299 = arith.addf %add3A_292, %mul3A_298 : vector<784x10xf32>
    %broadcast_in_dim3A_300 = arith.constant 0.000000e+00 : f32
    %broadcast_in_dim3A_301 = vector.broadcast %broadcast_in_dim3A_300 : f32 to vector<784x128xf32>
    %slice3A_302 = vector.extract_strided_slice %get3A_70 {offsets = [0, 0], sizes = [784, 1], strides = [1, 1]} : vector<784x10xf32> to vector<784x1xf32>
    %mul3A_303 = vector.broadcast %slice3A_302 : vector<784x1xf32> to vector<784x128xf32>
    %mul3A_304 = arith.mulf %mul3A_303, %get3A_13 : vector<784x128xf32>
    %add3A_305 = arith.addf %broadcast_in_dim3A_301, %mul3A_304 : vector<784x128xf32>
    %slice3A_306 = vector.extract_strided_slice %get3A_70 {offsets = [0, 1], sizes = [784, 1], strides = [1, 1]} : vector<784x10xf32> to vector<784x1xf32>
    %mul3A_307 = vector.broadcast %slice3A_306 : vector<784x1xf32> to vector<784x128xf32>
    %mul3A_308 = arith.mulf %mul3A_307, %get3A_18 : vector<784x128xf32>
    %add3A_309 = arith.addf %add3A_305, %mul3A_308 : vector<784x128xf32>
    %slice3A_310 = vector.extract_strided_slice %get3A_70 {offsets = [0, 2], sizes = [784, 1], strides = [1, 1]} : vector<784x10xf32> to vector<784x1xf32>
    %mul3A_311 = vector.broadcast %slice3A_310 : vector<784x1xf32> to vector<784x128xf32>
    %mul3A_312 = arith.mulf %mul3A_311, %get3A_23 : vector<784x128xf32>
    %add3A_313 = arith.addf %add3A_309, %mul3A_312 : vector<784x128xf32>
    %slice3A_314 = vector.extract_strided_slice %get3A_70 {offsets = [0, 3], sizes = [784, 1], strides = [1, 1]} : vector<784x10xf32> to vector<784x1xf32>
    %mul3A_315 = vector.broadcast %slice3A_314 : vector<784x1xf32> to vector<784x128xf32>
    %mul3A_316 = arith.mulf %mul3A_315, %get3A_28 : vector<784x128xf32>
    %add3A_317 = arith.addf %add3A_313, %mul3A_316 : vector<784x128xf32>
    %slice3A_318 = vector.extract_strided_slice %get3A_70 {offsets = [0, 4], sizes = [784, 1], strides = [1, 1]} : vector<784x10xf32> to vector<784x1xf32>
    %mul3A_319 = vector.broadcast %slice3A_318 : vector<784x1xf32> to vector<784x128xf32>
    %mul3A_320 = arith.mulf %mul3A_319, %get3A_33 : vector<784x128xf32>
    %add3A_321 = arith.addf %add3A_317, %mul3A_320 : vector<784x128xf32>
    %slice3A_322 = vector.extract_strided_slice %get3A_70 {offsets = [0, 5], sizes = [784, 1], strides = [1, 1]} : vector<784x10xf32> to vector<784x1xf32>
    %mul3A_323 = vector.broadcast %slice3A_322 : vector<784x1xf32> to vector<784x128xf32>
    %mul3A_324 = arith.mulf %mul3A_323, %get3A_38 : vector<784x128xf32>
    %add3A_325 = arith.addf %add3A_321, %mul3A_324 : vector<784x128xf32>
    %slice3A_326 = vector.extract_strided_slice %get3A_70 {offsets = [0, 6], sizes = [784, 1], strides = [1, 1]} : vector<784x10xf32> to vector<784x1xf32>
    %mul3A_327 = vector.broadcast %slice3A_326 : vector<784x1xf32> to vector<784x128xf32>
    %mul3A_328 = arith.mulf %mul3A_327, %get3A_43 : vector<784x128xf32>
    %add3A_329 = arith.addf %add3A_325, %mul3A_328 : vector<784x128xf32>
    %slice3A_330 = vector.extract_strided_slice %get3A_70 {offsets = [0, 7], sizes = [784, 1], strides = [1, 1]} : vector<784x10xf32> to vector<784x1xf32>
    %mul3A_331 = vector.broadcast %slice3A_330 : vector<784x1xf32> to vector<784x128xf32>
    %mul3A_332 = arith.mulf %mul3A_331, %get3A_48 : vector<784x128xf32>
    %add3A_333 = arith.addf %add3A_329, %mul3A_332 : vector<784x128xf32>
    %slice3A_334 = vector.extract_strided_slice %get3A_70 {offsets = [0, 8], sizes = [784, 1], strides = [1, 1]} : vector<784x10xf32> to vector<784x1xf32>
    %mul3A_335 = vector.broadcast %slice3A_334 : vector<784x1xf32> to vector<784x128xf32>
    %mul3A_336 = arith.mulf %mul3A_335, %get3A_53 : vector<784x128xf32>
    %add3A_337 = arith.addf %add3A_333, %mul3A_336 : vector<784x128xf32>
    %slice3A_338 = vector.extract_strided_slice %get3A_70 {offsets = [0, 9], sizes = [784, 1], strides = [1, 1]} : vector<784x10xf32> to vector<784x1xf32>
    %mul3A_339 = vector.broadcast %slice3A_338 : vector<784x1xf32> to vector<784x128xf32>
    %mul3A_340 = arith.mulf %mul3A_339, %get3A_58 : vector<784x128xf32>
    %add3A_341 = arith.addf %add3A_337, %mul3A_340 : vector<784x128xf32>
    %mul3A_342 = arith.mulf %get3A_61, %get3A_70 : vector<784x10xf32>
    %reduce_sum3A_343 = arith.constant dense<0.000000e+00> : vector<784xf32>
    %reduce_sum3A_344 = vector.multi_reduction <add>, %mul3A_342, %reduce_sum3A_343 [1] : vector<784x10xf32> to vector<784xf32>
    %broadcast_in_dim3A_345 = arith.constant 0.000000e+00 : f32
    %broadcast_in_dim3A_346 = vector.broadcast %broadcast_in_dim3A_345 : f32 to vector<784x10xf32>
    %slice3A_347 = vector.extract_strided_slice %get3A_70 {offsets = [0, 0], sizes = [784, 1], strides = [1, 1]} : vector<784x10xf32> to vector<784x1xf32>
    %get3A_348 = arith.constant 0 : index
    %get3A_349 = arith.constant 0 : index
    %get3A_350 = vector.load %arg3[%get3A_348, %get3A_349] : memref<784x100xf32, #tpu.memory_space<vmem>>, vector<784x10xf32>
    %mul3A_351 = vector.broadcast %slice3A_347 : vector<784x1xf32> to vector<784x10xf32>
    %mul3A_352 = arith.mulf %mul3A_351, %get3A_350 : vector<784x10xf32>
    %add3A_353 = arith.addf %broadcast_in_dim3A_346, %mul3A_352 : vector<784x10xf32>
    %slice3A_354 = vector.extract_strided_slice %get3A_70 {offsets = [0, 1], sizes = [784, 1], strides = [1, 1]} : vector<784x10xf32> to vector<784x1xf32>
    %get3A_355 = arith.constant 0 : index
    %get3A_356 = arith.constant 10 : index
    %get3A_357 = vector.load %arg3[%get3A_355, %get3A_356] : memref<784x100xf32, #tpu.memory_space<vmem>>, vector<784x10xf32>
    %mul3A_358 = vector.broadcast %slice3A_354 : vector<784x1xf32> to vector<784x10xf32>
    %mul3A_359 = arith.mulf %mul3A_358, %get3A_357 : vector<784x10xf32>
    %add3A_360 = arith.addf %add3A_353, %mul3A_359 : vector<784x10xf32>
    %slice3A_361 = vector.extract_strided_slice %get3A_70 {offsets = [0, 2], sizes = [784, 1], strides = [1, 1]} : vector<784x10xf32> to vector<784x1xf32>
    %get3A_362 = arith.constant 0 : index
    %get3A_363 = arith.constant 20 : index
    %get3A_364 = vector.load %arg3[%get3A_362, %get3A_363] : memref<784x100xf32, #tpu.memory_space<vmem>>, vector<784x10xf32>
    %mul3A_365 = vector.broadcast %slice3A_361 : vector<784x1xf32> to vector<784x10xf32>
    %mul3A_366 = arith.mulf %mul3A_365, %get3A_364 : vector<784x10xf32>
    %add3A_367 = arith.addf %add3A_360, %mul3A_366 : vector<784x10xf32>
    %slice3A_368 = vector.extract_strided_slice %get3A_70 {offsets = [0, 3], sizes = [784, 1], strides = [1, 1]} : vector<784x10xf32> to vector<784x1xf32>
    %get3A_369 = arith.constant 0 : index
    %get3A_370 = arith.constant 30 : index
    %get3A_371 = vector.load %arg3[%get3A_369, %get3A_370] : memref<784x100xf32, #tpu.memory_space<vmem>>, vector<784x10xf32>
    %mul3A_372 = vector.broadcast %slice3A_368 : vector<784x1xf32> to vector<784x10xf32>
    %mul3A_373 = arith.mulf %mul3A_372, %get3A_371 : vector<784x10xf32>
    %add3A_374 = arith.addf %add3A_367, %mul3A_373 : vector<784x10xf32>
    %slice3A_375 = vector.extract_strided_slice %get3A_70 {offsets = [0, 4], sizes = [784, 1], strides = [1, 1]} : vector<784x10xf32> to vector<784x1xf32>
    %get3A_376 = arith.constant 0 : index
    %get3A_377 = arith.constant 40 : index
    %get3A_378 = vector.load %arg3[%get3A_376, %get3A_377] : memref<784x100xf32, #tpu.memory_space<vmem>>, vector<784x10xf32>
    %mul3A_379 = vector.broadcast %slice3A_375 : vector<784x1xf32> to vector<784x10xf32>
    %mul3A_380 = arith.mulf %mul3A_379, %get3A_378 : vector<784x10xf32>
    %add3A_381 = arith.addf %add3A_374, %mul3A_380 : vector<784x10xf32>
    %slice3A_382 = vector.extract_strided_slice %get3A_70 {offsets = [0, 5], sizes = [784, 1], strides = [1, 1]} : vector<784x10xf32> to vector<784x1xf32>
    %get3A_383 = arith.constant 0 : index
    %get3A_384 = arith.constant 50 : index
    %get3A_385 = vector.load %arg3[%get3A_383, %get3A_384] : memref<784x100xf32, #tpu.memory_space<vmem>>, vector<784x10xf32>
    %mul3A_386 = vector.broadcast %slice3A_382 : vector<784x1xf32> to vector<784x10xf32>
    %mul3A_387 = arith.mulf %mul3A_386, %get3A_385 : vector<784x10xf32>
    %add3A_388 = arith.addf %add3A_381, %mul3A_387 : vector<784x10xf32>
    %slice3A_389 = vector.extract_strided_slice %get3A_70 {offsets = [0, 6], sizes = [784, 1], strides = [1, 1]} : vector<784x10xf32> to vector<784x1xf32>
    %get3A_390 = arith.constant 0 : index
    %get3A_391 = arith.constant 60 : index
    %get3A_392 = vector.load %arg3[%get3A_390, %get3A_391] : memref<784x100xf32, #tpu.memory_space<vmem>>, vector<784x10xf32>
    %mul3A_393 = vector.broadcast %slice3A_389 : vector<784x1xf32> to vector<784x10xf32>
    %mul3A_394 = arith.mulf %mul3A_393, %get3A_392 : vector<784x10xf32>
    %add3A_395 = arith.addf %add3A_388, %mul3A_394 : vector<784x10xf32>
    %slice3A_396 = vector.extract_strided_slice %get3A_70 {offsets = [0, 7], sizes = [784, 1], strides = [1, 1]} : vector<784x10xf32> to vector<784x1xf32>
    %get3A_397 = arith.constant 0 : index
    %get3A_398 = arith.constant 70 : index
    %get3A_399 = vector.load %arg3[%get3A_397, %get3A_398] : memref<784x100xf32, #tpu.memory_space<vmem>>, vector<784x10xf32>
    %mul3A_400 = vector.broadcast %slice3A_396 : vector<784x1xf32> to vector<784x10xf32>
    %mul3A_401 = arith.mulf %mul3A_400, %get3A_399 : vector<784x10xf32>
    %add3A_402 = arith.addf %add3A_395, %mul3A_401 : vector<784x10xf32>
    %slice3A_403 = vector.extract_strided_slice %get3A_70 {offsets = [0, 8], sizes = [784, 1], strides = [1, 1]} : vector<784x10xf32> to vector<784x1xf32>
    %get3A_404 = arith.constant 0 : index
    %get3A_405 = arith.constant 80 : index
    %get3A_406 = vector.load %arg3[%get3A_404, %get3A_405] : memref<784x100xf32, #tpu.memory_space<vmem>>, vector<784x10xf32>
    %mul3A_407 = vector.broadcast %slice3A_403 : vector<784x1xf32> to vector<784x10xf32>
    %mul3A_408 = arith.mulf %mul3A_407, %get3A_406 : vector<784x10xf32>
    %add3A_409 = arith.addf %add3A_402, %mul3A_408 : vector<784x10xf32>
    %slice3A_410 = vector.extract_strided_slice %get3A_70 {offsets = [0, 9], sizes = [784, 1], strides = [1, 1]} : vector<784x10xf32> to vector<784x1xf32>
    %get3A_411 = arith.constant 0 : index
    %get3A_412 = arith.constant 90 : index
    %get3A_413 = vector.load %arg3[%get3A_411, %get3A_412] : memref<784x100xf32, #tpu.memory_space<vmem>>, vector<784x10xf32>
    %mul3A_414 = vector.broadcast %slice3A_410 : vector<784x1xf32> to vector<784x10xf32>
    %mul3A_415 = arith.mulf %mul3A_414, %get3A_413 : vector<784x10xf32>
    %add3A_416 = arith.addf %add3A_409, %mul3A_415 : vector<784x10xf32>
    %mul3A_417 = arith.mulf %add3A_182, %get3A_64 : vector<784x10xf32>
    %reduce_sum3A_418 = arith.constant dense<0.000000e+00> : vector<784xf32>
    %reduce_sum3A_419 = vector.multi_reduction <add>, %mul3A_417, %reduce_sum3A_418 [1] : vector<784x10xf32> to vector<784xf32>
    %mul3A_420 = arith.mulf %add3A_182, %get3A_67 : vector<784x10xf32>
    %reduce_sum3A_421 = arith.constant dense<0.000000e+00> : vector<784xf32>
    %reduce_sum3A_422 = vector.multi_reduction <add>, %mul3A_420, %reduce_sum3A_421 [1] : vector<784x10xf32> to vector<784xf32>
    %mul3A_423 = arith.mulf %add3A_182, %get3A_70 : vector<784x10xf32>
    %reduce_sum3A_424 = arith.constant dense<0.000000e+00> : vector<784xf32>
    %reduce_sum3A_425 = vector.multi_reduction <add>, %mul3A_423, %reduce_sum3A_424 [1] : vector<784x10xf32> to vector<784xf32>
    %mul3A_426 = arith.mulf %add3A_299, %get3A_67 : vector<784x10xf32>
    %reduce_sum3A_427 = arith.constant dense<0.000000e+00> : vector<784xf32>
    %reduce_sum3A_428 = vector.multi_reduction <add>, %mul3A_426, %reduce_sum3A_427 [1] : vector<784x10xf32> to vector<784xf32>
    %mul3A_429 = arith.mulf %add3A_299, %get3A_70 : vector<784x10xf32>
    %reduce_sum3A_430 = arith.constant dense<0.000000e+00> : vector<784xf32>
    %reduce_sum3A_431 = vector.multi_reduction <add>, %mul3A_429, %reduce_sum3A_430 [1] : vector<784x10xf32> to vector<784xf32>
    %mul3A_432 = arith.mulf %add3A_416, %get3A_70 : vector<784x10xf32>
    %reduce_sum3A_433 = arith.constant dense<0.000000e+00> : vector<784xf32>
    %reduce_sum3A_434 = vector.multi_reduction <add>, %mul3A_432, %reduce_sum3A_433 [1] : vector<784x10xf32> to vector<784xf32>
    %mul3A_435 = arith.mulf %reduce_sum3A_428, %reduce_sum3A_434 : vector<784xf32>
    %mul3A_436 = arith.mulf %reduce_sum3A_431, %reduce_sum3A_431 : vector<784xf32>
    %sub3A = arith.subf %mul3A_435, %mul3A_436 : vector<784xf32>
    %mul3A_437 = arith.mulf %reduce_sum3A_425, %reduce_sum3A_431 : vector<784xf32>
    %mul3A_438 = arith.mulf %reduce_sum3A_422, %reduce_sum3A_434 : vector<784xf32>
    %sub3A_439 = arith.subf %mul3A_437, %mul3A_438 : vector<784xf32>
    %mul3A_440 = arith.mulf %reduce_sum3A_422, %reduce_sum3A_431 : vector<784xf32>
    %mul3A_441 = arith.mulf %reduce_sum3A_425, %reduce_sum3A_428 : vector<784xf32>
    %sub3A_442 = arith.subf %mul3A_440, %mul3A_441 : vector<784xf32>
    %mul3A_443 = arith.mulf %reduce_sum3A_419, %reduce_sum3A_434 : vector<784xf32>
    %mul3A_444 = arith.mulf %reduce_sum3A_425, %reduce_sum3A_425 : vector<784xf32>
    %sub3A_445 = arith.subf %mul3A_443, %mul3A_444 : vector<784xf32>
    %mul3A_446 = arith.mulf %reduce_sum3A_425, %reduce_sum3A_422 : vector<784xf32>
    %mul3A_447 = arith.mulf %reduce_sum3A_419, %reduce_sum3A_431 : vector<784xf32>
    %sub3A_448 = arith.subf %mul3A_446, %mul3A_447 : vector<784xf32>
    %mul3A_449 = arith.mulf %reduce_sum3A_419, %reduce_sum3A_428 : vector<784xf32>
    %mul3A_450 = arith.mulf %reduce_sum3A_422, %reduce_sum3A_422 : vector<784xf32>
    %sub3A_451 = arith.subf %mul3A_449, %mul3A_450 : vector<784xf32>
    %mul3A_452 = arith.mulf %reduce_sum3A_419, %sub3A : vector<784xf32>
    %mul3A_453 = arith.mulf %reduce_sum3A_422, %sub3A_439 : vector<784xf32>
    %add3A_454 = arith.addf %mul3A_452, %mul3A_453 : vector<784xf32>
    %mul3A_455 = arith.mulf %reduce_sum3A_425, %sub3A_442 : vector<784xf32>
    %add3A_456 = arith.addf %add3A_454, %mul3A_455 : vector<784xf32>
    %mul3A_457 = arith.mulf %sub3A, %reduce_sum3A_110 : vector<784xf32>
    %mul3A_458 = arith.mulf %sub3A_439, %reduce_sum3A_227 : vector<784xf32>
    %add3A_459 = arith.addf %mul3A_457, %mul3A_458 : vector<784xf32>
    %mul3A_460 = arith.mulf %sub3A_442, %reduce_sum3A_344 : vector<784xf32>
    %add3A_461 = arith.addf %add3A_459, %mul3A_460 : vector<784xf32>
    %div3A = arith.divf %add3A_461, %add3A_456 : vector<784xf32>
    %mul3A_462 = arith.mulf %sub3A_439, %reduce_sum3A_110 : vector<784xf32>
    %mul3A_463 = arith.mulf %sub3A_445, %reduce_sum3A_227 : vector<784xf32>
    %add3A_464 = arith.addf %mul3A_462, %mul3A_463 : vector<784xf32>
    %mul3A_465 = arith.mulf %sub3A_448, %reduce_sum3A_344 : vector<784xf32>
    %add3A_466 = arith.addf %add3A_464, %mul3A_465 : vector<784xf32>
    %div3A_467 = arith.divf %add3A_466, %add3A_456 : vector<784xf32>
    %mul3A_468 = arith.mulf %sub3A_442, %reduce_sum3A_110 : vector<784xf32>
    %mul3A_469 = arith.mulf %sub3A_448, %reduce_sum3A_227 : vector<784xf32>
    %add3A_470 = arith.addf %mul3A_468, %mul3A_469 : vector<784xf32>
    %mul3A_471 = arith.mulf %sub3A_451, %reduce_sum3A_344 : vector<784xf32>
    %add3A_472 = arith.addf %add3A_470, %mul3A_471 : vector<784xf32>
    %div3A_473 = arith.divf %add3A_472, %add3A_456 : vector<784xf32>
    %bitcast_convert_type3A = tpu.bitcast %div3A : vector<784xf32> -> vector<784xi32>
    %add3A_474 = arith.constant 32767 : i32
    %add3A_475 = vector.broadcast %add3A_474 : i32 to vector<784xi32>
    %add3A_476 = arith.addi %bitcast_convert_type3A, %add3A_475 : vector<784xi32>
    %shift_right_logical3A = arith.constant 16 : i32
    %shift_right_logical3A_477 = vector.broadcast %shift_right_logical3A : i32 to vector<784xi32>
    %shift_right_logical3A_478 = arith.shrui %bitcast_convert_type3A, %shift_right_logical3A_477 : vector<784xi32>
    %and3A = arith.constant 1 : i32
    %and3A_479 = vector.broadcast %and3A : i32 to vector<784xi32>
    %and3A_480 = arith.andi %shift_right_logical3A_478, %and3A_479 : vector<784xi32>
    %add3A_481 = arith.addi %add3A_476, %and3A_480 : vector<784xi32>
    %and3A_482 = arith.constant -65536 : i32
    %and3A_483 = vector.broadcast %and3A_482 : i32 to vector<784xi32>
    %and3A_484 = arith.andi %add3A_481, %and3A_483 : vector<784xi32>
    %bitcast_convert_type3A_485 = tpu.bitcast %and3A_484 : vector<784xi32> -> vector<784xf32>
    %broadcast_in_dim3A_486 = vector.shape_cast %bitcast_convert_type3A_485 : vector<784xf32> to vector<784x1xf32>
    %bitcast_convert_type3A_487 = tpu.bitcast %add3A_108 : vector<784x128xf32> -> vector<784x128xi32>
    %add3A_488 = arith.constant 32767 : i32
    %add3A_489 = vector.broadcast %add3A_488 : i32 to vector<784x128xi32>
    %add3A_490 = arith.addi %bitcast_convert_type3A_487, %add3A_489 : vector<784x128xi32>
    %shift_right_logical3A_491 = arith.constant 16 : i32
    %shift_right_logical3A_492 = vector.broadcast %shift_right_logical3A_491 : i32 to vector<784x128xi32>
    %shift_right_logical3A_493 = arith.shrui %bitcast_convert_type3A_487, %shift_right_logical3A_492 : vector<784x128xi32>
    %and3A_494 = arith.constant 1 : i32
    %and3A_495 = vector.broadcast %and3A_494 : i32 to vector<784x128xi32>
    %and3A_496 = arith.andi %shift_right_logical3A_493, %and3A_495 : vector<784x128xi32>
    %add3A_497 = arith.addi %add3A_490, %and3A_496 : vector<784x128xi32>
    %and3A_498 = arith.constant -65536 : i32
    %and3A_499 = vector.broadcast %and3A_498 : i32 to vector<784x128xi32>
    %and3A_500 = arith.andi %add3A_497, %and3A_499 : vector<784x128xi32>
    %bitcast_convert_type3A_501 = tpu.bitcast %and3A_500 : vector<784x128xi32> -> vector<784x128xf32>
    %mul3A_502 = vector.broadcast %broadcast_in_dim3A_486 : vector<784x1xf32> to vector<784x128xf32>
    %mul3A_503 = arith.mulf %mul3A_502, %bitcast_convert_type3A_501 : vector<784x128xf32>
    %bitcast_convert_type3A_504 = tpu.bitcast %div3A_467 : vector<784xf32> -> vector<784xi32>
    %add3A_505 = arith.constant 32767 : i32
    %add3A_506 = vector.broadcast %add3A_505 : i32 to vector<784xi32>
    %add3A_507 = arith.addi %bitcast_convert_type3A_504, %add3A_506 : vector<784xi32>
    %shift_right_logical3A_508 = arith.constant 16 : i32
    %shift_right_logical3A_509 = vector.broadcast %shift_right_logical3A_508 : i32 to vector<784xi32>
    %shift_right_logical3A_510 = arith.shrui %bitcast_convert_type3A_504, %shift_right_logical3A_509 : vector<784xi32>
    %and3A_511 = arith.constant 1 : i32
    %and3A_512 = vector.broadcast %and3A_511 : i32 to vector<784xi32>
    %and3A_513 = arith.andi %shift_right_logical3A_510, %and3A_512 : vector<784xi32>
    %add3A_514 = arith.addi %add3A_507, %and3A_513 : vector<784xi32>
    %and3A_515 = arith.constant -65536 : i32
    %and3A_516 = vector.broadcast %and3A_515 : i32 to vector<784xi32>
    %and3A_517 = arith.andi %add3A_514, %and3A_516 : vector<784xi32>
    %bitcast_convert_type3A_518 = tpu.bitcast %and3A_517 : vector<784xi32> -> vector<784xf32>
    %broadcast_in_dim3A_519 = vector.shape_cast %bitcast_convert_type3A_518 : vector<784xf32> to vector<784x1xf32>
    %bitcast_convert_type3A_520 = tpu.bitcast %add3A_224 : vector<784x128xf32> -> vector<784x128xi32>
    %add3A_521 = arith.constant 32767 : i32
    %add3A_522 = vector.broadcast %add3A_521 : i32 to vector<784x128xi32>
    %add3A_523 = arith.addi %bitcast_convert_type3A_520, %add3A_522 : vector<784x128xi32>
    %shift_right_logical3A_524 = arith.constant 16 : i32
    %shift_right_logical3A_525 = vector.broadcast %shift_right_logical3A_524 : i32 to vector<784x128xi32>
    %shift_right_logical3A_526 = arith.shrui %bitcast_convert_type3A_520, %shift_right_logical3A_525 : vector<784x128xi32>
    %and3A_527 = arith.constant 1 : i32
    %and3A_528 = vector.broadcast %and3A_527 : i32 to vector<784x128xi32>
    %and3A_529 = arith.andi %shift_right_logical3A_526, %and3A_528 : vector<784x128xi32>
    %add3A_530 = arith.addi %add3A_523, %and3A_529 : vector<784x128xi32>
    %and3A_531 = arith.constant -65536 : i32
    %and3A_532 = vector.broadcast %and3A_531 : i32 to vector<784x128xi32>
    %and3A_533 = arith.andi %add3A_530, %and3A_532 : vector<784x128xi32>
    %bitcast_convert_type3A_534 = tpu.bitcast %and3A_533 : vector<784x128xi32> -> vector<784x128xf32>
    %mul3A_535 = vector.broadcast %broadcast_in_dim3A_519 : vector<784x1xf32> to vector<784x128xf32>
    %mul3A_536 = arith.mulf %mul3A_535, %bitcast_convert_type3A_534 : vector<784x128xf32>
    %add3A_537 = arith.addf %mul3A_503, %mul3A_536 : vector<784x128xf32>
    %bitcast_convert_type3A_538 = tpu.bitcast %div3A_473 : vector<784xf32> -> vector<784xi32>
    %add3A_539 = arith.constant 32767 : i32
    %add3A_540 = vector.broadcast %add3A_539 : i32 to vector<784xi32>
    %add3A_541 = arith.addi %bitcast_convert_type3A_538, %add3A_540 : vector<784xi32>
    %shift_right_logical3A_542 = arith.constant 16 : i32
    %shift_right_logical3A_543 = vector.broadcast %shift_right_logical3A_542 : i32 to vector<784xi32>
    %shift_right_logical3A_544 = arith.shrui %bitcast_convert_type3A_538, %shift_right_logical3A_543 : vector<784xi32>
    %and3A_545 = arith.constant 1 : i32
    %and3A_546 = vector.broadcast %and3A_545 : i32 to vector<784xi32>
    %and3A_547 = arith.andi %shift_right_logical3A_544, %and3A_546 : vector<784xi32>
    %add3A_548 = arith.addi %add3A_541, %and3A_547 : vector<784xi32>
    %and3A_549 = arith.constant -65536 : i32
    %and3A_550 = vector.broadcast %and3A_549 : i32 to vector<784xi32>
    %and3A_551 = arith.andi %add3A_548, %and3A_550 : vector<784xi32>
    %bitcast_convert_type3A_552 = tpu.bitcast %and3A_551 : vector<784xi32> -> vector<784xf32>
    %broadcast_in_dim3A_553 = vector.shape_cast %bitcast_convert_type3A_552 : vector<784xf32> to vector<784x1xf32>
    %bitcast_convert_type3A_554 = tpu.bitcast %add3A_341 : vector<784x128xf32> -> vector<784x128xi32>
    %add3A_555 = arith.constant 32767 : i32
    %add3A_556 = vector.broadcast %add3A_555 : i32 to vector<784x128xi32>
    %add3A_557 = arith.addi %bitcast_convert_type3A_554, %add3A_556 : vector<784x128xi32>
    %shift_right_logical3A_558 = arith.constant 16 : i32
    %shift_right_logical3A_559 = vector.broadcast %shift_right_logical3A_558 : i32 to vector<784x128xi32>
    %shift_right_logical3A_560 = arith.shrui %bitcast_convert_type3A_554, %shift_right_logical3A_559 : vector<784x128xi32>
    %and3A_561 = arith.constant 1 : i32
    %and3A_562 = vector.broadcast %and3A_561 : i32 to vector<784x128xi32>
    %and3A_563 = arith.andi %shift_right_logical3A_560, %and3A_562 : vector<784x128xi32>
    %add3A_564 = arith.addi %add3A_557, %and3A_563 : vector<784x128xi32>
    %and3A_565 = arith.constant -65536 : i32
    %and3A_566 = vector.broadcast %and3A_565 : i32 to vector<784x128xi32>
    %and3A_567 = arith.andi %add3A_564, %and3A_566 : vector<784x128xi32>
    %bitcast_convert_type3A_568 = tpu.bitcast %and3A_567 : vector<784x128xi32> -> vector<784x128xf32>
    %mul3A_569 = vector.broadcast %broadcast_in_dim3A_553 : vector<784x1xf32> to vector<784x128xf32>
    %mul3A_570 = arith.mulf %mul3A_569, %bitcast_convert_type3A_568 : vector<784x128xf32>
    %add3A_571 = arith.addf %add3A_537, %mul3A_570 : vector<784x128xf32>
    %swap3A_572 = arith.constant 0 : index
    %swap3A_573 = arith.constant 0 : index
    %swap3A_574 = vector.load %arg8[%swap3A_572, %swap3A_573] : memref<784x128xf32, #tpu.memory_space<vmem>>, vector<784x128xf32>
    tpu.vector_store %arg8[%swap3A_572, %swap3A_573], %add3A_571 {strides = array<i32>} : memref<784x128xf32, #tpu.memory_space<vmem>>, vector<784x128xf32>,
    %sub3A_575 = arith.subf %get3A_1, %add3A_571 : vector<784x128xf32>
    %add3A_576 = arith.constant 9.99999996E-13 : f32
    %add3A_577 = vector.broadcast %add3A_576 : f32 to vector<784x128xf32>
    %add3A_578 = arith.addf %sub3A_575, %add3A_577 : vector<784x128xf32>
    %mul3A_579 = arith.mulf %add3A_578, %add3A_578 : vector<784x128xf32>
    %reduce_sum3A_580 = arith.constant dense<0.000000e+00> : vector<784xf32>
    %reduce_sum3A_581 = vector.multi_reduction <add>, %mul3A_579, %reduce_sum3A_580 [1] : vector<784x128xf32> to vector<784xf32>
    %broadcast_in_dim3A_582 = vector.shape_cast %reduce_sum3A_581 : vector<784xf32> to vector<784x1xf32>
    %sqrt3A = math.sqrt %broadcast_in_dim3A_582 : vector<784x1xf32>
    %reduce_max3A = arith.constant dense<0xFF800000> : vector<1xf32>
    %reduce_max3A_583 = vector.multi_reduction <maximumf>, %sqrt3A, %reduce_max3A [0] : vector<784x1xf32> to vector<1xf32>
    %broadcast_in_dim3A_584 = vector.shape_cast %reduce_max3A_583 : vector<1xf32> to vector<1x1xf32>
    %swap3A_585 = arith.constant 0 : index
    %swap3A_586 = arith.constant 0 : index
    %swap3A_587 = vector.load %arg9[%swap3A_585, %swap3A_586] : memref<1x1xf32, #tpu.memory_space<vmem>>, vector<1x1xf32>
    tpu.vector_store %arg9[%swap3A_585, %swap3A_586], %broadcast_in_dim3A_584 {strides = array<i32>} : memref<1x1xf32, #tpu.memory_space<vmem>>, vector<1x1xf32>,
    return
  }
}

</mosaic_0001>

<sc_bundles>
// kernel: gather_offload_async_start.1
scs
__scs_entry_jumppad:
0x0: {  	(pc) =	sbr.rel $0x88, $3  }
0x1: {  	(tag) =	ssettag $0x0;
	lr =	simm.s32 $0x1  }
0x2: {  	[smem:$0x3F9F] =	sst lr;
	_ =	strace $0xD0000000  }
0x3: {  	_ = 	snop  }
0x4: {  	_ = 	snop  }
0x5: {  	_ = 	snop  }
0x6: {  	_ = 	snop  }
0x7: {  	_ = 	snop  }
__scs_overlays_trampoline_lowered:
0x8: {  	[smem:$0x3FAE] =	sst s0  }
0x9: {  	[smem:$0x3FAF] =	sst s1  }
0xa: {  	[smem:$0x3FB0] =	sst s2  }
0xb: {  	[smem:$0x3FB1] =	sst s3  }
0xc: {  	[smem:$0x3FB2] =	sst s4  }
0xd: {  	[smem:$0x3FB3] =	sst s5  }
0xe: {  	[smem:$0x3FB4] =	sst s6  }
0xf: {  	[smem:$0x3FB5] =	sst s7  }
0x10: {  	[smem:$0x3FB6] =	sst s8  }
0x11: {  	[smem:$0x3FB7] =	sst s9;
	s0 =	simm.s32 @!p0 $0x0  }
0x12: {  	s1 =	sld [smem:$0x3F9D];
	s0 =	simm.s32 @p0 $0x1  }
0x13: {  	[smem:$0x3FB8] =	sst s0;
	s0 =	simm.s32 @!p1 $0x0  }
0x14: {  	s2 =	sld [smem:$0x3F9C];
	s0 =	simm.s32 @p1 $0x1  }
0x15: {  	[smem:$0x3FB9] =	sst s0;
	s0 =	simm.s32 @!p2 $0x0  }
0x16: {  	s3 =	sld [smem:$0x3FDB];
	s0 =	simm.s32 @p2 $0x1  }
0x17: {  	s4 =	simm.s32 $0x1BF5;
	[smem:$0x3FBB] =	sst s0  }
0x18: {  	s0 =	sld [smem:$0x3F9E];
	_ =	swait.ge [sflag:s4], $0x0  }
0x19: {  	s7 =	sld [smem:$0x3F9F]  }
0x1a: {  	s8 =	sadd.s32 $0xFFFFE003, lr  }
0x1b: {  	s9 =	sadd.s32 $0xFFFFFEF7, lr;
	s5 =	simm.s32 $0xFFFFFFFF;
	p2 =	slt.u32 s8, $0xFFFFF086  }
0x1c: {  	p1 =	slt.u32 s9, $0xF7A;
	s5 =	simm.s32 @!p2 $0x0  }
0x1d: {  	s5 =	simm.s32 @p1 $0x1;
	p0 =	seq.s32 s7, s2  }
0x1e: {  	s7 =	smul.u32 @!p0 $0xF7A, s2;
	p2 =	seq.s32 @!p0 s5, $0x0  }
0x1f: {  	s9 =	smul.u32 $0xF7A, s1;
	s8 =	simm.s32 @!p0 $0x1BF5;
	p2 =	por !p2, p0  }
0x20: {  	[sflag:s8] =	ssyncset.s32 @!p0 $0xFFFFF086;
	s6 =	sadd.s32 @!p0 s3, s7;
	s7 =	simm.s32 @!p0 $0x108  }
0x21: {  	s3 =	sadd.s32 s3, s9;
	s6 =	sadd.s32 @!p0 $0x88, s6;
	s7 =	simm.s32 @p2 $0x1082  }
0x22: {  	[simem:s7], [sflag:s8] =	dma.local @!p0 [hbm:s6], $0xF7A  }
0x23: {  	s9 =	sor.u32 $0xD0000000, s2;
	s6 =	simm.s32 $0x108;
	_ =	swait.ge @!p0 [sflag:s8], $0x0  }
0x24: {  	s3 =	sadd.s32 $0x88, s3;
	s6 =	simm.s32 @!p1 $0x1082;
	[sflag:s4] =	ssyncset.s32 $0xFFFFF086  }
0x25: {  	[simem:s6], [sflag:s4] =	dma.local [hbm:s3], $0xF7A  }
0x26: {  	[smem:$0x3F9F] =	sst s1;
	(tag) =	ssettag s2;
	_ =	strace s9  }
0x27: {  	s1 =	sld [smem:$0x3FAF]  }
0x28: {  	s2 =	sld [smem:$0x3FB0]  }
0x29: {  	s4 =	sld [smem:$0x3FB2]  }
0x2a: {  	p0 =	seq.s32 s5, $0x0;
	s5 =	sld [smem:$0x3FB3]  }
0x2b: {  	s6 =	sld [smem:$0x3FB4]  }
0x2c: {  	s7 =	sld [smem:$0x3FB5]  }
0x2d: {  	s3 =	simm.s32 $0x108;
	s8 =	sld [smem:$0x3FB6]  }
0x2e: {  	s3 =	simm.s32 @!p0 $0x1082;
	s9 =	sld [smem:$0x3FB7]  }
0x2f: {  	lr =	sadd.s32 s0, s3;
	s0 =	sld [smem:$0x3FAE]  }
0x30: {  	s3 =	sld [smem:$0x3FB1]  }
0x31: {  	[smem:$0x3FBA] =	sst s10  }
0x32: {  	s10 =	sld [smem:$0x3FB8];
	_ =	sdelay $0x3  }
0x33: {  	p0 =	seq.s32 s10, $0x1;
	s10 =	sld [smem:$0x3FBA];
	_ =	sdelay $0x3  }
0x34: {  	[smem:$0x3FBA] =	sst s10  }
0x35: {  	s10 =	sld [smem:$0x3FB9];
	_ =	sdelay $0x3  }
0x36: {  	p1 =	seq.s32 s10, $0x1;
	s10 =	sld [smem:$0x3FBA];
	_ =	sdelay $0x3  }
0x37: {  	[smem:$0x3FBA] =	sst s10  }
0x38: {  	s10 =	sld [smem:$0x3FBB]  }
0x39: {  	_ = 	snop;
	(pc) =	sbr.ind lr, $3  }
0x3a: {  	_ = 	snop  }
0x3b: {  	_ = 	snop  }
0x3c: {  	p2 =	seq.s32 s10, $0x1;
	s10 =	sld [smem:$0x3FBA]  }
0x3d: {  	_ =	shalt  }
0x3e: {  	_ =	shalt  }
0x3f: {  	_ =	shalt  }
0x40: {  	_ =	shalt  }
0x41: {  	_ =	shalt  }
0x42: {  	_ =	shalt  }
0x43: {  	_ =	shalt  }
0x44: {  	_ =	shalt  }
0x45: {  	_ =	shalt  }
0x46: {  	_ =	shalt  }
0x47: {  	_ =	shalt  }
0x48: {  	_ =	shalt  }
0x49: {  	_ =	shalt  }
0x4a: {  	_ =	shalt  }
0x4b: {  	_ =	shalt  }
0x4c: {  	_ =	shalt  }
0x4d: {  	_ =	shalt  }
0x4e: {  	_ =	shalt  }
0x4f: {  	_ =	shalt  }
0x50: {  	_ =	shalt  }
0x51: {  	_ =	shalt  }
0x52: {  	_ =	shalt  }
0x53: {  	_ =	shalt  }
0x54: {  	_ =	shalt  }
0x55: {  	_ =	shalt  }
0x56: {  	_ =	shalt  }
0x57: {  	_ =	shalt  }
0x58: {  	_ =	shalt  }
0x59: {  	_ =	shalt  }
0x5a: {  	_ =	shalt  }
0x5b: {  	_ =	shalt  }
0x5c: {  	_ =	shalt  }
0x5d: {  	_ =	shalt  }
0x5e: {  	_ =	shalt  }
0x5f: {  	_ =	shalt  }
0x60: {  	_ =	shalt  }
0x61: {  	_ =	shalt  }
0x62: {  	_ =	shalt  }
0x63: {  	_ =	shalt  }
0x64: {  	_ =	shalt  }
0x65: {  	_ =	shalt  }
0x66: {  	_ =	shalt  }
0x67: {  	_ =	shalt  }
0x68: {  	_ =	shalt  }
0x69: {  	_ =	shalt  }
0x6a: {  	_ =	shalt  }
0x6b: {  	_ =	shalt  }
0x6c: {  	_ =	shalt  }
0x6d: {  	_ =	shalt  }
0x6e: {  	_ =	shalt  }
0x6f: {  	_ =	shalt  }
0x70: {  	_ =	shalt  }
0x71: {  	_ =	shalt  }
0x72: {  	_ =	shalt  }
0x73: {  	_ =	shalt  }
0x74: {  	_ =	shalt  }
0x75: {  	_ =	shalt  }
0x76: {  	_ =	shalt  }
0x77: {  	_ =	shalt  }
0x78: {  	_ =	shalt  }
0x79: {  	_ =	shalt  }
0x7a: {  	_ =	shalt  }
0x7b: {  	_ =	shalt  }
0x7c: {  	_ =	shalt  }
0x7d: {  	_ =	shalt  }
0x7e: {  	_ =	shalt  }
0x7f: {  	_ =	shalt  }
0x80: {  	_ =	shalt  }
0x81: {  	_ =	shalt  }
0x82: {  	_ =	shalt  }
0x83: {  	_ =	shalt  }
0x84: {  	_ =	shalt  }
0x85: {  	_ =	shalt  }
0x86: {  	_ =	shalt  }
0x87: {  	_ =	shalt  }
.Lfunc_end0:
.L_simem_size_0:
called_computation.1_lowered:
.L_overlay_start_0:
0x88: {  	s2 =	sld [smem:$0x3FD9]  }
0x89: {  	s3 =	sld [smem:$0x3FFE];
	_ =	sdelay $0x1  }
0x8a: {  	s1 =	srdreg.scid  }
0x8b: {  	s0 =	sand.u32 $0x1, s1  }
0x8c: {  	s16 =	sshll.u32 s0, $0xA;
	s2 =	sadd.s32 s3, s2  }
0x8d: {  	s2 =	sadd.s32 s2, s16  }
0x8e: {  	[smem:$0x3FC6] =	sst s2  }
0x8f: {  	_ = 	snop  }
0x90: {  	(tm) =	ssettm $0x1  }
0x91: {  	s17 =	sld [smem:$0x3FFB];
	_ =	sdelay $0x3  }
0x92: {  	_ =	strace s17  }
0x93: {  	s2 =	sld [smem:$0x3FFC];
	_ =	sdelay $0x3  }
0x94: {  	_ =	strace s2  }
0x95: {  	s2 =	sld [smem:$0x3FFD];
	_ =	sdelay $0x3  }
0x96: {  	_ =	strace s2  }
0x97: {  	_ =	strace $0x8FFFFFFF  }
0x98: {  	s18 =	sld [smem:$0x3FDB];
	_ =	sdelay $0x1  }
0x99: {  	s19 =	simm.s32 $_scs_section_size  }
0x9a: {  	s4 =	simm.s32 $_size__tile_overlayer_lowered;
	s5 =	simm.s32 $_tile_overlayer_lowered  }
0x9b: {  	s22 =	simm.s32 $0x1BFF;
	s21 =	sshll.u32 s5, $0x1;
	s2 =	sadd.s32 s19, s18  }
0x9c: {  	s6 =	simm.s32 $0x0;
	s20 =	sshll.u32 s4, $0x1;
	s4 =	sadd.s32 s21, s2  }
0x9d: {  	[timem:s6], [sflag:s22] =	dma.local [hbm:s4], s20  }
0x9e: {  	_ =	swait.ge [sflag:s22], s20  }
0x9f: {  	s3 =	ssub.s32 $0x0, s20;
	[sflag:s22] =	ssyncset.done $0x0  }
0xa0: {  	[sflag:s22] =	ssyncadd.s32 s3;
	_ =	sdelay $0x1  }
0xa1: {  	s23 =	simm.s32 $0x1B8B  }
0xa2: {  	_ =	swait.ge [sflag:s23], $0x1  }
0xa3: {  	[sflag:s23] =	ssyncset.done $0x0  }
0xa4: {  	s25 =	simm.s32 $0x1B8E;
	s24 =	sld [smem:$0x3FFE];
	[sflag:s23] =	ssyncadd.s32 $0xFFFFFFFF  }
0xa5: {  	s26 =	simm.s32 $execute0_lowered;
	[smem:$0x3FD2] =	sst s25  }
0xa6: {  	s4 =	sshll.u32 s26, $0x1;
	_ =	strace $0x8000004C;
	[dreg:$0x1] =	wrdreg $0xFFFFFFFF  }
0xa7: {  	s28 =	simm.s32 $_size_execute0_lowered;
	s2 =	sadd.s32 s2, s4;
	[dreg:$0x0] =	wrdreg $0x0  }
0xa8: {  	s4 =	sshll.u32 s28, $0x1;
	[dreg:$0x2] =	wrdreg s2  }
0xa9: {  	[dreg:$0x3] =	wrdreg s4  }
0xaa: {  	[dreg:$0x4] =	wrdreg $0xC0  }
0xab: {  	_ =	task [dreg:s6], $0x5FFFF  }
0xac: {  	[dreg:$0x1] =	wrdreg $0xFFFFFFFF  }
0xad: {  	[dreg:$0x0] =	wrdreg $0x60  }
0xae: {  	[dreg:$0x2] =	wrdreg s24  }
0xaf: {  	[dreg:$0x3] =	wrdreg $0x9  }
0xb0: {  	_ =	task.clear_ibuf [dreg:s6], $0x4FFFF;
	_ =	strace $0x9000004C  }
0xb1: {  	s29 =	simm.s32 $0x9;
	_ =	strace $0x8000004E  }
0xb2: {  	_ =	swait.ge [sflag:s29], $0x1  }
0xb3: {  	[sflag:s29] =	ssyncadd.s32 $0xFFFFFFFF  }
0xb4: {  	_ =	strace $0x9000004E  }
0xb5: {  	_ =	sfence  }
0xb6: {  	s30 =	sld [smem:$0x0];
	_ =	sdelay $0x2  }
0xb7: {  	s31 =	sshll.u32 s1, $0xD;
	s1 =	sshrl.u32 s1, $0x2  }
0xb8: {  	s3 =	sand.u32 $0x4000, s31;
	s1 =	sadd.s32 s1, s30  }
0xb9: {  	s0 =	sor.u32 s3, s0;
	s1 =	sshll.u32 s1, $0x11  }
0xba: {  	s0 =	sor.u32 s1, s0  }
0xbb: {  	s0 =	sadd.s32 $0x8F2B, s0  }
0xbc: {  	[sflag:s0] =	ssyncadd.remote.s32 $0x1  }
0xbd: {  	_ =	sfence.sel $0xFFFF  }
0xbe: {  	[dreg:$0x0] =	wrdreg $0xFFFFFFFF;
	(pc) =	sbr.abs _section_cstart, $3  }
0xbf: {  	[dreg:$0x1] =	wrdreg $0xFFFFFFFF  }
0xc0: {  	_ =	task.clear_ibuf [dreg:s6], $0x2FFFF;
	_ =	strace $0x9FFFFFFF  }
0xc1: {  	(tm) =	ssettm $0x7FFFFFFF  }
tec
execute0_lowered:
.L_overlay_start_1:
0x0: {  	(tag) =	ssettag $0x1  }
0x1: {  	s0 =	stileid.u32;
	s1 =	srdreg.scid  }
0x2: {  	s1 =	sand.u32 $0x1, s1;
	s2 =	sshll.u32 s0, $0x1  }
0x3: {  	s1 =	sor.u32 s2, s1  }
0x4: {  	s2 =	smul.u32 $0x70, s1;
	_ =	sdelay $0x1  }
0x5: {  	s6 =	ssub.s32 $0x1EA0, s2  }
0x6: {  	s31 =	smul.u32 $0x2493, s6  }
0x7: {  	s8 =	rddreg [dreg:$0x0];
	s5 =	simm.s32 $0x1;
	s10 =	simm.s32 $0x3  }
0x8: {  	s13 =	simm.s32 $0x0;
	s12 =	simm.s32 $0x0;
	s7 =	sshrl.u32 s31, $0x19  }
0x9: {  	s3 =	sadd.s32 $0x5A200, s8;
	s4 =	sadd.s32 $0x25400, s8;
	s9 =	smul.u32 $0xE00, s7  }
.Ltmp0:
0xa: {  	s8 =	sadd.s32 $0xBF400, s8;
	s1 =	rddreg [dreg:$0x1];
	(pc) =	sbr.rel .LBB2_1-.Ltmp0, $4  }
0xb: {  	_ =	strace $0x8000004D;
	p0 =	sne.s32 s6, s9;
	s9 =	simm.s32 $0x1  }
0xc: {  	[sflag:s5] =	ssyncpa.u1 $0x0;
	s6 =	simm.s32 $0x2;
	s9 =	simm.s32 @!p0 $0x0  }
0xd: {  	s11 =	smov.u32 s2;
	[sflag:s6] =	ssyncpa.u1 $0x0;
	s7 =	sadd.s32 s7, s9  }
0xe: {  	vm0 =	vmmov $0xffff;
	[sflag:s10] =	ssyncpa.u1 $0x0;
	s10 =	simm.s32 $0x0;
	s9 =	sadd.s32 $0x1, s7  }
.LBB2_4:
0xf: {  	v5 =	vshrl.u32 v1, $0xA;
	v6 =	vshll.u32 v1, $0x7  }
0x10: {  	vm1 =	veq.s32 v1, $0x80000000;
	v58 =	vand.u32 $0xF, v5;
	v59 =	vand.u32 $0x1FF80, v6  }
0x11: {  	v1 =	vsel vm1, $0xFFFFFFFF, v58;
	v5 =	vsel vm1, $0xFFFFFF80, v59  }
0x12: {  	v3 =	vor.u32 v4, v3;
	v60 =	vand.u32 $0xFFFFFC00, v5;
	v61 =	vand.u32 $0xFFFFFC00, v1  }
0x13: {  	v2 =	vor.u32 v2, v3;
	v63 =	vand.u32 $0x380, v5;
	v62 =	vadd.s32 v61, v60  }
0x14: {  	v1 =	vand.u32 $0x7F, v1;
	v3 =	vor.u32 v63, v62  }
0x15: {  	v1 =	vor.u32 v1, v3  }
0x16: {  	[tilespmem:s17], [sflag:$0x1] =	stream.indirect_vreg.gather [hbm4b:s3+s10], $0x1, v0, vm0, $0x4038;
	[tilespmem:$0x1C0] =	vst v63  }
0x17: {  	(ifvalue) =	ssetifvalue $0x7FFFFFFF  }
0x18: {  	[tilespmem:s15], [sflag:$0x1] =	stream.indirect_vreg.gather [hbm4b:s3+s10], $0x1, v2, vm0, $0x4038;
	[tilespmem:$0x1C0] =	vst v63  }
0x19: {  	s29 =	sadd.s32 $0x10, s15;
	(ifvalue) =	ssetifvalue $0x7FFFFFFF  }
0x1a: {  	[tilespmem:s29], [sflag:$0x1] =	stream.indirect_vreg.gather [hbm4b:s3+s10], $0x1, v1, vm0, $0x4038;
	[tilespmem:$0x1C0] =	vst v63  }
0x1b: {  	_ =	swait.ge [sflag:s5], $0x70  }
0x1c: {  	s30 =	sshrl.u32 s13, $0x3;
	[sflag:s5] =	ssyncset.done $0x0  }
0x1d: {  	s31 =	sand.u32 $0x7, s13;
	s15 =	sadd.s32 s8, s30;
	[sflag:s5] =	ssyncadd.s32 $0xFFFFFF90  }
0x1e: {  	[hbm4b:s15+s31] =	stream.linear.scatter [tilespmem:s14], [sflag:$0x3], $0x70, $0x38;
	[tilespmem:$0x1C0] =	vst v63  }
.LBB2_5:
0x1f: {  	s15 =	sadd.s32 $0xE00, s11  }
0x20: {  	p1 =	sgt.s32 s15, $0x1E9F  }
0x21: {  	s15 =	smov.u32 @p1 s2;
	p1 =	sne.s32 s12, s9  }
.Ltmp1:
0x22: {  	p0 =	slt.u32 s12, $0x2;
	(pc) =	sbr.rel @!p1 .LBB2_6-.Ltmp1, $4  }
0x23: {  	s14 =	simm.s32 @!p0 $0x3  }
0x24: {  	_ =	swait.ge @!p0 [sflag:s14], $0x70  }
0x25: {  	s16 =	sadd.s32 $0x1, s12;
	s13 =	smov.u32 s11;
	[sflag:s14] =	ssyncset.done @!p0 $0x0  }
0x26: {  	s12 =	smov.u32 s16;
	s11 =	smov.u32 s15;
	[sflag:s14] =	ssyncadd.s32 @!p0 $0xFFFFFF90  }
.LBB2_1:
0x27: {  	p0 =	sge.u32 s12, s7  }
0x28: {  	s14 =	sxor.u32 @!p0 $0xFFFFFFFF, s12  }
0x29: {  	s14 =	sand.u32 @!p0 $0x1, s14  }
0x2a: {  	s14 =	smul.u32 @!p0 $0x1C0, s14  }
0x2b: {  	s31 =	sadd.s32 $0xFFFFFFFF, s12;
	s15 =	sshrl.u32 @!p0 s11, $0x3  }
0x2c: {  	s16 =	sand.u32 @!p0 $0x7, s11;
	s15 =	sadd.s32 @!p0 s4, s15;
	s14 =	sshrl.u32 @!p0 s14, $0x2  }
0x2d: {  	[tilespmem:s14], [sflag:$0x2] =	stream.linear.gather @!p0 [hbm4b:s15+s16], $0x70, $0x38;
	[tilespmem:$0x1C0] =	vst v63  }
0x2e: {  	p0 =	sge.u32 s31, s7  }
.Ltmp2:
0x2f: {  	_ = 	snop;
	(pc) =	sbr.rel @p0 .LBB2_5-.Ltmp2, $1  }
0x30: {  	_ =	sdelay $0x3  }
0x31: {  	s14 =	sand.u32 $0x1, s12  }
0x32: {  	_ =	swait.ge [sflag:s6], $0x70;
	p0 =	seq.s32 s14, $0x1;
	s14 =	simm.s32 $0x70  }
0x33: {  	[sflag:s6] =	ssyncset.done $0x0;
	s14 =	simm.s32 @!p0 $0x0  }
0x34: {  	[sflag:s6] =	ssyncadd.s32 $0xFFFFFF90;
	(ifvalue) =	ssetifvalue $0x7FFFFFFF;
	v0 =	vld.msk [tilespmem:s14+$0x0 ss:$0x1], $0xffff;
	_ =	sdelay $0x4  }
0x35: {  	s15 =	sadd.s32 $0x10, s14;
	v2 =	vshrl.u32 v0, $0xA;
	v3 =	vshll.u32 v0, $0x7  }
0x36: {  	v1 =	vld.msk [tilespmem:s15+$0x0 ss:$0x1], $0xffff;
	vm1 =	veq.s32 v0, $0x80000000;
	v0 =	vand.u32 $0xF, v2;
	v2 =	vand.u32 $0x1FF80, v3  }
0x37: {  	v0 =	vsel vm1, $0xFFFFFFFF, v0;
	v2 =	vsel vm1, $0xFFFFFF80, v2  }
0x38: {  	v3 =	vand.u32 $0xFFFFFC00, v2;
	v4 =	vand.u32 $0xFFFFFC00, v0  }
0x39: {  	v2 =	vand.u32 $0x380, v2;
	v3 =	vadd.s32 v4, v3  }
0x3a: {  	v0 =	vand.u32 $0x7F, v0;
	v2 =	vor.u32 v2, v3  }
0x3b: {  	v5 =	vshll.u32 v1, $0x7;
	v4 =	vshrl.u32 v1, $0xA;
	v0 =	vor.u32 v0, v2  }
0x3c: {  	vm1 =	veq.s32 v1, $0x80000000;
	v1 =	vand.u32 $0xF, v4;
	v4 =	vand.u32 $0x1FF80, v5  }
0x3d: {  	s14 =	sadd.s32 $0xE0, s14;
	s15 =	sadd.s32 $0x10, s15;
	v3 =	vsel vm1, $0xFFFFFFFF, v1;
	v4 =	vsel vm1, $0xFFFFFF80, v4  }
0x3e: {  	s16 =	simm.s32 $0x20;
	s17 =	smov.u32 s14;
	v1 =	vld.msk [tilespmem:s15+$0x0 ss:$0x1], $0xffff;
	v5 =	vand.u32 $0xFFFFFC00, v4;
	v6 =	vand.u32 $0xFFFFFC00, v3  }
0x3f: {  	s18 =	sadd.s32 $0x10, s15;
	(ifvalue) =	ssetifvalue $0x7FFFFFFF;
	s15 =	sadd.s32 $0x10, s14;
	v2 =	vand.u32 $0x7F, v3;
	v4 =	vand.u32 $0x380, v4;
	v3 =	vadd.s32 v6, v5  }
.LBB2_3:
0x40: {  	[tilespmem:s17], [sflag:$0x1] =	stream.indirect_vreg.gather [hbm4b:s3+s10], $0x1, v0, vm0, $0x4038;
	[tilespmem:$0x1C0] =	vst v63  }
0x41: {  	s16 =	sadd.s32 $0x10, s16  }
0x42: {  	v3 =	vor.u32 v4, v3;
	p0 =	slt.u32 s16, $0x60  }
.Ltmp3:
0x43: {  	v4 =	vshrl.u32 v1, $0xA;
	v5 =	vshll.u32 v1, $0x7;
	s17 =	smov.u32 s15;
	v0 =	vor.u32 v2, v3;
	v2 =	vmovc v1;
	v1 =	vld.msk [tilespmem:s18+$0x0 ss:$0x1], $0xffff;
	(pc) =	sbr.rel @p0 .LBB2_3-.Ltmp3, $4  }
0x44: {  	v3 =	vand.u32 $0x1FF80, v5;
	vm1 =	veq.s32 v2, $0x80000000;
	v2 =	vand.u32 $0xF, v4  }
0x45: {  	v4 =	vsel vm1, $0xFFFFFFFF, v2;
	v5 =	vsel vm1, $0xFFFFFF80, v3  }
0x46: {  	v2 =	vand.u32 $0x7F, v4;
	v3 =	vand.u32 $0xFFFFFC00, v5;
	v4 =	vand.u32 $0xFFFFFC00, v4  }
0x47: {  	s15 =	sadd.s32 $0x10, s15;
	s18 =	sadd.s32 $0x10, s18;
	v3 =	vadd.s32 v4, v3;
	v4 =	vand.u32 $0x380, v5;
	(ifvalue) =	ssetifvalue $0x7FFFFFFF  }
.Ltmp4:
0x48: {  	_ = 	snop;
	(pc) =	sbr.rel .LBB2_4-.Ltmp4, $1  }
0x49: {  	_ =	sdelay $0x3  }
.LBB2_6:
0x4a: {  	_ =	sfence.sel $0x180000  }
0x4b: {  	s2 =	simm.s32 $0x2;
	[bflag:$0x0] =	sbarrier.arrive $0xFFFF  }
0x4c: {  	s30 =	simm.s32 $0x3;
	[sflag:s2] =	ssyncpa.u1 $0x1  }
0x4d: {  	s31 =	simm.s32 $0x1;
	[sflag:s30] =	ssyncpa.u1 $0x1  }
0x4e: {  	[sflag:s31] =	ssyncpa.u1 $0x1  }
0x4f: {  	p0 =	sne.s32 s0, $0x0;
	_ =	strace $0x9000004D  }
0x50: {  	s0 =	sadd.s32 @!p0 $0x100000, s1;
	[bflag:$0x2] =	sbarrier.arrive $0xFFFF  }
0x51: {  	[sflag:s0] =	ssyncadd.tile.s32 @!p0 $0x1;
	_ =	shalt  }
.Lfunc_end2:
_tile_overlayer_lowered:
.L_overlay_start_2:
0x52: {  	(tag) =	ssettag $0x2  }
0x53: {  	s0 =	rddreg [dreg:$0x0];
	s2 =	stileid.u32  }
0x54: {  	s1 =	rddreg [dreg:$0x1];
	p0 =	sne.s32 s2, $0x0  }
0x55: {  	s3 =	rddreg [dreg:$0x2];
	[bflag:$0x3] =	sbarrier.arrive $0xFFFF;
	s2 =	simm.s32 @!p0 $0x1C01  }
0x56: {  	[timem:s3], [sflag:s2] =	dma.local @!p0 [hbm:s0], s1  }
0x57: {  	s0 =	simm.s32 @!p0 $0x1  }
0x58: {  	_ =	swait.ge @!p0 [sflag:s0], s1  }
0x59: {  	s1 =	ssub.s32 @!p0 $0x0, s1;
	[sflag:s0] =	ssyncset.done @!p0 $0x0  }
0x5a: {  	[sflag:s0] =	ssyncadd.s32 @!p0 s1  }
0x5b: {  	[bflag:$0x3] =	sbarrier.arrive $0xFFFF  }
0x5c: {  	_ =	shalt  }

// kernel: gather_offload_async_start.2
scs
__scs_entry_jumppad:
0x0: {  	(pc) =	sbr.rel $0x88, $3  }
0x1: {  	(tag) =	ssettag $0x0;
	lr =	simm.s32 $0x1  }
0x2: {  	[smem:$0x3F9F] =	sst lr;
	_ =	strace $0xD0000000  }
0x3: {  	_ = 	snop  }
0x4: {  	_ = 	snop  }
0x5: {  	_ = 	snop  }
0x6: {  	_ = 	snop  }
0x7: {  	_ = 	snop  }
__scs_overlays_trampoline_lowered:
0x8: {  	[smem:$0x3FAE] =	sst s0  }
0x9: {  	[smem:$0x3FAF] =	sst s1  }
0xa: {  	[smem:$0x3FB0] =	sst s2  }
0xb: {  	[smem:$0x3FB1] =	sst s3  }
0xc: {  	[smem:$0x3FB2] =	sst s4  }
0xd: {  	[smem:$0x3FB3] =	sst s5  }
0xe: {  	[smem:$0x3FB4] =	sst s6  }
0xf: {  	[smem:$0x3FB5] =	sst s7  }
0x10: {  	[smem:$0x3FB6] =	sst s8  }
0x11: {  	[smem:$0x3FB7] =	sst s9;
	s0 =	simm.s32 @!p0 $0x0  }
0x12: {  	s1 =	sld [smem:$0x3F9D];
	s0 =	simm.s32 @p0 $0x1  }
0x13: {  	[smem:$0x3FB8] =	sst s0;
	s0 =	simm.s32 @!p1 $0x0  }
0x14: {  	s2 =	sld [smem:$0x3F9C];
	s0 =	simm.s32 @p1 $0x1  }
0x15: {  	[smem:$0x3FB9] =	sst s0;
	s0 =	simm.s32 @!p2 $0x0  }
0x16: {  	s3 =	sld [smem:$0x3FDB];
	s0 =	simm.s32 @p2 $0x1  }
0x17: {  	s4 =	simm.s32 $0x1BF5;
	[smem:$0x3FBB] =	sst s0  }
0x18: {  	s0 =	sld [smem:$0x3F9E];
	_ =	swait.ge [sflag:s4], $0x0  }
0x19: {  	s7 =	sld [smem:$0x3F9F]  }
0x1a: {  	s8 =	sadd.s32 $0xFFFFE003, lr  }
0x1b: {  	s9 =	sadd.s32 $0xFFFFFEF7, lr;
	s5 =	simm.s32 $0xFFFFFFFF;
	p2 =	slt.u32 s8, $0xFFFFF086  }
0x1c: {  	p1 =	slt.u32 s9, $0xF7A;
	s5 =	simm.s32 @!p2 $0x0  }
0x1d: {  	s5 =	simm.s32 @p1 $0x1;
	p0 =	seq.s32 s7, s2  }
0x1e: {  	s7 =	smul.u32 @!p0 $0xF7A, s2;
	p2 =	seq.s32 @!p0 s5, $0x0  }
0x1f: {  	s9 =	smul.u32 $0xF7A, s1;
	s8 =	simm.s32 @!p0 $0x1BF5;
	p2 =	por !p2, p0  }
0x20: {  	[sflag:s8] =	ssyncset.s32 @!p0 $0xFFFFF086;
	s6 =	sadd.s32 @!p0 s3, s7;
	s7 =	simm.s32 @!p0 $0x108  }
0x21: {  	s3 =	sadd.s32 s3, s9;
	s6 =	sadd.s32 @!p0 $0x88, s6;
	s7 =	simm.s32 @p2 $0x1082  }
0x22: {  	[simem:s7], [sflag:s8] =	dma.local @!p0 [hbm:s6], $0xF7A  }
0x23: {  	s9 =	sor.u32 $0xD0000000, s2;
	s6 =	simm.s32 $0x108;
	_ =	swait.ge @!p0 [sflag:s8], $0x0  }
0x24: {  	s3 =	sadd.s32 $0x88, s3;
	s6 =	simm.s32 @!p1 $0x1082;
	[sflag:s4] =	ssyncset.s32 $0xFFFFF086  }
0x25: {  	[simem:s6], [sflag:s4] =	dma.local [hbm:s3], $0xF7A  }
0x26: {  	[smem:$0x3F9F] =	sst s1;
	(tag) =	ssettag s2;
	_ =	strace s9  }
0x27: {  	s1 =	sld [smem:$0x3FAF]  }
0x28: {  	s2 =	sld [smem:$0x3FB0]  }
0x29: {  	s4 =	sld [smem:$0x3FB2]  }
0x2a: {  	p0 =	seq.s32 s5, $0x0;
	s5 =	sld [smem:$0x3FB3]  }
0x2b: {  	s6 =	sld [smem:$0x3FB4]  }
0x2c: {  	s7 =	sld [smem:$0x3FB5]  }
0x2d: {  	s3 =	simm.s32 $0x108;
	s8 =	sld [smem:$0x3FB6]  }
0x2e: {  	s3 =	simm.s32 @!p0 $0x1082;
	s9 =	sld [smem:$0x3FB7]  }
0x2f: {  	lr =	sadd.s32 s0, s3;
	s0 =	sld [smem:$0x3FAE]  }
0x30: {  	s3 =	sld [smem:$0x3FB1]  }
0x31: {  	[smem:$0x3FBA] =	sst s10  }
0x32: {  	s10 =	sld [smem:$0x3FB8];
	_ =	sdelay $0x3  }
0x33: {  	p0 =	seq.s32 s10, $0x1;
	s10 =	sld [smem:$0x3FBA];
	_ =	sdelay $0x3  }
0x34: {  	[smem:$0x3FBA] =	sst s10  }
0x35: {  	s10 =	sld [smem:$0x3FB9];
	_ =	sdelay $0x3  }
0x36: {  	p1 =	seq.s32 s10, $0x1;
	s10 =	sld [smem:$0x3FBA];
	_ =	sdelay $0x3  }
0x37: {  	[smem:$0x3FBA] =	sst s10  }
0x38: {  	s10 =	sld [smem:$0x3FBB]  }
0x39: {  	_ = 	snop;
	(pc) =	sbr.ind lr, $3  }
0x3a: {  	_ = 	snop  }
0x3b: {  	_ = 	snop  }
0x3c: {  	p2 =	seq.s32 s10, $0x1;
	s10 =	sld [smem:$0x3FBA]  }
0x3d: {  	_ =	shalt  }
0x3e: {  	_ =	shalt  }
0x3f: {  	_ =	shalt  }
0x40: {  	_ =	shalt  }
0x41: {  	_ =	shalt  }
0x42: {  	_ =	shalt  }
0x43: {  	_ =	shalt  }
0x44: {  	_ =	shalt  }
0x45: {  	_ =	shalt  }
0x46: {  	_ =	shalt  }
0x47: {  	_ =	shalt  }
0x48: {  	_ =	shalt  }
0x49: {  	_ =	shalt  }
0x4a: {  	_ =	shalt  }
0x4b: {  	_ =	shalt  }
0x4c: {  	_ =	shalt  }
0x4d: {  	_ =	shalt  }
0x4e: {  	_ =	shalt  }
0x4f: {  	_ =	shalt  }
0x50: {  	_ =	shalt  }
0x51: {  	_ =	shalt  }
0x52: {  	_ =	shalt  }
0x53: {  	_ =	shalt  }
0x54: {  	_ =	shalt  }
0x55: {  	_ =	shalt  }
0x56: {  	_ =	shalt  }
0x57: {  	_ =	shalt  }
0x58: {  	_ =	shalt  }
0x59: {  	_ =	shalt  }
0x5a: {  	_ =	shalt  }
0x5b: {  	_ =	shalt  }
0x5c: {  	_ =	shalt  }
0x5d: {  	_ =	shalt  }
0x5e: {  	_ =	shalt  }
0x5f: {  	_ =	shalt  }
0x60: {  	_ =	shalt  }
0x61: {  	_ =	shalt  }
0x62: {  	_ =	shalt  }
0x63: {  	_ =	shalt  }
0x64: {  	_ =	shalt  }
0x65: {  	_ =	shalt  }
0x66: {  	_ =	shalt  }
0x67: {  	_ =	shalt  }
0x68: {  	_ =	shalt  }
0x69: {  	_ =	shalt  }
0x6a: {  	_ =	shalt  }
0x6b: {  	_ =	shalt  }
0x6c: {  	_ =	shalt  }
0x6d: {  	_ =	shalt  }
0x6e: {  	_ =	shalt  }
0x6f: {  	_ =	shalt  }
0x70: {  	_ =	shalt  }
0x71: {  	_ =	shalt  }
0x72: {  	_ =	shalt  }
0x73: {  	_ =	shalt  }
0x74: {  	_ =	shalt  }
0x75: {  	_ =	shalt  }
0x76: {  	_ =	shalt  }
0x77: {  	_ =	shalt  }
0x78: {  	_ =	shalt  }
0x79: {  	_ =	shalt  }
0x7a: {  	_ =	shalt  }
0x7b: {  	_ =	shalt  }
0x7c: {  	_ =	shalt  }
0x7d: {  	_ =	shalt  }
0x7e: {  	_ =	shalt  }
0x7f: {  	_ =	shalt  }
0x80: {  	_ =	shalt  }
0x81: {  	_ =	shalt  }
0x82: {  	_ =	shalt  }
0x83: {  	_ =	shalt  }
0x84: {  	_ =	shalt  }
0x85: {  	_ =	shalt  }
0x86: {  	_ =	shalt  }
0x87: {  	_ =	shalt  }
.Lfunc_end0:
.L_simem_size_0:
called_computation.2_lowered:
.L_overlay_start_0:
0x88: {  	s2 =	sld [smem:$0x3FD9]  }
0x89: {  	s3 =	sld [smem:$0x3FFE];
	_ =	sdelay $0x1  }
0x8a: {  	s1 =	srdreg.scid  }
0x8b: {  	s0 =	sand.u32 $0x1, s1  }
0x8c: {  	s16 =	sshll.u32 s0, $0xA;
	s2 =	sadd.s32 s3, s2  }
0x8d: {  	s2 =	sadd.s32 s2, s16  }
0x8e: {  	[smem:$0x3FC6] =	sst s2  }
0x8f: {  	_ = 	snop  }
0x90: {  	(tm) =	ssettm $0x1  }
0x91: {  	s17 =	sld [smem:$0x3FFB];
	_ =	sdelay $0x3  }
0x92: {  	_ =	strace s17  }
0x93: {  	s2 =	sld [smem:$0x3FFC];
	_ =	sdelay $0x3  }
0x94: {  	_ =	strace s2  }
0x95: {  	s2 =	sld [smem:$0x3FFD];
	_ =	sdelay $0x3  }
0x96: {  	_ =	strace s2  }
0x97: {  	_ =	strace $0x8FFFFFFF  }
0x98: {  	s18 =	sld [smem:$0x3FDB];
	_ =	sdelay $0x1  }
0x99: {  	s19 =	simm.s32 $_scs_section_size  }
0x9a: {  	s4 =	simm.s32 $_size__tile_overlayer_lowered;
	s5 =	simm.s32 $_tile_overlayer_lowered  }
0x9b: {  	s22 =	simm.s32 $0x1BFF;
	s21 =	sshll.u32 s5, $0x1;
	s2 =	sadd.s32 s19, s18  }
0x9c: {  	s6 =	simm.s32 $0x0;
	s20 =	sshll.u32 s4, $0x1;
	s4 =	sadd.s32 s21, s2  }
0x9d: {  	[timem:s6], [sflag:s22] =	dma.local [hbm:s4], s20  }
0x9e: {  	_ =	swait.ge [sflag:s22], s20  }
0x9f: {  	s3 =	ssub.s32 $0x0, s20;
	[sflag:s22] =	ssyncset.done $0x0  }
0xa0: {  	[sflag:s22] =	ssyncadd.s32 s3;
	_ =	sdelay $0x1  }
0xa1: {  	s23 =	simm.s32 $0x1B8B  }
0xa2: {  	_ =	swait.ge [sflag:s23], $0x1  }
0xa3: {  	[sflag:s23] =	ssyncset.done $0x0  }
0xa4: {  	s25 =	simm.s32 $0x1B8E;
	s24 =	sld [smem:$0x3FFE];
	[sflag:s23] =	ssyncadd.s32 $0xFFFFFFFF  }
0xa5: {  	s26 =	simm.s32 $execute0_lowered;
	[smem:$0x3FD2] =	sst s25  }
0xa6: {  	s4 =	sshll.u32 s26, $0x1;
	_ =	strace $0x8000004F;
	[dreg:$0x1] =	wrdreg $0xFFFFFFFF  }
0xa7: {  	s28 =	simm.s32 $_size_execute0_lowered;
	s2 =	sadd.s32 s2, s4;
	[dreg:$0x0] =	wrdreg $0x0  }
0xa8: {  	s4 =	sshll.u32 s28, $0x1;
	[dreg:$0x2] =	wrdreg s2  }
0xa9: {  	[dreg:$0x3] =	wrdreg s4  }
0xaa: {  	[dreg:$0x4] =	wrdreg $0xC0  }
0xab: {  	_ =	task [dreg:s6], $0x5FFFF  }
0xac: {  	[dreg:$0x1] =	wrdreg $0xFFFFFFFF  }
0xad: {  	[dreg:$0x0] =	wrdreg $0x60  }
0xae: {  	[dreg:$0x2] =	wrdreg s24  }
0xaf: {  	[dreg:$0x3] =	wrdreg $0x9  }
0xb0: {  	_ =	task.clear_ibuf [dreg:s6], $0x4FFFF;
	_ =	strace $0x9000004F  }
0xb1: {  	s29 =	simm.s32 $0x9;
	_ =	strace $0x80000051  }
0xb2: {  	_ =	swait.ge [sflag:s29], $0x1  }
0xb3: {  	[sflag:s29] =	ssyncadd.s32 $0xFFFFFFFF  }
0xb4: {  	_ =	strace $0x90000051  }
0xb5: {  	_ =	sfence  }
0xb6: {  	s30 =	sld [smem:$0x0];
	_ =	sdelay $0x2  }
0xb7: {  	s31 =	sshll.u32 s1, $0xD;
	s1 =	sshrl.u32 s1, $0x2  }
0xb8: {  	s3 =	sand.u32 $0x4000, s31;
	s1 =	sadd.s32 s1, s30  }
0xb9: {  	s0 =	sor.u32 s3, s0;
	s1 =	sshll.u32 s1, $0x11  }
0xba: {  	s0 =	sor.u32 s1, s0  }
0xbb: {  	s0 =	sadd.s32 $0x8F2B, s0  }
0xbc: {  	[sflag:s0] =	ssyncadd.remote.s32 $0x1  }
0xbd: {  	_ =	sfence.sel $0xFFFF  }
0xbe: {  	[dreg:$0x0] =	wrdreg $0xFFFFFFFF;
	(pc) =	sbr.abs _section_cstart, $3  }
0xbf: {  	[dreg:$0x1] =	wrdreg $0xFFFFFFFF  }
0xc0: {  	_ =	task.clear_ibuf [dreg:s6], $0x2FFFF;
	_ =	strace $0x9FFFFFFF  }
0xc1: {  	(tm) =	ssettm $0x7FFFFFFF  }
tec
execute0_lowered:
.L_overlay_start_1:
0x0: {  	(tag) =	ssettag $0x1  }
0x1: {  	s0 =	stileid.u32;
	s1 =	srdreg.scid  }
0x2: {  	s1 =	sand.u32 $0x1, s1;
	s2 =	sshll.u32 s0, $0x1  }
0x3: {  	s1 =	sor.u32 s2, s1  }
0x4: {  	s2 =	smul.u32 $0x70, s1;
	_ =	sdelay $0x1  }
0x5: {  	s6 =	ssub.s32 $0x1EA0, s2  }
0x6: {  	s31 =	smul.u32 $0x2493, s6  }
0x7: {  	s8 =	rddreg [dreg:$0x0];
	s5 =	simm.s32 $0x1;
	s10 =	simm.s32 $0x3  }
0x8: {  	s13 =	simm.s32 $0x0;
	s12 =	simm.s32 $0x0;
	s7 =	sshrl.u32 s31, $0x19  }
0x9: {  	s3 =	sadd.s32 $0x94800, s8;
	s4 =	sadd.s32 $0x25400, s8;
	s9 =	smul.u32 $0xE00, s7  }
.Ltmp0:
0xa: {  	s8 =	sadd.s32 $0x25800, s8;
	s1 =	rddreg [dreg:$0x1];
	(pc) =	sbr.rel .LBB2_1-.Ltmp0, $4  }
0xb: {  	_ =	strace $0x80000050;
	p0 =	sne.s32 s6, s9;
	s9 =	simm.s32 $0x1  }
0xc: {  	[sflag:s5] =	ssyncpa.u1 $0x0;
	s6 =	simm.s32 $0x2;
	s9 =	simm.s32 @!p0 $0x0  }
0xd: {  	s11 =	smov.u32 s2;
	[sflag:s6] =	ssyncpa.u1 $0x0;
	s7 =	sadd.s32 s7, s9  }
0xe: {  	vm0 =	vmmov $0xffff;
	[sflag:s10] =	ssyncpa.u1 $0x0;
	s10 =	simm.s32 $0x0;
	s9 =	sadd.s32 $0x1, s7  }
.LBB2_4:
0xf: {  	v5 =	vshrl.u32 v1, $0xA;
	v6 =	vshll.u32 v1, $0x7  }
0x10: {  	vm1 =	veq.s32 v1, $0x80000000;
	v58 =	vand.u32 $0xF, v5;
	v59 =	vand.u32 $0x1FF80, v6  }
0x11: {  	v1 =	vsel vm1, $0xFFFFFFFF, v58;
	v5 =	vsel vm1, $0xFFFFFF80, v59  }
0x12: {  	v3 =	vor.u32 v4, v3;
	v60 =	vand.u32 $0xFFFFFC00, v5;
	v61 =	vand.u32 $0xFFFFFC00, v1  }
0x13: {  	v2 =	vor.u32 v2, v3;
	v63 =	vand.u32 $0x380, v5;
	v62 =	vadd.s32 v61, v60  }
0x14: {  	v1 =	vand.u32 $0x7F, v1;
	v3 =	vor.u32 v63, v62  }
0x15: {  	v1 =	vor.u32 v1, v3  }
0x16: {  	[tilespmem:s17], [sflag:$0x1] =	stream.indirect_vreg.gather [hbm4b:s3+s10], $0x1, v0, vm0, $0x4038;
	[tilespmem:$0x1C0] =	vst v63  }
0x17: {  	(ifvalue) =	ssetifvalue $0x7FFFFFFF  }
0x18: {  	[tilespmem:s15], [sflag:$0x1] =	stream.indirect_vreg.gather [hbm4b:s3+s10], $0x1, v2, vm0, $0x4038;
	[tilespmem:$0x1C0] =	vst v63  }
0x19: {  	s29 =	sadd.s32 $0x10, s15;
	(ifvalue) =	ssetifvalue $0x7FFFFFFF  }
0x1a: {  	[tilespmem:s29], [sflag:$0x1] =	stream.indirect_vreg.gather [hbm4b:s3+s10], $0x1, v1, vm0, $0x4038;
	[tilespmem:$0x1C0] =	vst v63  }
0x1b: {  	_ =	swait.ge [sflag:s5], $0x70  }
0x1c: {  	s30 =	sshrl.u32 s13, $0x3;
	[sflag:s5] =	ssyncset.done $0x0  }
0x1d: {  	s31 =	sand.u32 $0x7, s13;
	s15 =	sadd.s32 s8, s30;
	[sflag:s5] =	ssyncadd.s32 $0xFFFFFF90  }
0x1e: {  	[hbm4b:s15+s31] =	stream.linear.scatter [tilespmem:s14], [sflag:$0x3], $0x70, $0x38;
	[tilespmem:$0x1C0] =	vst v63  }
.LBB2_5:
0x1f: {  	s15 =	sadd.s32 $0xE00, s11  }
0x20: {  	p1 =	sgt.s32 s15, $0x1E9F  }
0x21: {  	s15 =	smov.u32 @p1 s2;
	p1 =	sne.s32 s12, s9  }
.Ltmp1:
0x22: {  	p0 =	slt.u32 s12, $0x2;
	(pc) =	sbr.rel @!p1 .LBB2_6-.Ltmp1, $4  }
0x23: {  	s14 =	simm.s32 @!p0 $0x3  }
0x24: {  	_ =	swait.ge @!p0 [sflag:s14], $0x70  }
0x25: {  	s16 =	sadd.s32 $0x1, s12;
	s13 =	smov.u32 s11;
	[sflag:s14] =	ssyncset.done @!p0 $0x0  }
0x26: {  	s12 =	smov.u32 s16;
	s11 =	smov.u32 s15;
	[sflag:s14] =	ssyncadd.s32 @!p0 $0xFFFFFF90  }
.LBB2_1:
0x27: {  	p0 =	sge.u32 s12, s7  }
0x28: {  	s14 =	sxor.u32 @!p0 $0xFFFFFFFF, s12  }
0x29: {  	s14 =	sand.u32 @!p0 $0x1, s14  }
0x2a: {  	s14 =	smul.u32 @!p0 $0x1C0, s14  }
0x2b: {  	s31 =	sadd.s32 $0xFFFFFFFF, s12;
	s15 =	sshrl.u32 @!p0 s11, $0x3  }
0x2c: {  	s16 =	sand.u32 @!p0 $0x7, s11;
	s15 =	sadd.s32 @!p0 s4, s15;
	s14 =	sshrl.u32 @!p0 s14, $0x2  }
0x2d: {  	[tilespmem:s14], [sflag:$0x2] =	stream.linear.gather @!p0 [hbm4b:s15+s16], $0x70, $0x38;
	[tilespmem:$0x1C0] =	vst v63  }
0x2e: {  	p0 =	sge.u32 s31, s7  }
.Ltmp2:
0x2f: {  	_ = 	snop;
	(pc) =	sbr.rel @p0 .LBB2_5-.Ltmp2, $1  }
0x30: {  	_ =	sdelay $0x3  }
0x31: {  	s14 =	sand.u32 $0x1, s12  }
0x32: {  	_ =	swait.ge [sflag:s6], $0x70;
	p0 =	seq.s32 s14, $0x1;
	s14 =	simm.s32 $0x70  }
0x33: {  	[sflag:s6] =	ssyncset.done $0x0;
	s14 =	simm.s32 @!p0 $0x0  }
0x34: {  	[sflag:s6] =	ssyncadd.s32 $0xFFFFFF90;
	(ifvalue) =	ssetifvalue $0x7FFFFFFF;
	v0 =	vld.msk [tilespmem:s14+$0x0 ss:$0x1], $0xffff;
	_ =	sdelay $0x4  }
0x35: {  	s15 =	sadd.s32 $0x10, s14;
	v2 =	vshrl.u32 v0, $0xA;
	v3 =	vshll.u32 v0, $0x7  }
0x36: {  	v1 =	vld.msk [tilespmem:s15+$0x0 ss:$0x1], $0xffff;
	vm1 =	veq.s32 v0, $0x80000000;
	v0 =	vand.u32 $0xF, v2;
	v2 =	vand.u32 $0x1FF80, v3  }
0x37: {  	v0 =	vsel vm1, $0xFFFFFFFF, v0;
	v2 =	vsel vm1, $0xFFFFFF80, v2  }
0x38: {  	v3 =	vand.u32 $0xFFFFFC00, v2;
	v4 =	vand.u32 $0xFFFFFC00, v0  }
0x39: {  	v2 =	vand.u32 $0x380, v2;
	v3 =	vadd.s32 v4, v3  }
0x3a: {  	v0 =	vand.u32 $0x7F, v0;
	v2 =	vor.u32 v2, v3  }
0x3b: {  	v5 =	vshll.u32 v1, $0x7;
	v4 =	vshrl.u32 v1, $0xA;
	v0 =	vor.u32 v0, v2  }
0x3c: {  	vm1 =	veq.s32 v1, $0x80000000;
	v1 =	vand.u32 $0xF, v4;
	v4 =	vand.u32 $0x1FF80, v5  }
0x3d: {  	s14 =	sadd.s32 $0xE0, s14;
	s15 =	sadd.s32 $0x10, s15;
	v3 =	vsel vm1, $0xFFFFFFFF, v1;
	v4 =	vsel vm1, $0xFFFFFF80, v4  }
0x3e: {  	s16 =	simm.s32 $0x20;
	s17 =	smov.u32 s14;
	v1 =	vld.msk [tilespmem:s15+$0x0 ss:$0x1], $0xffff;
	v5 =	vand.u32 $0xFFFFFC00, v4;
	v6 =	vand.u32 $0xFFFFFC00, v3  }
0x3f: {  	s18 =	sadd.s32 $0x10, s15;
	(ifvalue) =	ssetifvalue $0x7FFFFFFF;
	s15 =	sadd.s32 $0x10, s14;
	v2 =	vand.u32 $0x7F, v3;
	v4 =	vand.u32 $0x380, v4;
	v3 =	vadd.s32 v6, v5  }
.LBB2_3:
0x40: {  	[tilespmem:s17], [sflag:$0x1] =	stream.indirect_vreg.gather [hbm4b:s3+s10], $0x1, v0, vm0, $0x4038;
	[tilespmem:$0x1C0] =	vst v63  }
0x41: {  	s16 =	sadd.s32 $0x10, s16  }
0x42: {  	v3 =	vor.u32 v4, v3;
	p0 =	slt.u32 s16, $0x60  }
.Ltmp3:
0x43: {  	v4 =	vshrl.u32 v1, $0xA;
	v5 =	vshll.u32 v1, $0x7;
	s17 =	smov.u32 s15;
	v0 =	vor.u32 v2, v3;
	v2 =	vmovc v1;
	v1 =	vld.msk [tilespmem:s18+$0x0 ss:$0x1], $0xffff;
	(pc) =	sbr.rel @p0 .LBB2_3-.Ltmp3, $4  }
0x44: {  	v3 =	vand.u32 $0x1FF80, v5;
	vm1 =	veq.s32 v2, $0x80000000;
	v2 =	vand.u32 $0xF, v4  }
0x45: {  	v4 =	vsel vm1, $0xFFFFFFFF, v2;
	v5 =	vsel vm1, $0xFFFFFF80, v3  }
0x46: {  	v2 =	vand.u32 $0x7F, v4;
	v3 =	vand.u32 $0xFFFFFC00, v5;
	v4 =	vand.u32 $0xFFFFFC00, v4  }
0x47: {  	s15 =	sadd.s32 $0x10, s15;
	s18 =	sadd.s32 $0x10, s18;
	v3 =	vadd.s32 v4, v3;
	v4 =	vand.u32 $0x380, v5;
	(ifvalue) =	ssetifvalue $0x7FFFFFFF  }
.Ltmp4:
0x48: {  	_ = 	snop;
	(pc) =	sbr.rel .LBB2_4-.Ltmp4, $1  }
0x49: {  	_ =	sdelay $0x3  }
.LBB2_6:
0x4a: {  	_ =	sfence.sel $0x180000  }
0x4b: {  	s2 =	simm.s32 $0x2;
	[bflag:$0x0] =	sbarrier.arrive $0xFFFF  }
0x4c: {  	s30 =	simm.s32 $0x3;
	[sflag:s2] =	ssyncpa.u1 $0x1  }
0x4d: {  	s31 =	simm.s32 $0x1;
	[sflag:s30] =	ssyncpa.u1 $0x1  }
0x4e: {  	[sflag:s31] =	ssyncpa.u1 $0x1  }
0x4f: {  	p0 =	sne.s32 s0, $0x0;
	_ =	strace $0x90000050  }
0x50: {  	s0 =	sadd.s32 @!p0 $0x100000, s1;
	[bflag:$0x2] =	sbarrier.arrive $0xFFFF  }
0x51: {  	[sflag:s0] =	ssyncadd.tile.s32 @!p0 $0x1;
	_ =	shalt  }
.Lfunc_end2:
_tile_overlayer_lowered:
.L_overlay_start_2:
0x52: {  	(tag) =	ssettag $0x2  }
0x53: {  	s0 =	rddreg [dreg:$0x0];
	s2 =	stileid.u32  }
0x54: {  	s1 =	rddreg [dreg:$0x1];
	p0 =	sne.s32 s2, $0x0  }
0x55: {  	s3 =	rddreg [dreg:$0x2];
	[bflag:$0x3] =	sbarrier.arrive $0xFFFF;
	s2 =	simm.s32 @!p0 $0x1C01  }
0x56: {  	[timem:s3], [sflag:s2] =	dma.local @!p0 [hbm:s0], s1  }
0x57: {  	s0 =	simm.s32 @!p0 $0x1  }
0x58: {  	_ =	swait.ge @!p0 [sflag:s0], s1  }
0x59: {  	s1 =	ssub.s32 @!p0 $0x0, s1;
	[sflag:s0] =	ssyncset.done @!p0 $0x0  }
0x5a: {  	[sflag:s0] =	ssyncadd.s32 @!p0 s1  }
0x5b: {  	[bflag:$0x3] =	sbarrier.arrive $0xFFFF  }
0x5c: {  	_ =	shalt  }

// kernel: gather_offload_async_start.3
scs
__scs_entry_jumppad:
0x0: {  	(pc) =	sbr.rel $0x88, $3  }
0x1: {  	(tag) =	ssettag $0x0;
	lr =	simm.s32 $0x1  }
0x2: {  	[smem:$0x3F9F] =	sst lr;
	_ =	strace $0xD0000000  }
0x3: {  	_ = 	snop  }
0x4: {  	_ = 	snop  }
0x5: {  	_ = 	snop  }
0x6: {  	_ = 	snop  }
0x7: {  	_ = 	snop  }
__scs_overlays_trampoline_lowered:
0x8: {  	[smem:$0x3FAE] =	sst s0  }
0x9: {  	[smem:$0x3FAF] =	sst s1  }
0xa: {  	[smem:$0x3FB0] =	sst s2  }
0xb: {  	[smem:$0x3FB1] =	sst s3  }
0xc: {  	[smem:$0x3FB2] =	sst s4  }
0xd: {  	[smem:$0x3FB3] =	sst s5  }
0xe: {  	[smem:$0x3FB4] =	sst s6  }
0xf: {  	[smem:$0x3FB5] =	sst s7  }
0x10: {  	[smem:$0x3FB6] =	sst s8  }
0x11: {  	[smem:$0x3FB7] =	sst s9;
	s0 =	simm.s32 @!p0 $0x0  }
0x12: {  	s1 =	sld [smem:$0x3F9D];
	s0 =	simm.s32 @p0 $0x1  }
0x13: {  	[smem:$0x3FB8] =	sst s0;
	s0 =	simm.s32 @!p1 $0x0  }
0x14: {  	s2 =	sld [smem:$0x3F9C];
	s0 =	simm.s32 @p1 $0x1  }
0x15: {  	[smem:$0x3FB9] =	sst s0;
	s0 =	simm.s32 @!p2 $0x0  }
0x16: {  	s3 =	sld [smem:$0x3FDB];
	s0 =	simm.s32 @p2 $0x1  }
0x17: {  	s4 =	simm.s32 $0x1BF5;
	[smem:$0x3FBB] =	sst s0  }
0x18: {  	s0 =	sld [smem:$0x3F9E];
	_ =	swait.ge [sflag:s4], $0x0  }
0x19: {  	s7 =	sld [smem:$0x3F9F]  }
0x1a: {  	s8 =	sadd.s32 $0xFFFFE003, lr  }
0x1b: {  	s9 =	sadd.s32 $0xFFFFFEF7, lr;
	s5 =	simm.s32 $0xFFFFFFFF;
	p2 =	slt.u32 s8, $0xFFFFF086  }
0x1c: {  	p1 =	slt.u32 s9, $0xF7A;
	s5 =	simm.s32 @!p2 $0x0  }
0x1d: {  	s5 =	simm.s32 @p1 $0x1;
	p0 =	seq.s32 s7, s2  }
0x1e: {  	s7 =	smul.u32 @!p0 $0xF7A, s2;
	p2 =	seq.s32 @!p0 s5, $0x0  }
0x1f: {  	s9 =	smul.u32 $0xF7A, s1;
	s8 =	simm.s32 @!p0 $0x1BF5;
	p2 =	por !p2, p0  }
0x20: {  	[sflag:s8] =	ssyncset.s32 @!p0 $0xFFFFF086;
	s6 =	sadd.s32 @!p0 s3, s7;
	s7 =	simm.s32 @!p0 $0x108  }
0x21: {  	s3 =	sadd.s32 s3, s9;
	s6 =	sadd.s32 @!p0 $0x88, s6;
	s7 =	simm.s32 @p2 $0x1082  }
0x22: {  	[simem:s7], [sflag:s8] =	dma.local @!p0 [hbm:s6], $0xF7A  }
0x23: {  	s9 =	sor.u32 $0xD0000000, s2;
	s6 =	simm.s32 $0x108;
	_ =	swait.ge @!p0 [sflag:s8], $0x0  }
0x24: {  	s3 =	sadd.s32 $0x88, s3;
	s6 =	simm.s32 @!p1 $0x1082;
	[sflag:s4] =	ssyncset.s32 $0xFFFFF086  }
0x25: {  	[simem:s6], [sflag:s4] =	dma.local [hbm:s3], $0xF7A  }
0x26: {  	[smem:$0x3F9F] =	sst s1;
	(tag) =	ssettag s2;
	_ =	strace s9  }
0x27: {  	s1 =	sld [smem:$0x3FAF]  }
0x28: {  	s2 =	sld [smem:$0x3FB0]  }
0x29: {  	s4 =	sld [smem:$0x3FB2]  }
0x2a: {  	p0 =	seq.s32 s5, $0x0;
	s5 =	sld [smem:$0x3FB3]  }
0x2b: {  	s6 =	sld [smem:$0x3FB4]  }
0x2c: {  	s7 =	sld [smem:$0x3FB5]  }
0x2d: {  	s3 =	simm.s32 $0x108;
	s8 =	sld [smem:$0x3FB6]  }
0x2e: {  	s3 =	simm.s32 @!p0 $0x1082;
	s9 =	sld [smem:$0x3FB7]  }
0x2f: {  	lr =	sadd.s32 s0, s3;
	s0 =	sld [smem:$0x3FAE]  }
0x30: {  	s3 =	sld [smem:$0x3FB1]  }
0x31: {  	[smem:$0x3FBA] =	sst s10  }
0x32: {  	s10 =	sld [smem:$0x3FB8];
	_ =	sdelay $0x3  }
0x33: {  	p0 =	seq.s32 s10, $0x1;
	s10 =	sld [smem:$0x3FBA];
	_ =	sdelay $0x3  }
0x34: {  	[smem:$0x3FBA] =	sst s10  }
0x35: {  	s10 =	sld [smem:$0x3FB9];
	_ =	sdelay $0x3  }
0x36: {  	p1 =	seq.s32 s10, $0x1;
	s10 =	sld [smem:$0x3FBA];
	_ =	sdelay $0x3  }
0x37: {  	[smem:$0x3FBA] =	sst s10  }
0x38: {  	s10 =	sld [smem:$0x3FBB]  }
0x39: {  	_ = 	snop;
	(pc) =	sbr.ind lr, $3  }
0x3a: {  	_ = 	snop  }
0x3b: {  	_ = 	snop  }
0x3c: {  	p2 =	seq.s32 s10, $0x1;
	s10 =	sld [smem:$0x3FBA]  }
0x3d: {  	_ =	shalt  }
0x3e: {  	_ =	shalt  }
0x3f: {  	_ =	shalt  }
0x40: {  	_ =	shalt  }
0x41: {  	_ =	shalt  }
0x42: {  	_ =	shalt  }
0x43: {  	_ =	shalt  }
0x44: {  	_ =	shalt  }
0x45: {  	_ =	shalt  }
0x46: {  	_ =	shalt  }
0x47: {  	_ =	shalt  }
0x48: {  	_ =	shalt  }
0x49: {  	_ =	shalt  }
0x4a: {  	_ =	shalt  }
0x4b: {  	_ =	shalt  }
0x4c: {  	_ =	shalt  }
0x4d: {  	_ =	shalt  }
0x4e: {  	_ =	shalt  }
0x4f: {  	_ =	shalt  }
0x50: {  	_ =	shalt  }
0x51: {  	_ =	shalt  }
0x52: {  	_ =	shalt  }
0x53: {  	_ =	shalt  }
0x54: {  	_ =	shalt  }
0x55: {  	_ =	shalt  }
0x56: {  	_ =	shalt  }
0x57: {  	_ =	shalt  }
0x58: {  	_ =	shalt  }
0x59: {  	_ =	shalt  }
0x5a: {  	_ =	shalt  }
0x5b: {  	_ =	shalt  }
0x5c: {  	_ =	shalt  }
0x5d: {  	_ =	shalt  }
0x5e: {  	_ =	shalt  }
0x5f: {  	_ =	shalt  }
0x60: {  	_ =	shalt  }
0x61: {  	_ =	shalt  }
0x62: {  	_ =	shalt  }
0x63: {  	_ =	shalt  }
0x64: {  	_ =	shalt  }
0x65: {  	_ =	shalt  }
0x66: {  	_ =	shalt  }
0x67: {  	_ =	shalt  }
0x68: {  	_ =	shalt  }
0x69: {  	_ =	shalt  }
0x6a: {  	_ =	shalt  }
0x6b: {  	_ =	shalt  }
0x6c: {  	_ =	shalt  }
0x6d: {  	_ =	shalt  }
0x6e: {  	_ =	shalt  }
0x6f: {  	_ =	shalt  }
0x70: {  	_ =	shalt  }
0x71: {  	_ =	shalt  }
0x72: {  	_ =	shalt  }
0x73: {  	_ =	shalt  }
0x74: {  	_ =	shalt  }
0x75: {  	_ =	shalt  }
0x76: {  	_ =	shalt  }
0x77: {  	_ =	shalt  }
0x78: {  	_ =	shalt  }
0x79: {  	_ =	shalt  }
0x7a: {  	_ =	shalt  }
0x7b: {  	_ =	shalt  }
0x7c: {  	_ =	shalt  }
0x7d: {  	_ =	shalt  }
0x7e: {  	_ =	shalt  }
0x7f: {  	_ =	shalt  }
0x80: {  	_ =	shalt  }
0x81: {  	_ =	shalt  }
0x82: {  	_ =	shalt  }
0x83: {  	_ =	shalt  }
0x84: {  	_ =	shalt  }
0x85: {  	_ =	shalt  }
0x86: {  	_ =	shalt  }
0x87: {  	_ =	shalt  }
.Lfunc_end0:
.L_simem_size_0:
called_computation.3_lowered:
.L_overlay_start_0:
0x88: {  	s2 =	sld [smem:$0x3FD9]  }
0x89: {  	s3 =	sld [smem:$0x3FFE];
	_ =	sdelay $0x1  }
0x8a: {  	s1 =	srdreg.scid  }
0x8b: {  	s0 =	sand.u32 $0x1, s1  }
0x8c: {  	s16 =	sshll.u32 s0, $0xA;
	s2 =	sadd.s32 s3, s2  }
0x8d: {  	s2 =	sadd.s32 s2, s16  }
0x8e: {  	[smem:$0x3FC6] =	sst s2  }
0x8f: {  	_ = 	snop  }
0x90: {  	(tm) =	ssettm $0x1  }
0x91: {  	s17 =	sld [smem:$0x3FFB];
	_ =	sdelay $0x3  }
0x92: {  	_ =	strace s17  }
0x93: {  	s2 =	sld [smem:$0x3FFC];
	_ =	sdelay $0x3  }
0x94: {  	_ =	strace s2  }
0x95: {  	s2 =	sld [smem:$0x3FFD];
	_ =	sdelay $0x3  }
0x96: {  	_ =	strace s2  }
0x97: {  	_ =	strace $0x8FFFFFFF  }
0x98: {  	s18 =	sld [smem:$0x3FDB];
	_ =	sdelay $0x1  }
0x99: {  	s19 =	simm.s32 $_scs_section_size  }
0x9a: {  	s4 =	simm.s32 $_size__tile_overlayer_lowered;
	s5 =	simm.s32 $_tile_overlayer_lowered  }
0x9b: {  	s22 =	simm.s32 $0x1BFF;
	s21 =	sshll.u32 s5, $0x1;
	s2 =	sadd.s32 s19, s18  }
0x9c: {  	s6 =	simm.s32 $0x0;
	s20 =	sshll.u32 s4, $0x1;
	s4 =	sadd.s32 s21, s2  }
0x9d: {  	[timem:s6], [sflag:s22] =	dma.local [hbm:s4], s20  }
0x9e: {  	_ =	swait.ge [sflag:s22], s20  }
0x9f: {  	s3 =	ssub.s32 $0x0, s20;
	[sflag:s22] =	ssyncset.done $0x0  }
0xa0: {  	[sflag:s22] =	ssyncadd.s32 s3;
	_ =	sdelay $0x1  }
0xa1: {  	s23 =	simm.s32 $0x1B8B  }
0xa2: {  	_ =	swait.ge [sflag:s23], $0x1  }
0xa3: {  	[sflag:s23] =	ssyncset.done $0x0  }
0xa4: {  	s25 =	simm.s32 $0x1B8E;
	s24 =	sld [smem:$0x3FFE];
	[sflag:s23] =	ssyncadd.s32 $0xFFFFFFFF  }
0xa5: {  	s26 =	simm.s32 $execute0_lowered;
	[smem:$0x3FD2] =	sst s25  }
0xa6: {  	s4 =	sshll.u32 s26, $0x1;
	_ =	strace $0x80000052;
	[dreg:$0x1] =	wrdreg $0xFFFFFFFF  }
0xa7: {  	s28 =	simm.s32 $_size_execute0_lowered;
	s2 =	sadd.s32 s2, s4;
	[dreg:$0x0] =	wrdreg $0x0  }
0xa8: {  	s4 =	sshll.u32 s28, $0x1;
	[dreg:$0x2] =	wrdreg s2  }
0xa9: {  	[dreg:$0x3] =	wrdreg s4  }
0xaa: {  	[dreg:$0x4] =	wrdreg $0xC0  }
0xab: {  	_ =	task [dreg:s6], $0x5FFFF  }
0xac: {  	[dreg:$0x1] =	wrdreg $0xFFFFFFFF  }
0xad: {  	[dreg:$0x0] =	wrdreg $0x60  }
0xae: {  	[dreg:$0x2] =	wrdreg s24  }
0xaf: {  	[dreg:$0x3] =	wrdreg $0x9  }
0xb0: {  	_ =	task.clear_ibuf [dreg:s6], $0x4FFFF;
	_ =	strace $0x90000052  }
0xb1: {  	s29 =	simm.s32 $0x9;
	_ =	strace $0x80000054  }
0xb2: {  	_ =	swait.ge [sflag:s29], $0x1  }
0xb3: {  	[sflag:s29] =	ssyncadd.s32 $0xFFFFFFFF  }
0xb4: {  	_ =	strace $0x90000054  }
0xb5: {  	_ =	sfence  }
0xb6: {  	s30 =	sld [smem:$0x0];
	_ =	sdelay $0x2  }
0xb7: {  	s31 =	sshll.u32 s1, $0xD;
	s1 =	sshrl.u32 s1, $0x2  }
0xb8: {  	s3 =	sand.u32 $0x4000, s31;
	s1 =	sadd.s32 s1, s30  }
0xb9: {  	s0 =	sor.u32 s3, s0;
	s1 =	sshll.u32 s1, $0x11  }
0xba: {  	s0 =	sor.u32 s1, s0  }
0xbb: {  	s0 =	sadd.s32 $0x8F2B, s0  }
0xbc: {  	[sflag:s0] =	ssyncadd.remote.s32 $0x1  }
0xbd: {  	_ =	sfence.sel $0xFFFF  }
0xbe: {  	[dreg:$0x0] =	wrdreg $0xFFFFFFFF;
	(pc) =	sbr.abs _section_cstart, $3  }
0xbf: {  	[dreg:$0x1] =	wrdreg $0xFFFFFFFF  }
0xc0: {  	_ =	task.clear_ibuf [dreg:s6], $0x2FFFF;
	_ =	strace $0x9FFFFFFF  }
0xc1: {  	(tm) =	ssettm $0x7FFFFFFF  }
tec
execute0_lowered:
.L_overlay_start_1:
0x0: {  	(tag) =	ssettag $0x1  }
0x1: {  	s0 =	stileid.u32;
	s1 =	srdreg.scid  }
0x2: {  	s1 =	sand.u32 $0x1, s1;
	s2 =	sshll.u32 s0, $0x1  }
0x3: {  	s1 =	sor.u32 s2, s1  }
0x4: {  	s2 =	smul.u32 $0x70, s1;
	_ =	sdelay $0x1  }
0x5: {  	s6 =	ssub.s32 $0x1EA0, s2  }
0x6: {  	s31 =	smul.u32 $0x2493, s6  }
0x7: {  	s8 =	rddreg [dreg:$0x0];
	s5 =	simm.s32 $0x1;
	s10 =	simm.s32 $0x3  }
0x8: {  	s13 =	simm.s32 $0x0;
	s12 =	simm.s32 $0x0;
	s7 =	sshrl.u32 s31, $0x19  }
0x9: {  	s3 =	sadd.s32 $0x5D400, s8;
	s4 =	sadd.s32 $0x25400, s8;
	s9 =	smul.u32 $0xE00, s7  }
.Ltmp0:
0xa: {  	s8 =	sadd.s32 $0x25800, s8;
	s1 =	rddreg [dreg:$0x1];
	(pc) =	sbr.rel .LBB2_1-.Ltmp0, $4  }
0xb: {  	_ =	strace $0x80000053;
	p0 =	sne.s32 s6, s9;
	s9 =	simm.s32 $0x1  }
0xc: {  	[sflag:s5] =	ssyncpa.u1 $0x0;
	s6 =	simm.s32 $0x2;
	s9 =	simm.s32 @!p0 $0x0  }
0xd: {  	s11 =	smov.u32 s2;
	[sflag:s6] =	ssyncpa.u1 $0x0;
	s7 =	sadd.s32 s7, s9  }
0xe: {  	vm0 =	vmmov $0xffff;
	[sflag:s10] =	ssyncpa.u1 $0x0;
	s10 =	simm.s32 $0x0;
	s9 =	sadd.s32 $0x1, s7  }
.LBB2_4:
0xf: {  	v5 =	vshrl.u32 v1, $0xA;
	v6 =	vshll.u32 v1, $0x7  }
0x10: {  	vm1 =	veq.s32 v1, $0x80000000;
	v58 =	vand.u32 $0xF, v5;
	v59 =	vand.u32 $0x1FF80, v6  }
0x11: {  	v1 =	vsel vm1, $0xFFFFFFFF, v58;
	v5 =	vsel vm1, $0xFFFFFF80, v59  }
0x12: {  	v3 =	vor.u32 v4, v3;
	v60 =	vand.u32 $0xFFFFFC00, v5;
	v61 =	vand.u32 $0xFFFFFC00, v1  }
0x13: {  	v2 =	vor.u32 v2, v3;
	v63 =	vand.u32 $0x380, v5;
	v62 =	vadd.s32 v61, v60  }
0x14: {  	v1 =	vand.u32 $0x7F, v1;
	v3 =	vor.u32 v63, v62  }
0x15: {  	v1 =	vor.u32 v1, v3  }
0x16: {  	[tilespmem:s17], [sflag:$0x1] =	stream.indirect_vreg.gather [hbm4b:s3+s10], $0x1, v0, vm0, $0x4038;
	[tilespmem:$0x1C0] =	vst v63  }
0x17: {  	(ifvalue) =	ssetifvalue $0x7FFFFFFF  }
0x18: {  	[tilespmem:s15], [sflag:$0x1] =	stream.indirect_vreg.gather [hbm4b:s3+s10], $0x1, v2, vm0, $0x4038;
	[tilespmem:$0x1C0] =	vst v63  }
0x19: {  	s29 =	sadd.s32 $0x10, s15;
	(ifvalue) =	ssetifvalue $0x7FFFFFFF  }
0x1a: {  	[tilespmem:s29], [sflag:$0x1] =	stream.indirect_vreg.gather [hbm4b:s3+s10], $0x1, v1, vm0, $0x4038;
	[tilespmem:$0x1C0] =	vst v63  }
0x1b: {  	_ =	swait.ge [sflag:s5], $0x70  }
0x1c: {  	s30 =	sshrl.u32 s13, $0x3;
	[sflag:s5] =	ssyncset.done $0x0  }
0x1d: {  	s31 =	sand.u32 $0x7, s13;
	s15 =	sadd.s32 s8, s30;
	[sflag:s5] =	ssyncadd.s32 $0xFFFFFF90  }
0x1e: {  	[hbm4b:s15+s31] =	stream.linear.scatter [tilespmem:s14], [sflag:$0x3], $0x70, $0x38;
	[tilespmem:$0x1C0] =	vst v63  }
.LBB2_5:
0x1f: {  	s15 =	sadd.s32 $0xE00, s11  }
0x20: {  	p1 =	sgt.s32 s15, $0x1E9F  }
0x21: {  	s15 =	smov.u32 @p1 s2;
	p1 =	sne.s32 s12, s9  }
.Ltmp1:
0x22: {  	p0 =	slt.u32 s12, $0x2;
	(pc) =	sbr.rel @!p1 .LBB2_6-.Ltmp1, $4  }
0x23: {  	s14 =	simm.s32 @!p0 $0x3  }
0x24: {  	_ =	swait.ge @!p0 [sflag:s14], $0x70  }
0x25: {  	s16 =	sadd.s32 $0x1, s12;
	s13 =	smov.u32 s11;
	[sflag:s14] =	ssyncset.done @!p0 $0x0  }
0x26: {  	s12 =	smov.u32 s16;
	s11 =	smov.u32 s15;
	[sflag:s14] =	ssyncadd.s32 @!p0 $0xFFFFFF90  }
.LBB2_1:
0x27: {  	p0 =	sge.u32 s12, s7  }
0x28: {  	s14 =	sxor.u32 @!p0 $0xFFFFFFFF, s12  }
0x29: {  	s14 =	sand.u32 @!p0 $0x1, s14  }
0x2a: {  	s14 =	smul.u32 @!p0 $0x1C0, s14  }
0x2b: {  	s31 =	sadd.s32 $0xFFFFFFFF, s12;
	s15 =	sshrl.u32 @!p0 s11, $0x3  }
0x2c: {  	s16 =	sand.u32 @!p0 $0x7, s11;
	s15 =	sadd.s32 @!p0 s4, s15;
	s14 =	sshrl.u32 @!p0 s14, $0x2  }
0x2d: {  	[tilespmem:s14], [sflag:$0x2] =	stream.linear.gather @!p0 [hbm4b:s15+s16], $0x70, $0x38;
	[tilespmem:$0x1C0] =	vst v63  }
0x2e: {  	p0 =	sge.u32 s31, s7  }
.Ltmp2:
0x2f: {  	_ = 	snop;
	(pc) =	sbr.rel @p0 .LBB2_5-.Ltmp2, $1  }
0x30: {  	_ =	sdelay $0x3  }
0x31: {  	s14 =	sand.u32 $0x1, s12  }
0x32: {  	_ =	swait.ge [sflag:s6], $0x70;
	p0 =	seq.s32 s14, $0x1;
	s14 =	simm.s32 $0x70  }
0x33: {  	[sflag:s6] =	ssyncset.done $0x0;
	s14 =	simm.s32 @!p0 $0x0  }
0x34: {  	[sflag:s6] =	ssyncadd.s32 $0xFFFFFF90;
	(ifvalue) =	ssetifvalue $0x7FFFFFFF;
	v0 =	vld.msk [tilespmem:s14+$0x0 ss:$0x1], $0xffff;
	_ =	sdelay $0x4  }
0x35: {  	s15 =	sadd.s32 $0x10, s14;
	v2 =	vshrl.u32 v0, $0xA;
	v3 =	vshll.u32 v0, $0x7  }
0x36: {  	v1 =	vld.msk [tilespmem:s15+$0x0 ss:$0x1], $0xffff;
	vm1 =	veq.s32 v0, $0x80000000;
	v0 =	vand.u32 $0xF, v2;
	v2 =	vand.u32 $0x1FF80, v3  }
0x37: {  	v0 =	vsel vm1, $0xFFFFFFFF, v0;
	v2 =	vsel vm1, $0xFFFFFF80, v2  }
0x38: {  	v3 =	vand.u32 $0xFFFFFC00, v2;
	v4 =	vand.u32 $0xFFFFFC00, v0  }
0x39: {  	v2 =	vand.u32 $0x380, v2;
	v3 =	vadd.s32 v4, v3  }
0x3a: {  	v0 =	vand.u32 $0x7F, v0;
	v2 =	vor.u32 v2, v3  }
0x3b: {  	v5 =	vshll.u32 v1, $0x7;
	v4 =	vshrl.u32 v1, $0xA;
	v0 =	vor.u32 v0, v2  }
0x3c: {  	vm1 =	veq.s32 v1, $0x80000000;
	v1 =	vand.u32 $0xF, v4;
	v4 =	vand.u32 $0x1FF80, v5  }
0x3d: {  	s14 =	sadd.s32 $0xE0, s14;
	s15 =	sadd.s32 $0x10, s15;
	v3 =	vsel vm1, $0xFFFFFFFF, v1;
	v4 =	vsel vm1, $0xFFFFFF80, v4  }
0x3e: {  	s16 =	simm.s32 $0x20;
	s17 =	smov.u32 s14;
	v1 =	vld.msk [tilespmem:s15+$0x0 ss:$0x1], $0xffff;
	v5 =	vand.u32 $0xFFFFFC00, v4;
	v6 =	vand.u32 $0xFFFFFC00, v3  }
0x3f: {  	s18 =	sadd.s32 $0x10, s15;
	(ifvalue) =	ssetifvalue $0x7FFFFFFF;
	s15 =	sadd.s32 $0x10, s14;
	v2 =	vand.u32 $0x7F, v3;
	v4 =	vand.u32 $0x380, v4;
	v3 =	vadd.s32 v6, v5  }
.LBB2_3:
0x40: {  	[tilespmem:s17], [sflag:$0x1] =	stream.indirect_vreg.gather [hbm4b:s3+s10], $0x1, v0, vm0, $0x4038;
	[tilespmem:$0x1C0] =	vst v63  }
0x41: {  	s16 =	sadd.s32 $0x10, s16  }
0x42: {  	v3 =	vor.u32 v4, v3;
	p0 =	slt.u32 s16, $0x60  }
.Ltmp3:
0x43: {  	v4 =	vshrl.u32 v1, $0xA;
	v5 =	vshll.u32 v1, $0x7;
	s17 =	smov.u32 s15;
	v0 =	vor.u32 v2, v3;
	v2 =	vmovc v1;
	v1 =	vld.msk [tilespmem:s18+$0x0 ss:$0x1], $0xffff;
	(pc) =	sbr.rel @p0 .LBB2_3-.Ltmp3, $4  }
0x44: {  	v3 =	vand.u32 $0x1FF80, v5;
	vm1 =	veq.s32 v2, $0x80000000;
	v2 =	vand.u32 $0xF, v4  }
0x45: {  	v4 =	vsel vm1, $0xFFFFFFFF, v2;
	v5 =	vsel vm1, $0xFFFFFF80, v3  }
0x46: {  	v2 =	vand.u32 $0x7F, v4;
	v3 =	vand.u32 $0xFFFFFC00, v5;
	v4 =	vand.u32 $0xFFFFFC00, v4  }
0x47: {  	s15 =	sadd.s32 $0x10, s15;
	s18 =	sadd.s32 $0x10, s18;
	v3 =	vadd.s32 v4, v3;
	v4 =	vand.u32 $0x380, v5;
	(ifvalue) =	ssetifvalue $0x7FFFFFFF  }
.Ltmp4:
0x48: {  	_ = 	snop;
	(pc) =	sbr.rel .LBB2_4-.Ltmp4, $1  }
0x49: {  	_ =	sdelay $0x3  }
.LBB2_6:
0x4a: {  	_ =	sfence.sel $0x180000  }
0x4b: {  	s2 =	simm.s32 $0x2;
	[bflag:$0x0] =	sbarrier.arrive $0xFFFF  }
0x4c: {  	s30 =	simm.s32 $0x3;
	[sflag:s2] =	ssyncpa.u1 $0x1  }
0x4d: {  	s31 =	simm.s32 $0x1;
	[sflag:s30] =	ssyncpa.u1 $0x1  }
0x4e: {  	[sflag:s31] =	ssyncpa.u1 $0x1  }
0x4f: {  	p0 =	sne.s32 s0, $0x0;
	_ =	strace $0x90000053  }
0x50: {  	s0 =	sadd.s32 @!p0 $0x100000, s1;
	[bflag:$0x2] =	sbarrier.arrive $0xFFFF  }
0x51: {  	[sflag:s0] =	ssyncadd.tile.s32 @!p0 $0x1;
	_ =	shalt  }
.Lfunc_end2:
_tile_overlayer_lowered:
.L_overlay_start_2:
0x52: {  	(tag) =	ssettag $0x2  }
0x53: {  	s0 =	rddreg [dreg:$0x0];
	s2 =	stileid.u32  }
0x54: {  	s1 =	rddreg [dreg:$0x1];
	p0 =	sne.s32 s2, $0x0  }
0x55: {  	s3 =	rddreg [dreg:$0x2];
	[bflag:$0x3] =	sbarrier.arrive $0xFFFF;
	s2 =	simm.s32 @!p0 $0x1C01  }
0x56: {  	[timem:s3], [sflag:s2] =	dma.local @!p0 [hbm:s0], s1  }
0x57: {  	s0 =	simm.s32 @!p0 $0x1  }
0x58: {  	_ =	swait.ge @!p0 [sflag:s0], s1  }
0x59: {  	s1 =	ssub.s32 @!p0 $0x0, s1;
	[sflag:s0] =	ssyncset.done @!p0 $0x0  }
0x5a: {  	[sflag:s0] =	ssyncadd.s32 @!p0 s1  }
0x5b: {  	[bflag:$0x3] =	sbarrier.arrive $0xFFFF  }
0x5c: {  	_ =	shalt  }

// kernel: gather_offload_async_start
scs
__scs_entry_jumppad:
0x0: {  	(pc) =	sbr.rel $0x88, $3  }
0x1: {  	(tag) =	ssettag $0x0;
	lr =	simm.s32 $0x1  }
0x2: {  	[smem:$0x3F9F] =	sst lr;
	_ =	strace $0xD0000000  }
0x3: {  	_ = 	snop  }
0x4: {  	_ = 	snop  }
0x5: {  	_ = 	snop  }
0x6: {  	_ = 	snop  }
0x7: {  	_ = 	snop  }
__scs_overlays_trampoline_lowered:
0x8: {  	[smem:$0x3FAE] =	sst s0  }
0x9: {  	[smem:$0x3FAF] =	sst s1  }
0xa: {  	[smem:$0x3FB0] =	sst s2  }
0xb: {  	[smem:$0x3FB1] =	sst s3  }
0xc: {  	[smem:$0x3FB2] =	sst s4  }
0xd: {  	[smem:$0x3FB3] =	sst s5  }
0xe: {  	[smem:$0x3FB4] =	sst s6  }
0xf: {  	[smem:$0x3FB5] =	sst s7  }
0x10: {  	[smem:$0x3FB6] =	sst s8  }
0x11: {  	[smem:$0x3FB7] =	sst s9;
	s0 =	simm.s32 @!p0 $0x0  }
0x12: {  	s1 =	sld [smem:$0x3F9D];
	s0 =	simm.s32 @p0 $0x1  }
0x13: {  	[smem:$0x3FB8] =	sst s0;
	s0 =	simm.s32 @!p1 $0x0  }
0x14: {  	s2 =	sld [smem:$0x3F9C];
	s0 =	simm.s32 @p1 $0x1  }
0x15: {  	[smem:$0x3FB9] =	sst s0;
	s0 =	simm.s32 @!p2 $0x0  }
0x16: {  	s3 =	sld [smem:$0x3FDB];
	s0 =	simm.s32 @p2 $0x1  }
0x17: {  	s4 =	simm.s32 $0x1BF5;
	[smem:$0x3FBB] =	sst s0  }
0x18: {  	s0 =	sld [smem:$0x3F9E];
	_ =	swait.ge [sflag:s4], $0x0  }
0x19: {  	s7 =	sld [smem:$0x3F9F]  }
0x1a: {  	s8 =	sadd.s32 $0xFFFFE003, lr  }
0x1b: {  	s9 =	sadd.s32 $0xFFFFFEF7, lr;
	s5 =	simm.s32 $0xFFFFFFFF;
	p2 =	slt.u32 s8, $0xFFFFF086  }
0x1c: {  	p1 =	slt.u32 s9, $0xF7A;
	s5 =	simm.s32 @!p2 $0x0  }
0x1d: {  	s5 =	simm.s32 @p1 $0x1;
	p0 =	seq.s32 s7, s2  }
0x1e: {  	s7 =	smul.u32 @!p0 $0xF7A, s2;
	p2 =	seq.s32 @!p0 s5, $0x0  }
0x1f: {  	s9 =	smul.u32 $0xF7A, s1;
	s8 =	simm.s32 @!p0 $0x1BF5;
	p2 =	por !p2, p0  }
0x20: {  	[sflag:s8] =	ssyncset.s32 @!p0 $0xFFFFF086;
	s6 =	sadd.s32 @!p0 s3, s7;
	s7 =	simm.s32 @!p0 $0x108  }
0x21: {  	s3 =	sadd.s32 s3, s9;
	s6 =	sadd.s32 @!p0 $0x88, s6;
	s7 =	simm.s32 @p2 $0x1082  }
0x22: {  	[simem:s7], [sflag:s8] =	dma.local @!p0 [hbm:s6], $0xF7A  }
0x23: {  	s9 =	sor.u32 $0xD0000000, s2;
	s6 =	simm.s32 $0x108;
	_ =	swait.ge @!p0 [sflag:s8], $0x0  }
0x24: {  	s3 =	sadd.s32 $0x88, s3;
	s6 =	simm.s32 @!p1 $0x1082;
	[sflag:s4] =	ssyncset.s32 $0xFFFFF086  }
0x25: {  	[simem:s6], [sflag:s4] =	dma.local [hbm:s3], $0xF7A  }
0x26: {  	[smem:$0x3F9F] =	sst s1;
	(tag) =	ssettag s2;
	_ =	strace s9  }
0x27: {  	s1 =	sld [smem:$0x3FAF]  }
0x28: {  	s2 =	sld [smem:$0x3FB0]  }
0x29: {  	s4 =	sld [smem:$0x3FB2]  }
0x2a: {  	p0 =	seq.s32 s5, $0x0;
	s5 =	sld [smem:$0x3FB3]  }
0x2b: {  	s6 =	sld [smem:$0x3FB4]  }
0x2c: {  	s7 =	sld [smem:$0x3FB5]  }
0x2d: {  	s3 =	simm.s32 $0x108;
	s8 =	sld [smem:$0x3FB6]  }
0x2e: {  	s3 =	simm.s32 @!p0 $0x1082;
	s9 =	sld [smem:$0x3FB7]  }
0x2f: {  	lr =	sadd.s32 s0, s3;
	s0 =	sld [smem:$0x3FAE]  }
0x30: {  	s3 =	sld [smem:$0x3FB1]  }
0x31: {  	[smem:$0x3FBA] =	sst s10  }
0x32: {  	s10 =	sld [smem:$0x3FB8];
	_ =	sdelay $0x3  }
0x33: {  	p0 =	seq.s32 s10, $0x1;
	s10 =	sld [smem:$0x3FBA];
	_ =	sdelay $0x3  }
0x34: {  	[smem:$0x3FBA] =	sst s10  }
0x35: {  	s10 =	sld [smem:$0x3FB9];
	_ =	sdelay $0x3  }
0x36: {  	p1 =	seq.s32 s10, $0x1;
	s10 =	sld [smem:$0x3FBA];
	_ =	sdelay $0x3  }
0x37: {  	[smem:$0x3FBA] =	sst s10  }
0x38: {  	s10 =	sld [smem:$0x3FBB]  }
0x39: {  	_ = 	snop;
	(pc) =	sbr.ind lr, $3  }
0x3a: {  	_ = 	snop  }
0x3b: {  	_ = 	snop  }
0x3c: {  	p2 =	seq.s32 s10, $0x1;
	s10 =	sld [smem:$0x3FBA]  }
0x3d: {  	_ =	shalt  }
0x3e: {  	_ =	shalt  }
0x3f: {  	_ =	shalt  }
0x40: {  	_ =	shalt  }
0x41: {  	_ =	shalt  }
0x42: {  	_ =	shalt  }
0x43: {  	_ =	shalt  }
0x44: {  	_ =	shalt  }
0x45: {  	_ =	shalt  }
0x46: {  	_ =	shalt  }
0x47: {  	_ =	shalt  }
0x48: {  	_ =	shalt  }
0x49: {  	_ =	shalt  }
0x4a: {  	_ =	shalt  }
0x4b: {  	_ =	shalt  }
0x4c: {  	_ =	shalt  }
0x4d: {  	_ =	shalt  }
0x4e: {  	_ =	shalt  }
0x4f: {  	_ =	shalt  }
0x50: {  	_ =	shalt  }
0x51: {  	_ =	shalt  }
0x52: {  	_ =	shalt  }
0x53: {  	_ =	shalt  }
0x54: {  	_ =	shalt  }
0x55: {  	_ =	shalt  }
0x56: {  	_ =	shalt  }
0x57: {  	_ =	shalt  }
0x58: {  	_ =	shalt  }
0x59: {  	_ =	shalt  }
0x5a: {  	_ =	shalt  }
0x5b: {  	_ =	shalt  }
0x5c: {  	_ =	shalt  }
0x5d: {  	_ =	shalt  }
0x5e: {  	_ =	shalt  }
0x5f: {  	_ =	shalt  }
0x60: {  	_ =	shalt  }
0x61: {  	_ =	shalt  }
0x62: {  	_ =	shalt  }
0x63: {  	_ =	shalt  }
0x64: {  	_ =	shalt  }
0x65: {  	_ =	shalt  }
0x66: {  	_ =	shalt  }
0x67: {  	_ =	shalt  }
0x68: {  	_ =	shalt  }
0x69: {  	_ =	shalt  }
0x6a: {  	_ =	shalt  }
0x6b: {  	_ =	shalt  }
0x6c: {  	_ =	shalt  }
0x6d: {  	_ =	shalt  }
0x6e: {  	_ =	shalt  }
0x6f: {  	_ =	shalt  }
0x70: {  	_ =	shalt  }
0x71: {  	_ =	shalt  }
0x72: {  	_ =	shalt  }
0x73: {  	_ =	shalt  }
0x74: {  	_ =	shalt  }
0x75: {  	_ =	shalt  }
0x76: {  	_ =	shalt  }
0x77: {  	_ =	shalt  }
0x78: {  	_ =	shalt  }
0x79: {  	_ =	shalt  }
0x7a: {  	_ =	shalt  }
0x7b: {  	_ =	shalt  }
0x7c: {  	_ =	shalt  }
0x7d: {  	_ =	shalt  }
0x7e: {  	_ =	shalt  }
0x7f: {  	_ =	shalt  }
0x80: {  	_ =	shalt  }
0x81: {  	_ =	shalt  }
0x82: {  	_ =	shalt  }
0x83: {  	_ =	shalt  }
0x84: {  	_ =	shalt  }
0x85: {  	_ =	shalt  }
0x86: {  	_ =	shalt  }
0x87: {  	_ =	shalt  }
.Lfunc_end0:
.L_simem_size_0:
called_computation_lowered:
.L_overlay_start_0:
0x88: {  	s2 =	sld [smem:$0x3FD9]  }
0x89: {  	s3 =	sld [smem:$0x3FFE];
	_ =	sdelay $0x1  }
0x8a: {  	s1 =	srdreg.scid  }
0x8b: {  	s0 =	sand.u32 $0x1, s1  }
0x8c: {  	s16 =	sshll.u32 s0, $0xA;
	s2 =	sadd.s32 s3, s2  }
0x8d: {  	s2 =	sadd.s32 s2, s16  }
0x8e: {  	[smem:$0x3FC6] =	sst s2  }
0x8f: {  	_ = 	snop  }
0x90: {  	(tm) =	ssettm $0x1  }
0x91: {  	s17 =	sld [smem:$0x3FFB];
	_ =	sdelay $0x3  }
0x92: {  	_ =	strace s17  }
0x93: {  	s2 =	sld [smem:$0x3FFC];
	_ =	sdelay $0x3  }
0x94: {  	_ =	strace s2  }
0x95: {  	s2 =	sld [smem:$0x3FFD];
	_ =	sdelay $0x3  }
0x96: {  	_ =	strace s2  }
0x97: {  	_ =	strace $0x8FFFFFFF  }
0x98: {  	s18 =	sld [smem:$0x3FDB];
	_ =	sdelay $0x1  }
0x99: {  	s19 =	simm.s32 $_scs_section_size  }
0x9a: {  	s4 =	simm.s32 $_size__tile_overlayer_lowered;
	s5 =	simm.s32 $_tile_overlayer_lowered  }
0x9b: {  	s22 =	simm.s32 $0x1BFF;
	s21 =	sshll.u32 s5, $0x1;
	s2 =	sadd.s32 s19, s18  }
0x9c: {  	s6 =	simm.s32 $0x0;
	s20 =	sshll.u32 s4, $0x1;
	s4 =	sadd.s32 s21, s2  }
0x9d: {  	[timem:s6], [sflag:s22] =	dma.local [hbm:s4], s20  }
0x9e: {  	_ =	swait.ge [sflag:s22], s20  }
0x9f: {  	s3 =	ssub.s32 $0x0, s20;
	[sflag:s22] =	ssyncset.done $0x0  }
0xa0: {  	[sflag:s22] =	ssyncadd.s32 s3;
	_ =	sdelay $0x1  }
0xa1: {  	s23 =	simm.s32 $0x1B8B  }
0xa2: {  	_ =	swait.ge [sflag:s23], $0x1  }
0xa3: {  	[sflag:s23] =	ssyncset.done $0x0  }
0xa4: {  	s25 =	simm.s32 $0x1B8E;
	s24 =	sld [smem:$0x3FFE];
	[sflag:s23] =	ssyncadd.s32 $0xFFFFFFFF  }
0xa5: {  	s26 =	simm.s32 $execute0_lowered;
	[smem:$0x3FD2] =	sst s25  }
0xa6: {  	s4 =	sshll.u32 s26, $0x1;
	_ =	strace $0x80000049;
	[dreg:$0x1] =	wrdreg $0xFFFFFFFF  }
0xa7: {  	s28 =	simm.s32 $_size_execute0_lowered;
	s2 =	sadd.s32 s2, s4;
	[dreg:$0x0] =	wrdreg $0x0  }
0xa8: {  	s4 =	sshll.u32 s28, $0x1;
	[dreg:$0x2] =	wrdreg s2  }
0xa9: {  	[dreg:$0x3] =	wrdreg s4  }
0xaa: {  	[dreg:$0x4] =	wrdreg $0xC0  }
0xab: {  	_ =	task [dreg:s6], $0x5FFFF  }
0xac: {  	[dreg:$0x1] =	wrdreg $0xFFFFFFFF  }
0xad: {  	[dreg:$0x0] =	wrdreg $0x60  }
0xae: {  	[dreg:$0x2] =	wrdreg s24  }
0xaf: {  	[dreg:$0x3] =	wrdreg $0x9  }
0xb0: {  	_ =	task.clear_ibuf [dreg:s6], $0x4FFFF;
	_ =	strace $0x90000049  }
0xb1: {  	s29 =	simm.s32 $0x9;
	_ =	strace $0x8000004B  }
0xb2: {  	_ =	swait.ge [sflag:s29], $0x1  }
0xb3: {  	[sflag:s29] =	ssyncadd.s32 $0xFFFFFFFF  }
0xb4: {  	_ =	strace $0x9000004B  }
0xb5: {  	_ =	sfence  }
0xb6: {  	s30 =	sld [smem:$0x0];
	_ =	sdelay $0x2  }
0xb7: {  	s31 =	sshll.u32 s1, $0xD;
	s1 =	sshrl.u32 s1, $0x2  }
0xb8: {  	s3 =	sand.u32 $0x4000, s31;
	s1 =	sadd.s32 s1, s30  }
0xb9: {  	s0 =	sor.u32 s3, s0;
	s1 =	sshll.u32 s1, $0x11  }
0xba: {  	s0 =	sor.u32 s1, s0  }
0xbb: {  	s0 =	sadd.s32 $0x8F2B, s0  }
0xbc: {  	[sflag:s0] =	ssyncadd.remote.s32 $0x1  }
0xbd: {  	_ =	sfence.sel $0xFFFF  }
0xbe: {  	[dreg:$0x0] =	wrdreg $0xFFFFFFFF;
	(pc) =	sbr.abs _section_cstart, $3  }
0xbf: {  	[dreg:$0x1] =	wrdreg $0xFFFFFFFF  }
0xc0: {  	_ =	task.clear_ibuf [dreg:s6], $0x2FFFF;
	_ =	strace $0x9FFFFFFF  }
0xc1: {  	(tm) =	ssettm $0x7FFFFFFF  }
tec
execute0_lowered:
.L_overlay_start_1:
0x0: {  	(tag) =	ssettag $0x1  }
0x1: {  	s0 =	stileid.u32;
	s1 =	srdreg.scid  }
0x2: {  	s1 =	sand.u32 $0x1, s1;
	s2 =	sshll.u32 s0, $0x1  }
0x3: {  	s1 =	sor.u32 s2, s1  }
0x4: {  	s2 =	smul.u32 $0x70, s1;
	_ =	sdelay $0x1  }
0x5: {  	s6 =	ssub.s32 $0x1EA0, s2  }
0x6: {  	s31 =	smul.u32 $0x2493, s6  }
0x7: {  	s8 =	rddreg [dreg:$0x0];
	s5 =	simm.s32 $0x1;
	s10 =	simm.s32 $0x3  }
0x8: {  	s13 =	simm.s32 $0x0;
	s12 =	simm.s32 $0x0;
	s7 =	sshrl.u32 s31, $0x19  }
0x9: {  	s3 =	sadd.s32 $0xBF400, s8;
	s4 =	sadd.s32 $0x25400, s8;
	s9 =	smul.u32 $0xE00, s7  }
.Ltmp0:
0xa: {  	s8 =	sadd.s32 $0xC2600, s8;
	s1 =	rddreg [dreg:$0x1];
	(pc) =	sbr.rel .LBB2_1-.Ltmp0, $4  }
0xb: {  	_ =	strace $0x8000004A;
	p0 =	sne.s32 s6, s9;
	s9 =	simm.s32 $0x1  }
0xc: {  	[sflag:s5] =	ssyncpa.u1 $0x0;
	s6 =	simm.s32 $0x2;
	s9 =	simm.s32 @!p0 $0x0  }
0xd: {  	s11 =	smov.u32 s2;
	[sflag:s6] =	ssyncpa.u1 $0x0;
	s7 =	sadd.s32 s7, s9  }
0xe: {  	vm0 =	vmmov $0xffff;
	[sflag:s10] =	ssyncpa.u1 $0x0;
	s10 =	simm.s32 $0x0;
	s9 =	sadd.s32 $0x1, s7  }
.LBB2_4:
0xf: {  	v5 =	vshrl.u32 v1, $0xA;
	v6 =	vshll.u32 v1, $0x7  }
0x10: {  	vm1 =	veq.s32 v1, $0x80000000;
	v58 =	vand.u32 $0xF, v5;
	v59 =	vand.u32 $0x1FF80, v6  }
0x11: {  	v1 =	vsel vm1, $0xFFFFFFFF, v58;
	v5 =	vsel vm1, $0xFFFFFF80, v59  }
0x12: {  	v3 =	vor.u32 v4, v3;
	v60 =	vand.u32 $0xFFFFFC00, v5;
	v61 =	vand.u32 $0xFFFFFC00, v1  }
0x13: {  	v2 =	vor.u32 v2, v3;
	v63 =	vand.u32 $0x380, v5;
	v62 =	vadd.s32 v61, v60  }
0x14: {  	v1 =	vand.u32 $0x7F, v1;
	v3 =	vor.u32 v63, v62  }
0x15: {  	v1 =	vor.u32 v1, v3  }
0x16: {  	[tilespmem:s17], [sflag:$0x1] =	stream.indirect_vreg.gather [hbm4b:s3+s10], $0x1, v0, vm0, $0x4038;
	[tilespmem:$0x1C0] =	vst v63  }
0x17: {  	(ifvalue) =	ssetifvalue $0x7FFFFFFF  }
0x18: {  	[tilespmem:s15], [sflag:$0x1] =	stream.indirect_vreg.gather [hbm4b:s3+s10], $0x1, v2, vm0, $0x4038;
	[tilespmem:$0x1C0] =	vst v63  }
0x19: {  	s29 =	sadd.s32 $0x10, s15;
	(ifvalue) =	ssetifvalue $0x7FFFFFFF  }
0x1a: {  	[tilespmem:s29], [sflag:$0x1] =	stream.indirect_vreg.gather [hbm4b:s3+s10], $0x1, v1, vm0, $0x4038;
	[tilespmem:$0x1C0] =	vst v63  }
0x1b: {  	_ =	swait.ge [sflag:s5], $0x70  }
0x1c: {  	s30 =	sshrl.u32 s13, $0x3;
	[sflag:s5] =	ssyncset.done $0x0  }
0x1d: {  	s31 =	sand.u32 $0x7, s13;
	s15 =	sadd.s32 s8, s30;
	[sflag:s5] =	ssyncadd.s32 $0xFFFFFF90  }
0x1e: {  	[hbm4b:s15+s31] =	stream.linear.scatter [tilespmem:s14], [sflag:$0x3], $0x70, $0x38;
	[tilespmem:$0x1C0] =	vst v63  }
.LBB2_5:
0x1f: {  	s15 =	sadd.s32 $0xE00, s11  }
0x20: {  	p1 =	sgt.s32 s15, $0x1E9F  }
0x21: {  	s15 =	smov.u32 @p1 s2;
	p1 =	sne.s32 s12, s9  }
.Ltmp1:
0x22: {  	p0 =	slt.u32 s12, $0x2;
	(pc) =	sbr.rel @!p1 .LBB2_6-.Ltmp1, $4  }
0x23: {  	s14 =	simm.s32 @!p0 $0x3  }
0x24: {  	_ =	swait.ge @!p0 [sflag:s14], $0x70  }
0x25: {  	s16 =	sadd.s32 $0x1, s12;
	s13 =	smov.u32 s11;
	[sflag:s14] =	ssyncset.done @!p0 $0x0  }
0x26: {  	s12 =	smov.u32 s16;
	s11 =	smov.u32 s15;
	[sflag:s14] =	ssyncadd.s32 @!p0 $0xFFFFFF90  }
.LBB2_1:
0x27: {  	p0 =	sge.u32 s12, s7  }
0x28: {  	s14 =	sxor.u32 @!p0 $0xFFFFFFFF, s12  }
0x29: {  	s14 =	sand.u32 @!p0 $0x1, s14  }
0x2a: {  	s14 =	smul.u32 @!p0 $0x1C0, s14  }
0x2b: {  	s31 =	sadd.s32 $0xFFFFFFFF, s12;
	s15 =	sshrl.u32 @!p0 s11, $0x3  }
0x2c: {  	s16 =	sand.u32 @!p0 $0x7, s11;
	s15 =	sadd.s32 @!p0 s4, s15;
	s14 =	sshrl.u32 @!p0 s14, $0x2  }
0x2d: {  	[tilespmem:s14], [sflag:$0x2] =	stream.linear.gather @!p0 [hbm4b:s15+s16], $0x70, $0x38;
	[tilespmem:$0x1C0] =	vst v63  }
0x2e: {  	p0 =	sge.u32 s31, s7  }
.Ltmp2:
0x2f: {  	_ = 	snop;
	(pc) =	sbr.rel @p0 .LBB2_5-.Ltmp2, $1  }
0x30: {  	_ =	sdelay $0x3  }
0x31: {  	s14 =	sand.u32 $0x1, s12  }
0x32: {  	_ =	swait.ge [sflag:s6], $0x70;
	p0 =	seq.s32 s14, $0x1;
	s14 =	simm.s32 $0x70  }
0x33: {  	[sflag:s6] =	ssyncset.done $0x0;
	s14 =	simm.s32 @!p0 $0x0  }
0x34: {  	[sflag:s6] =	ssyncadd.s32 $0xFFFFFF90;
	(ifvalue) =	ssetifvalue $0x7FFFFFFF;
	v0 =	vld.msk [tilespmem:s14+$0x0 ss:$0x1], $0xffff;
	_ =	sdelay $0x4  }
0x35: {  	s15 =	sadd.s32 $0x10, s14;
	v2 =	vshrl.u32 v0, $0xA;
	v3 =	vshll.u32 v0, $0x7  }
0x36: {  	v1 =	vld.msk [tilespmem:s15+$0x0 ss:$0x1], $0xffff;
	vm1 =	veq.s32 v0, $0x80000000;
	v0 =	vand.u32 $0xF, v2;
	v2 =	vand.u32 $0x1FF80, v3  }
0x37: {  	v0 =	vsel vm1, $0xFFFFFFFF, v0;
	v2 =	vsel vm1, $0xFFFFFF80, v2  }
0x38: {  	v3 =	vand.u32 $0xFFFFFC00, v2;
	v4 =	vand.u32 $0xFFFFFC00, v0  }
0x39: {  	v2 =	vand.u32 $0x380, v2;
	v3 =	vadd.s32 v4, v3  }
0x3a: {  	v0 =	vand.u32 $0x7F, v0;
	v2 =	vor.u32 v2, v3  }
0x3b: {  	v5 =	vshll.u32 v1, $0x7;
	v4 =	vshrl.u32 v1, $0xA;
	v0 =	vor.u32 v0, v2  }
0x3c: {  	vm1 =	veq.s32 v1, $0x80000000;
	v1 =	vand.u32 $0xF, v4;
	v4 =	vand.u32 $0x1FF80, v5  }
0x3d: {  	s14 =	sadd.s32 $0xE0, s14;
	s15 =	sadd.s32 $0x10, s15;
	v3 =	vsel vm1, $0xFFFFFFFF, v1;
	v4 =	vsel vm1, $0xFFFFFF80, v4  }
0x3e: {  	s16 =	simm.s32 $0x20;
	s17 =	smov.u32 s14;
	v1 =	vld.msk [tilespmem:s15+$0x0 ss:$0x1], $0xffff;
	v5 =	vand.u32 $0xFFFFFC00, v4;
	v6 =	vand.u32 $0xFFFFFC00, v3  }
0x3f: {  	s18 =	sadd.s32 $0x10, s15;
	(ifvalue) =	ssetifvalue $0x7FFFFFFF;
	s15 =	sadd.s32 $0x10, s14;
	v2 =	vand.u32 $0x7F, v3;
	v4 =	vand.u32 $0x380, v4;
	v3 =	vadd.s32 v6, v5  }
.LBB2_3:
0x40: {  	[tilespmem:s17], [sflag:$0x1] =	stream.indirect_vreg.gather [hbm4b:s3+s10], $0x1, v0, vm0, $0x4038;
	[tilespmem:$0x1C0] =	vst v63  }
0x41: {  	s16 =	sadd.s32 $0x10, s16  }
0x42: {  	v3 =	vor.u32 v4, v3;
	p0 =	slt.u32 s16, $0x60  }
.Ltmp3:
0x43: {  	v4 =	vshrl.u32 v1, $0xA;
	v5 =	vshll.u32 v1, $0x7;
	s17 =	smov.u32 s15;
	v0 =	vor.u32 v2, v3;
	v2 =	vmovc v1;
	v1 =	vld.msk [tilespmem:s18+$0x0 ss:$0x1], $0xffff;
	(pc) =	sbr.rel @p0 .LBB2_3-.Ltmp3, $4  }
0x44: {  	v3 =	vand.u32 $0x1FF80, v5;
	vm1 =	veq.s32 v2, $0x80000000;
	v2 =	vand.u32 $0xF, v4  }
0x45: {  	v4 =	vsel vm1, $0xFFFFFFFF, v2;
	v5 =	vsel vm1, $0xFFFFFF80, v3  }
0x46: {  	v2 =	vand.u32 $0x7F, v4;
	v3 =	vand.u32 $0xFFFFFC00, v5;
	v4 =	vand.u32 $0xFFFFFC00, v4  }
0x47: {  	s15 =	sadd.s32 $0x10, s15;
	s18 =	sadd.s32 $0x10, s18;
	v3 =	vadd.s32 v4, v3;
	v4 =	vand.u32 $0x380, v5;
	(ifvalue) =	ssetifvalue $0x7FFFFFFF  }
.Ltmp4:
0x48: {  	_ = 	snop;
	(pc) =	sbr.rel .LBB2_4-.Ltmp4, $1  }
0x49: {  	_ =	sdelay $0x3  }
.LBB2_6:
0x4a: {  	_ =	sfence.sel $0x180000  }
0x4b: {  	s2 =	simm.s32 $0x2;
	[bflag:$0x0] =	sbarrier.arrive $0xFFFF  }
0x4c: {  	s30 =	simm.s32 $0x3;
	[sflag:s2] =	ssyncpa.u1 $0x1  }
0x4d: {  	s31 =	simm.s32 $0x1;
	[sflag:s30] =	ssyncpa.u1 $0x1  }
0x4e: {  	[sflag:s31] =	ssyncpa.u1 $0x1  }
0x4f: {  	p0 =	sne.s32 s0, $0x0;
	_ =	strace $0x9000004A  }
0x50: {  	s0 =	sadd.s32 @!p0 $0x100000, s1;
	[bflag:$0x2] =	sbarrier.arrive $0xFFFF  }
0x51: {  	[sflag:s0] =	ssyncadd.tile.s32 @!p0 $0x1;
	_ =	shalt  }
.Lfunc_end2:
_tile_overlayer_lowered:
.L_overlay_start_2:
0x52: {  	(tag) =	ssettag $0x2  }
0x53: {  	s0 =	rddreg [dreg:$0x0];
	s2 =	stileid.u32  }
0x54: {  	s1 =	rddreg [dreg:$0x1];
	p0 =	sne.s32 s2, $0x0  }
0x55: {  	s3 =	rddreg [dreg:$0x2];
	[bflag:$0x3] =	sbarrier.arrive $0xFFFF;
	s2 =	simm.s32 @!p0 $0x1C01  }
0x56: {  	[timem:s3], [sflag:s2] =	dma.local @!p0 [hbm:s0], s1  }
0x57: {  	s0 =	simm.s32 @!p0 $0x1  }
0x58: {  	_ =	swait.ge @!p0 [sflag:s0], s1  }
0x59: {  	s1 =	ssub.s32 @!p0 $0x0, s1;
	[sflag:s0] =	ssyncset.done @!p0 $0x0  }
0x5a: {  	[sflag:s0] =	ssyncadd.s32 @!p0 s1  }
0x5b: {  	[bflag:$0x3] =	sbarrier.arrive $0xFFFF  }
0x5c: {  	_ =	shalt  }

// kernel: kernel.8.cloned.1.call-start
scs
__scs_entry_jumppad:
0x0: {  	(pc) =	sbr.rel $0x88, $3  }
0x1: {  	(tag) =	ssettag $0x0;
	lr =	simm.s32 $0x1  }
0x2: {  	[smem:$0x3F9F] =	sst lr;
	_ =	strace $0xD0000000  }
0x3: {  	_ = 	snop  }
0x4: {  	_ = 	snop  }
0x5: {  	_ = 	snop  }
0x6: {  	_ = 	snop  }
0x7: {  	_ = 	snop  }
__scs_overlays_trampoline_lowered:
0x8: {  	[smem:$0x3FAE] =	sst s0  }
0x9: {  	[smem:$0x3FAF] =	sst s1  }
0xa: {  	[smem:$0x3FB0] =	sst s2  }
0xb: {  	[smem:$0x3FB1] =	sst s3  }
0xc: {  	[smem:$0x3FB2] =	sst s4  }
0xd: {  	[smem:$0x3FB3] =	sst s5  }
0xe: {  	[smem:$0x3FB4] =	sst s6  }
0xf: {  	[smem:$0x3FB5] =	sst s7  }
0x10: {  	[smem:$0x3FB6] =	sst s8  }
0x11: {  	[smem:$0x3FB7] =	sst s9;
	s0 =	simm.s32 @!p0 $0x0  }
0x12: {  	s1 =	sld [smem:$0x3F9D];
	s0 =	simm.s32 @p0 $0x1  }
0x13: {  	[smem:$0x3FB8] =	sst s0;
	s0 =	simm.s32 @!p1 $0x0  }
0x14: {  	s2 =	sld [smem:$0x3F9C];
	s0 =	simm.s32 @p1 $0x1  }
0x15: {  	[smem:$0x3FB9] =	sst s0;
	s0 =	simm.s32 @!p2 $0x0  }
0x16: {  	s3 =	sld [smem:$0x3FDB];
	s0 =	simm.s32 @p2 $0x1  }
0x17: {  	s4 =	simm.s32 $0x1BF5;
	[smem:$0x3FBB] =	sst s0  }
0x18: {  	s0 =	sld [smem:$0x3F9E];
	_ =	swait.ge [sflag:s4], $0x0  }
0x19: {  	s7 =	sld [smem:$0x3F9F]  }
0x1a: {  	s8 =	sadd.s32 $0xFFFFE003, lr  }
0x1b: {  	s9 =	sadd.s32 $0xFFFFFEF7, lr;
	s5 =	simm.s32 $0xFFFFFFFF;
	p2 =	slt.u32 s8, $0xFFFFF086  }
0x1c: {  	p1 =	slt.u32 s9, $0xF7A;
	s5 =	simm.s32 @!p2 $0x0  }
0x1d: {  	s5 =	simm.s32 @p1 $0x1;
	p0 =	seq.s32 s7, s2  }
0x1e: {  	s7 =	smul.u32 @!p0 $0xF7A, s2;
	p2 =	seq.s32 @!p0 s5, $0x0  }
0x1f: {  	s9 =	smul.u32 $0xF7A, s1;
	s8 =	simm.s32 @!p0 $0x1BF5;
	p2 =	por !p2, p0  }
0x20: {  	[sflag:s8] =	ssyncset.s32 @!p0 $0xFFFFF086;
	s6 =	sadd.s32 @!p0 s3, s7;
	s7 =	simm.s32 @!p0 $0x108  }
0x21: {  	s3 =	sadd.s32 s3, s9;
	s6 =	sadd.s32 @!p0 $0x88, s6;
	s7 =	simm.s32 @p2 $0x1082  }
0x22: {  	[simem:s7], [sflag:s8] =	dma.local @!p0 [hbm:s6], $0xF7A  }
0x23: {  	s9 =	sor.u32 $0xD0000000, s2;
	s6 =	simm.s32 $0x108;
	_ =	swait.ge @!p0 [sflag:s8], $0x0  }
0x24: {  	s3 =	sadd.s32 $0x88, s3;
	s6 =	simm.s32 @!p1 $0x1082;
	[sflag:s4] =	ssyncset.s32 $0xFFFFF086  }
0x25: {  	[simem:s6], [sflag:s4] =	dma.local [hbm:s3], $0xF7A  }
0x26: {  	[smem:$0x3F9F] =	sst s1;
	(tag) =	ssettag s2;
	_ =	strace s9  }
0x27: {  	s1 =	sld [smem:$0x3FAF]  }
0x28: {  	s2 =	sld [smem:$0x3FB0]  }
0x29: {  	s4 =	sld [smem:$0x3FB2]  }
0x2a: {  	p0 =	seq.s32 s5, $0x0;
	s5 =	sld [smem:$0x3FB3]  }
0x2b: {  	s6 =	sld [smem:$0x3FB4]  }
0x2c: {  	s7 =	sld [smem:$0x3FB5]  }
0x2d: {  	s3 =	simm.s32 $0x108;
	s8 =	sld [smem:$0x3FB6]  }
0x2e: {  	s3 =	simm.s32 @!p0 $0x1082;
	s9 =	sld [smem:$0x3FB7]  }
0x2f: {  	lr =	sadd.s32 s0, s3;
	s0 =	sld [smem:$0x3FAE]  }
0x30: {  	s3 =	sld [smem:$0x3FB1]  }
0x31: {  	[smem:$0x3FBA] =	sst s10  }
0x32: {  	s10 =	sld [smem:$0x3FB8];
	_ =	sdelay $0x3  }
0x33: {  	p0 =	seq.s32 s10, $0x1;
	s10 =	sld [smem:$0x3FBA];
	_ =	sdelay $0x3  }
0x34: {  	[smem:$0x3FBA] =	sst s10  }
0x35: {  	s10 =	sld [smem:$0x3FB9];
	_ =	sdelay $0x3  }
0x36: {  	p1 =	seq.s32 s10, $0x1;
	s10 =	sld [smem:$0x3FBA];
	_ =	sdelay $0x3  }
0x37: {  	[smem:$0x3FBA] =	sst s10  }
0x38: {  	s10 =	sld [smem:$0x3FBB]  }
0x39: {  	_ = 	snop;
	(pc) =	sbr.ind lr, $3  }
0x3a: {  	_ = 	snop  }
0x3b: {  	_ = 	snop  }
0x3c: {  	p2 =	seq.s32 s10, $0x1;
	s10 =	sld [smem:$0x3FBA]  }
0x3d: {  	_ =	shalt  }
0x3e: {  	_ =	shalt  }
0x3f: {  	_ =	shalt  }
0x40: {  	_ =	shalt  }
0x41: {  	_ =	shalt  }
0x42: {  	_ =	shalt  }
0x43: {  	_ =	shalt  }
0x44: {  	_ =	shalt  }
0x45: {  	_ =	shalt  }
0x46: {  	_ =	shalt  }
0x47: {  	_ =	shalt  }
0x48: {  	_ =	shalt  }
0x49: {  	_ =	shalt  }
0x4a: {  	_ =	shalt  }
0x4b: {  	_ =	shalt  }
0x4c: {  	_ =	shalt  }
0x4d: {  	_ =	shalt  }
0x4e: {  	_ =	shalt  }
0x4f: {  	_ =	shalt  }
0x50: {  	_ =	shalt  }
0x51: {  	_ =	shalt  }
0x52: {  	_ =	shalt  }
0x53: {  	_ =	shalt  }
0x54: {  	_ =	shalt  }
0x55: {  	_ =	shalt  }
0x56: {  	_ =	shalt  }
0x57: {  	_ =	shalt  }
0x58: {  	_ =	shalt  }
0x59: {  	_ =	shalt  }
0x5a: {  	_ =	shalt  }
0x5b: {  	_ =	shalt  }
0x5c: {  	_ =	shalt  }
0x5d: {  	_ =	shalt  }
0x5e: {  	_ =	shalt  }
0x5f: {  	_ =	shalt  }
0x60: {  	_ =	shalt  }
0x61: {  	_ =	shalt  }
0x62: {  	_ =	shalt  }
0x63: {  	_ =	shalt  }
0x64: {  	_ =	shalt  }
0x65: {  	_ =	shalt  }
0x66: {  	_ =	shalt  }
0x67: {  	_ =	shalt  }
0x68: {  	_ =	shalt  }
0x69: {  	_ =	shalt  }
0x6a: {  	_ =	shalt  }
0x6b: {  	_ =	shalt  }
0x6c: {  	_ =	shalt  }
0x6d: {  	_ =	shalt  }
0x6e: {  	_ =	shalt  }
0x6f: {  	_ =	shalt  }
0x70: {  	_ =	shalt  }
0x71: {  	_ =	shalt  }
0x72: {  	_ =	shalt  }
0x73: {  	_ =	shalt  }
0x74: {  	_ =	shalt  }
0x75: {  	_ =	shalt  }
0x76: {  	_ =	shalt  }
0x77: {  	_ =	shalt  }
0x78: {  	_ =	shalt  }
0x79: {  	_ =	shalt  }
0x7a: {  	_ =	shalt  }
0x7b: {  	_ =	shalt  }
0x7c: {  	_ =	shalt  }
0x7d: {  	_ =	shalt  }
0x7e: {  	_ =	shalt  }
0x7f: {  	_ =	shalt  }
0x80: {  	_ =	shalt  }
0x81: {  	_ =	shalt  }
0x82: {  	_ =	shalt  }
0x83: {  	_ =	shalt  }
0x84: {  	_ =	shalt  }
0x85: {  	_ =	shalt  }
0x86: {  	_ =	shalt  }
0x87: {  	_ =	shalt  }
.Lfunc_end0:
.L_simem_size_0:
called_computation.4_lowered:
.L_overlay_start_0:
0x88: {  	s2 =	sld [smem:$0x3FD9]  }
0x89: {  	s3 =	sld [smem:$0x3FFE];
	_ =	sdelay $0x1  }
0x8a: {  	s1 =	srdreg.scid  }
0x8b: {  	s0 =	sand.u32 $0x1, s1  }
0x8c: {  	s14 =	sshll.u32 s0, $0xA;
	s2 =	sadd.s32 s3, s2  }
0x8d: {  	s2 =	sadd.s32 s2, s14  }
0x8e: {  	[smem:$0x3FC6] =	sst s2  }
0x8f: {  	_ = 	snop  }
0x90: {  	s2 =	sld [smem:$0x3FD0];
	_ =	sdelay $0x2  }
0x91: {  	s4 =	simm.s32 $0xA;
	s5 =	simm.s32 $0x10;
	s15 =	sld [smem:$0x3FC8]  }
0x92: {  	[smem:s5], [sflag:s4] =	dma.local [hbm:s2], $0x1  }
0x93: {  	_ =	swait.eq [sflag:s4], $0x1  }
0x94: {  	[sflag:s4] =	ssyncset.done $0x0  }
0x95: {  	[sflag:s4] =	ssyncadd.s32 $0xFFFFFFFF  }
0x96: {  	s16 =	sld [smem:$0x11];
	(tm) =	ssettm $0x1  }
0x97: {  	s17 =	sld [smem:$0x3FFB];
	_ =	sdelay $0x3  }
0x98: {  	_ =	strace s17  }
0x99: {  	s4 =	sld [smem:$0x3FFC];
	_ =	sdelay $0x3  }
0x9a: {  	_ =	strace s4  }
0x9b: {  	s4 =	sld [smem:$0x3FFD];
	_ =	sdelay $0x3  }
0x9c: {  	_ =	strace s4  }
0x9d: {  	_ =	strace $0x8FFFFFFF  }
0x9e: {  	s18 =	sld [smem:$0x3FDB];
	_ =	sdelay $0x1  }
0x9f: {  	s19 =	simm.s32 $_scs_section_size  }
0xa0: {  	s6 =	simm.s32 $_size__tile_overlayer_lowered;
	s7 =	simm.s32 $_tile_overlayer_lowered  }
0xa1: {  	s22 =	simm.s32 $0x1BFF;
	s21 =	sshll.u32 s7, $0x1;
	s4 =	sadd.s32 s19, s18  }
0xa2: {  	s8 =	simm.s32 $0x0;
	s20 =	sshll.u32 s6, $0x1;
	s6 =	sadd.s32 s21, s4  }
0xa3: {  	[timem:s8], [sflag:s22] =	dma.local [hbm:s6], s20  }
0xa4: {  	_ =	swait.ge [sflag:s22], s20  }
0xa5: {  	s5 =	ssub.s32 $0x0, s20;
	[sflag:s22] =	ssyncset.done $0x0  }
0xa6: {  	[sflag:s22] =	ssyncadd.s32 s5;
	_ =	sdelay $0x1  }
0xa7: {  	s23 =	simm.s32 $0x1B8B  }
0xa8: {  	_ =	swait.ge [sflag:s23], $0x1  }
0xa9: {  	[sflag:s23] =	ssyncset.done $0x0  }
0xaa: {  	s25 =	simm.s32 $0x1B8E;
	s24 =	sld [smem:$0x3FFE];
	[sflag:s23] =	ssyncadd.s32 $0xFFFFFFFF  }
0xab: {  	s26 =	simm.s32 $execute0_lowered;
	[smem:$0x3FD2] =	sst s25  }
0xac: {  	s6 =	sshll.u32 s26, $0x1;
	_ =	strace $0x80000046;
	[dreg:$0x1] =	wrdreg $0xFFFFFFFF  }
0xad: {  	s28 =	simm.s32 $_size_execute0_lowered;
	s4 =	sadd.s32 s4, s6;
	[dreg:$0x0] =	wrdreg $0x0  }
0xae: {  	s6 =	sshll.u32 s28, $0x1;
	[dreg:$0x2] =	wrdreg s4  }
0xaf: {  	[dreg:$0x3] =	wrdreg s6  }
0xb0: {  	[dreg:$0x4] =	wrdreg $0xC0  }
0xb1: {  	_ =	task [dreg:s8], $0x5FFFF  }
0xb2: {  	[dreg:$0x1] =	wrdreg $0xFFFFFFFF  }
0xb3: {  	[dreg:$0x0] =	wrdreg $0x60  }
0xb4: {  	[dreg:$0x2] =	wrdreg s15  }
0xb5: {  	[dreg:$0x3] =	wrdreg s16  }
0xb6: {  	[dreg:$0x4] =	wrdreg s24  }
0xb7: {  	[dreg:$0x5] =	wrdreg $0x9  }
0xb8: {  	_ =	task.clear_ibuf [dreg:s8], $0x6FFFF;
	_ =	strace $0x90000046  }
0xb9: {  	s29 =	simm.s32 $0x9;
	_ =	strace $0x80000048  }
0xba: {  	_ =	swait.ge [sflag:s29], $0x1  }
0xbb: {  	[sflag:s29] =	ssyncadd.s32 $0xFFFFFFFF  }
0xbc: {  	_ =	strace $0x90000048  }
0xbd: {  	_ =	sfence  }
0xbe: {  	s30 =	sld [smem:$0x0];
	_ =	sdelay $0x2  }
0xbf: {  	s31 =	sshll.u32 s1, $0xD;
	s1 =	sshrl.u32 s1, $0x2  }
0xc0: {  	s3 =	sand.u32 $0x4000, s31;
	s1 =	sadd.s32 s1, s30  }
0xc1: {  	s0 =	sor.u32 s3, s0;
	s1 =	sshll.u32 s1, $0x11  }
0xc2: {  	s0 =	sor.u32 s1, s0  }
0xc3: {  	s0 =	sadd.s32 $0x8F2B, s0  }
0xc4: {  	[sflag:s0] =	ssyncadd.remote.s32 $0x1  }
0xc5: {  	_ =	sfence.sel $0xFFFF  }
0xc6: {  	[dreg:$0x0] =	wrdreg $0xFFFFFFFF;
	(pc) =	sbr.abs _section_cstart, $3  }
0xc7: {  	[dreg:$0x1] =	wrdreg $0xFFFFFFFF  }
0xc8: {  	_ =	task.clear_ibuf [dreg:s8], $0x2FFFF;
	_ =	strace $0x9FFFFFFF  }
0xc9: {  	(tm) =	ssettm $0x7FFFFFFF  }
tec
execute0_lowered:
.L_overlay_start_1:
0x0: {  	(tag) =	ssettag $0x1  }
0x1: {  	s1 =	rddreg [dreg:$0x0]  }
0x2: {  	s2 =	srdreg.scid;
	s0 =	stileid.u32  }
0x3: {  	s4 =	rddreg [dreg:$0x1];
	s6 =	sand.u32 $0x1, s2;
	s30 =	sshll.u32 s0, $0x1  }
0x4: {  	s9 =	rddreg [dreg:$0x2];
	s3 =	simm.s32 $0x0;
	s7 =	sor.u32 s6, s30  }
0x5: {  	s8 =	simm.s32 $0x1;
	[smem:$0x7FF] =	sst s3;
	s5 =	smul.u32 $0x1F, s7  }
0x6: {  	s2 =	rddreg [dreg:$0x3];
	_ =	strace $0x80000047;
	s11 =	ssub.s32 $0x2, s6  }
0x7: {  	s6 =	simm.s32 $0xF8;
	s5 =	sadd.s32 s4, s5;
	s4 =	simm.s32 $0x2  }
0x8: {  	[tilespmem:s3], [sflag:$0x2] =	stream.linear.gather [hbm4b:s5+s3], $0xF8, $0x38;
	[tilespmem:$0x7D00] =	vst v63  }
0x9: {  	s10 =	smul.u32 $0xF80, s7;
	s12 =	sshrl.u32 s11, $0x1;
	_ =	swait.ge [sflag:s4], $0xF8  }
0xa: {  	s7 =	simm.s32 $0x100;
	s31 =	ssub.s32 s11, s12;
	[sflag:s4] =	ssyncset.done $0x0  }
0xb: {  	s9 =	sadd.s32 s10, s9;
	s10 =	smax.u32 s31, $0x1;
	[sflag:s4] =	ssyncadd.s32 $0xFFFFFF08  }
0xc: {  	[tilespmem:s7], [sflag:$0x1] =	stream.indirect.gather [hbm4b:s1+s6], $0x80, s3, s6, $0xb8;
	[tilespmem:$0x7D00] =	vst v63  }
0xd: {  	p0 =	sne.s32 s10, $0x1;
	_ =	swait.ge [sflag:s8], $0x7C00  }
.Ltmp0:
0xe: {  	[sflag:s8] =	ssyncset.done $0x0;
	(pc) =	sbr.rel @!p0 .LBB2_2-.Ltmp0, $4  }
0xf: {  	s9 =	sadd.s32 $0x6A00, s9;
	[sflag:s8] =	ssyncadd.s32 $0xFFFF8400  }
0x10: {  	[hbm4b:s9+s3] =	stream.linear.scatter [tilespmem:s7], [sflag:$0x2], $0x7C00, $0x38;
	[tilespmem:$0x7D00] =	vst v63  }
0x11: {  	_ =	swait.ge [sflag:s4], $0x7C00  }
0x12: {  	s10 =	sadd.s32 $0xFFFFFFFF, s10;
	[sflag:s4] =	ssyncset.done $0x0  }
.LBB2_1:
0x13: {  	p0 =	sne.s32 s10, $0x1;
	s10 =	sadd.s32 $0xFFFFFFFF, s10;
	[sflag:s4] =	ssyncadd.s32 $0xFFFF8400  }
0x14: {  	[tilespmem:s3], [sflag:$0x2] =	stream.linear.gather [hbm4b:s5+s3], $0xF8, $0x38;
	[tilespmem:$0x7D00] =	vst v63  }
0x15: {  	_ =	swait.ge [sflag:s4], $0xF8  }
0x16: {  	[sflag:s4] =	ssyncset.done $0x0  }
0x17: {  	[sflag:s4] =	ssyncadd.s32 $0xFFFFFF08  }
0x18: {  	[tilespmem:s7], [sflag:$0x1] =	stream.indirect.gather [hbm4b:s1+s6], $0x80, s3, s6, $0xb8;
	[tilespmem:$0x7D00] =	vst v63  }
0x19: {  	_ =	swait.ge [sflag:s8], $0x7C00  }
.Ltmp1:
0x1a: {  	[sflag:s8] =	ssyncset.done $0x0;
	(pc) =	sbr.rel @p0 .LBB2_1-.Ltmp1, $4  }
0x1b: {  	[sflag:s8] =	ssyncadd.s32 $0xFFFF8400  }
0x1c: {  	[hbm4b:s9+s3] =	stream.linear.scatter [tilespmem:s7], [sflag:$0x2], $0x7C00, $0x38;
	[tilespmem:$0x7D00] =	vst v63  }
0x1d: {  	_ =	swait.ge [sflag:s4], $0x7C00  }
0x1e: {  	[sflag:s4] =	ssyncset.done $0x0  }
.LBB2_2:
0x1f: {  	[sflag:s4] =	ssyncadd.s32 $0xFFFF8400  }
0x20: {  	_ =	sfence.sel $0x180000  }
0x21: {  	[bflag:$0x0] =	sbarrier.arrive $0xFFFF  }
0x22: {  	p0 =	sne.s32 s0, $0x0;
	_ =	strace $0x90000047  }
0x23: {  	s0 =	sadd.s32 @!p0 $0x100000, s2;
	[bflag:$0x2] =	sbarrier.arrive $0xFFFF  }
0x24: {  	[sflag:s0] =	ssyncadd.tile.s32 @!p0 $0x1;
	_ =	shalt  }
.Lfunc_end2:
_tile_overlayer_lowered:
.L_overlay_start_2:
0x25: {  	(tag) =	ssettag $0x2  }
0x26: {  	s0 =	rddreg [dreg:$0x0];
	s2 =	stileid.u32  }
0x27: {  	s1 =	rddreg [dreg:$0x1];
	p0 =	sne.s32 s2, $0x0  }
0x28: {  	s3 =	rddreg [dreg:$0x2];
	[bflag:$0x3] =	sbarrier.arrive $0xFFFF;
	s2 =	simm.s32 @!p0 $0x1C02  }
0x29: {  	[timem:s3], [sflag:s2] =	dma.local @!p0 [hbm:s0], s1  }
0x2a: {  	s0 =	simm.s32 @!p0 $0x2  }
0x2b: {  	_ =	swait.ge @!p0 [sflag:s0], s1  }
0x2c: {  	s1 =	ssub.s32 @!p0 $0x0, s1;
	[sflag:s0] =	ssyncset.done @!p0 $0x0  }
0x2d: {  	[sflag:s0] =	ssyncadd.s32 @!p0 s1  }
0x2e: {  	[bflag:$0x3] =	sbarrier.arrive $0xFFFF  }
0x2f: {  	_ =	shalt  }

</sc_bundles>
